<compile_context>
chip_gen: v7x
topology: tpu7x:2x2x1
jax: 0.10.2.dev20260603
libtpu: 0.0.44.dev20260713+nightly
codegen_flags: <defaults>
</compile_context>

<pallas_src>
import functools

import jax
import jax.numpy as jnp
from jax import lax
from jax.experimental import pallas as pl
from jax.experimental.pallas import tpu as pltpu
from jax.experimental.pallas import tpu_sc as plsc

N = 10000
E = 320000
D = 128
H = 128
C = 40
CP = 48

NC = 2
NS = 16
L = 16
NW = NC * NS
EPW = E // NW
RPT = N // NS
DGR = 80

_mesh = plsc.VectorSubcoreMesh(core_axis_name="c", subcore_axis_name="s")


def _seg_sum_body(width, chunk, nb, with_deg, x_hbm, ei_hbm, *rest):
    nchunk = EPW // chunk
    if with_deg:
        out_hbm, deg_hbm = rest[:2]
        rest = rest[2:]
    else:
        out_hbm = rest[0]
        deg_hbm = None
        rest = rest[1:]
    src_f, dstc_v = rest[:2]
    rows = list(rest[2:2 + nb])
    gsems = list(rest[2 + nb:2 + 2 * nb])
    isems = list(rest[2 + 2 * nb:2 + 3 * nb])
    rest = rest[2 + 3 * nb:]
    if with_deg:
        deg_v, degidx_v, acc_sh, deg_sh = rest[:4]
    else:
        deg_v = degidx_v = deg_sh = None
        acc_sh = rest[0]

    cid = lax.axis_index("c")
    sid = lax.axis_index("s")
    wid = sid * NC + cid
    ebase = wid * EPW

    zeros = jnp.zeros((L,), jnp.float32)
    ones = jnp.ones((L,), jnp.float32)

    pltpu.sync_copy(ei_hbm.at[0, pl.ds(ebase, EPW)], src_f)

    def zero_rows(i, _):
        r = i // (width // L)
        c = i % (width // L)
        rows[0][r, pl.ds(c * L, L)] = zeros
        return 0

    lax.fori_loop(0, chunk * (width // L), zero_rows, 0)
    for j in range(RPT // chunk):
        pltpu.sync_copy(rows[0], acc_sh.at[pl.ds(sid * RPT + j * chunk, chunk)])
    rem = RPT % chunk
    if rem:
        pltpu.sync_copy(rows[0].at[pl.ds(0, rem)],
                        acc_sh.at[pl.ds(sid * RPT + (RPT // chunk) * chunk, rem)])

    if with_deg:
        def zero_deg(i, _):
            r = i // (D // L)
            c = i % (D // L)
            deg_v[r, pl.ds(c * L, L)] = zeros
            return 0

        lax.fori_loop(0, DGR * (D // L), zero_deg, 0)
        riota = lax.iota(jnp.int32, L)
        for j in range(DGR // L):
            degidx_v[pl.ds(j * L, L)] = riota + (j * L)

        @pl.when(sid == 0)
        def _():
            nz = min(chunk, DGR)
            pltpu.sync_copy(rows[0].at[pl.ds(0, nz)], deg_sh.at[pl.ds(0, nz)])
            if DGR > nz:
                pltpu.sync_copy(rows[0].at[pl.ds(0, DGR - nz)],
                                deg_sh.at[pl.ds(nz, DGR - nz)])

    plsc.subcore_barrier()

    def fire(g, b):
        pltpu.async_copy(ei_hbm.at[1, pl.ds(ebase + g * chunk, chunk)],
                         dstc_v.at[b], isems[b])
        pltpu.async_copy(x_hbm.at[src_f.at[pl.ds(g * chunk, chunk)]],
                         rows[b], gsems[b])

    def drain(g, b):
        pltpu.make_async_copy(ei_hbm.at[1, pl.ds(ebase + g * chunk, chunk)],
                              dstc_v.at[b], isems[b]).wait()
        if with_deg:
            for k in range(chunk // L):
                dv = dstc_v[b, pl.ds(k * L, L)]
                plsc.addupdate_scatter(deg_v, [dv >> 7, dv & 127], ones)
        pltpu.make_async_copy(x_hbm.at[src_f.at[pl.ds(g * chunk, chunk)]],
                              rows[b], gsems[b]).wait()
        pltpu.sync_copy(rows[b], acc_sh.at[dstc_v.at[b]], add=True)

    for b in range(nb):
        fire(b, b)

    nouter = nchunk // nb

    def outer(o, _):
        for b in range(nb):
            g = o * nb + b
            drain(g, b)
            fire(g + nb, b)
        return 0

    lax.fori_loop(0, nouter - 1, outer, 0)
    for b in range(nb):
        drain((nouter - 1) * nb + b, b)
    for t in range(nchunk - nouter * nb):
        g = nouter * nb + t
        fire(g, 0)
        drain(g, 0)

    if with_deg:
        pltpu.sync_copy(deg_v, deg_sh.at[degidx_v], add=True)

    plsc.subcore_barrier()
    pltpu.sync_copy(acc_sh.at[pl.ds(sid * RPT, RPT)],
                    out_hbm.at[cid, pl.ds(sid * RPT, RPT)])
    if with_deg:
        @pl.when(sid == 0)
        def _():
            pltpu.sync_copy(deg_sh, deg_hbm.at[cid])


def _seg_sum_call(x, ei, width, chunk, nb, with_deg):
    out_type = [jax.ShapeDtypeStruct((NC, N, width), jnp.float32)]
    if with_deg:
        out_type.append(jax.ShapeDtypeStruct((NC, DGR, D), jnp.float32))
    scratch = [
        pltpu.VMEM((EPW,), jnp.int32),
        pltpu.VMEM((nb, chunk), jnp.int32),
    ]
    scratch += [pltpu.VMEM((chunk, width), jnp.float32) for _ in range(nb)]
    scratch += [pltpu.SemaphoreType.DMA for _ in range(2 * nb)]
    if with_deg:
        scratch.append(pltpu.VMEM((DGR, D), jnp.float32))
        scratch.append(pltpu.VMEM((DGR,), jnp.int32))
    scratch.append(pltpu.VMEM_SHARED((N, width), jnp.float32))
    if with_deg:
        scratch.append(pltpu.VMEM_SHARED((DGR, D), jnp.float32))
    fn = pl.kernel(
        functools.partial(_seg_sum_body, width, chunk, nb, with_deg),
        out_type=out_type,
        mesh=_mesh,
        scratch_types=scratch,
        compiler_params=pltpu.CompilerParams(needs_layout_passes=False,
                                             use_tc_tiling_on_sc=False),
    )
    return fn(x, ei)


def _layer1_tc(x, aggx, degt, W_self1, W_neigh1, b1, Wn2p, Ws2p):
    R = 2000

    def body(x_b, aggx_b, degt_b, ws1, wn1, b1_b, wn2, ws2, y2_b, hs2_b, inv_b):
        deg = degt_b[:, 0] + degt_b[:, 1]
        inv = 1.0 / jnp.clip(deg, 1.0, None)
        mean = (aggx_b[0] + aggx_b[1]) * inv[:, None]
        xb = x_b[...].astype(jnp.bfloat16)
        h1 = jnp.dot(xb, ws1[...], preferred_element_type=jnp.float32)
        h1 += jnp.dot(mean.astype(jnp.bfloat16), wn1[...],
                      preferred_element_type=jnp.float32)
        h1 = jnp.maximum(h1 + b1_b[...], 0.0).astype(jnp.bfloat16)
        y2_b[...] = jnp.dot(h1, wn2[...], preferred_element_type=jnp.float32)
        hs2_b[...] = jnp.dot(h1, ws2[...], preferred_element_type=jnp.float32)
        inv_b[...] = jnp.broadcast_to(inv[:, None], (R, 8))

    grid = (N // R,)
    return pl.pallas_call(
        body,
        grid=grid,
        in_specs=[
            pl.BlockSpec((R, D), lambda i: (i, 0)),
            pl.BlockSpec((NC, R, D), lambda i: (0, i, 0)),
            pl.BlockSpec((R, 2), lambda i: (i, 0)),
            pl.BlockSpec((D, H), lambda i: (0, 0)),
            pl.BlockSpec((D, H), lambda i: (0, 0)),
            pl.BlockSpec((1, H), lambda i: (0, 0)),
            pl.BlockSpec((H, CP), lambda i: (0, 0)),
            pl.BlockSpec((H, CP), lambda i: (0, 0)),
        ],
        out_specs=[
            pl.BlockSpec((R, CP), lambda i: (i, 0)),
            pl.BlockSpec((R, CP), lambda i: (i, 0)),
            pl.BlockSpec((R, 8), lambda i: (i, 0)),
        ],
        out_shape=[
            jax.ShapeDtypeStruct((N, CP), jnp.float32),
            jax.ShapeDtypeStruct((N, CP), jnp.float32),
            jax.ShapeDtypeStruct((N, 8), jnp.float32),
        ],
    )(x, aggx, degt, W_self1, W_neigh1, b1, Wn2p, Ws2p)


def _layer2_tc(hs2, agg2, invd, b2p):
    R = 2000

    def body(hs2_b, agg2_b, inv_b, b2_b, out_b):
        inv = inv_b[:, 0]
        full = hs2_b[...] + (agg2_b[0] + agg2_b[1]) * inv[:, None] + b2_b[...]
        out_b[...] = full[:, :C]

    grid = (N // R,)
    return pl.pallas_call(
        body,
        grid=grid,
        in_specs=[
            pl.BlockSpec((R, CP), lambda i: (i, 0)),
            pl.BlockSpec((NC, R, CP), lambda i: (0, i, 0)),
            pl.BlockSpec((R, 8), lambda i: (i, 0)),
            pl.BlockSpec((1, CP), lambda i: (0, 0)),
        ],
        out_specs=pl.BlockSpec((R, C), lambda i: (i, 0)),
        out_shape=jax.ShapeDtypeStruct((N, C), jnp.float32),
    )(hs2, agg2, invd, b2p)


def kernel(x, edge_index, W_self1, W_neigh1, b1, W_self2, W_neigh2, b2):
    Wn2p = jnp.pad(W_neigh2, ((0, 0), (0, CP - C))).astype(jnp.bfloat16)
    Ws2p = jnp.pad(W_self2, ((0, 0), (0, CP - C))).astype(jnp.bfloat16)
    Ws1h = W_self1.astype(jnp.bfloat16)
    Wn1h = W_neigh1.astype(jnp.bfloat16)
    b1r = b1.reshape(1, H)
    b2p = jnp.pad(b2, (0, CP - C)).reshape(1, CP)

    aggx, degp = _seg_sum_call(x, edge_index, D, 80, 2, True)
    degt = degp.reshape(NC, DGR * D)[:, :N].T
    y2p, hs2, invd = _layer1_tc(x, aggx, degt, Ws1h, Wn1h, b1r, Wn2p, Ws2p)
    agg2, = _seg_sum_call(y2p, edge_index, CP, 80, 4, False)
    return _layer2_tc(hs2, agg2, invd, b2p)

# --- scband reference (transcript-rebuilt; emitter-appended) ---
"""Pipeline reference for scband-model-7962869367673 (READ-ONLY COPY).

The authoritative reference and input builder live on the scoring server;
editing this copy changes nothing except your own understanding.
"""

import jax, jax.numpy as jnp
import numpy as np

N = 10000
E = 320000
D = 128
H = 128
C = 40


def setup_inputs(seed: int = 0) -> dict:
    key = jax.random.key(seed)
    ks = jax.random.split(key, 9)
    x = jax.random.normal(ks[0], (N, D), dtype=jnp.float32)
    edge_index = jax.random.randint(ks[1], (2, E), 0, N, dtype=jnp.int32)
    # Layer 1 (SAGEConv mean: fc_self + fc_neigh), DGL-style params
    W_self1 = jax.random.normal(ks[2], (D, H), dtype=jnp.float32) * (1.0 / np.sqrt(D))
    W_neigh1 = jax.random.normal(ks[3], (D, H), dtype=jnp.float32) * (1.0 / np.sqrt(D))
    b1 = jnp.zeros((H,), dtype=jnp.float32)
    # Layer 2
    W_self2 = jax.random.normal(ks[4], (H, C), dtype=jnp.float32) * (1.0 / np.sqrt(H))
    W_neigh2 = jax.random.normal(ks[5], (H, C), dtype=jnp.float32) * (1.0 / np.sqrt(H))
    b2 = jnp.zeros((C,), dtype=jnp.float32)
    return {
        'x': x,
        'edge_index': edge_index,
        'W_self1': W_self1,
        'W_neigh1': W_neigh1,
        'b1': b1,
        'W_self2': W_self2,
        'W_neigh2': W_neigh2,
        'b2': b2,
    }


def _sage_conv(h, src, dst, W_self, W_neigh, b):
    # mean aggregation over incoming edges (dst receives from src)
    msg = jnp.take(h, src, axis=0)
    agg = jax.ops.segment_sum(msg, dst, num_segments=N)
    deg = jax.ops.segment_sum(jnp.ones((src.shape[0],), dtype=h.dtype), dst, num_segments=N)
    mean_neigh = agg / jnp.clip(deg, 1.0, None)[:, None]
    return h @ W_self + mean_neigh @ W_neigh + b


def reference(x, edge_index, W_self1, W_neigh1, b1, W_self2, W_neigh2, b2):
    src = edge_index[0]
    dst = edge_index[1]
    h = _sage_conv(x, src, dst, W_self1, W_neigh1, b1)
    h = jax.nn.relu(h)
    h = _sage_conv(h, src, dst, W_self2, W_neigh2, b2)
    return h

if __name__ == "__main__":
    import jax
    _d = setup_inputs()
    print(jax.jit(kernel)(*tuple(_d.values())))

</pallas_src>

<mosaic_0001>
#map = affine_map<(d0, d1) -> (0, 0)>
#map1 = affine_map<(d0, d1) -> (0, 0, 0)>
module attributes {stable_mosaic.version = 14 : i64} {
  func.func @_seg_sum_body(%arg0: i32, %arg1: i32, %arg2: memref<10000x128xf32, #tpu.memory_space<hbm>>, %arg3: memref<2x320000xi32, #tpu.memory_space<hbm>>, %arg4: memref<2x10000x128xf32, #tpu.memory_space<hbm>>, %arg5: memref<2x80x128xf32, #tpu.memory_space<hbm>>, %arg6: memref<10000xi32, #tpu.memory_space<vmem>>, %arg7: memref<2x80xi32, #tpu.memory_space<vmem>>, %arg8: memref<80x128xf32, #tpu.memory_space<vmem>>, %arg9: memref<80x128xf32, #tpu.memory_space<vmem>>, %arg10: memref<!tpu.dma_semaphore, #tpu.memory_space<semaphore_mem>>, %arg11: memref<!tpu.dma_semaphore, #tpu.memory_space<semaphore_mem>>, %arg12: memref<!tpu.dma_semaphore, #tpu.memory_space<semaphore_mem>>, %arg13: memref<!tpu.dma_semaphore, #tpu.memory_space<semaphore_mem>>, %arg14: memref<80x128xf32, #tpu.memory_space<vmem>>, %arg15: memref<80xi32, #tpu.memory_space<vmem>>, %arg16: memref<10000x128xf32, #tpu.memory_space<vmem_shared>>, %arg17: memref<80x128xf32, #tpu.memory_space<vmem_shared>>) attributes {dimension_semantics = [#tpu.dimension_semantics<core_parallel>, #tpu.dimension_semantics<subcore_parallel>], iteration_bounds = array<i64: 2, 16>, scalar_prefetch = 0 : i64, scratch_operands = 12 : i64, tpu.core_type = #tpu.core_type<sc_vector_subcore>, window_params = [{transform_indices = #map}, {transform_indices = #map}, {transform_indices = #map1}, {transform_indices = #map1}]} {
    %mul3A = arith.constant 2 : i32
    %mul3A_0 = arith.muli %arg1, %mul3A : i32
    %add3A = arith.addi %mul3A_0, %arg0 : i32
    %mul3A_1 = arith.constant 10000 : i32
    %mul3A_2 = arith.muli %add3A, %mul3A_1 : i32
    %broadcast_in_dim3A = arith.constant 0.000000e+00 : f32
    %broadcast_in_dim3A_3 = vector.broadcast %broadcast_in_dim3A : f32 to vector<16xf32>
    %broadcast_in_dim3A_4 = arith.constant 1.000000e+00 : f32
    %broadcast_in_dim3A_5 = vector.broadcast %broadcast_in_dim3A_4 : f32 to vector<16xf32>
    %run_scoped3A = arith.constant 0 : i32
    "tpu.region"() ({
      %run_scoped3A_356 = tpu.sem_alloc : memref<!tpu.dma_semaphore, #tpu.memory_space<semaphore_mem>>
      %dma_start3A_357 = tpu.memref_slice %arg3[%run_scoped3A, %mul3A_2] : memref<2x320000xi32, #tpu.memory_space<hbm>> -> memref<1x10000xi32, #tpu.memory_space<hbm>>
      %dma_start3A_358 = tpu.memref_squeeze %dma_start3A_357 : memref<1x10000xi32, #tpu.memory_space<hbm>> -> memref<10000xi32, #tpu.memory_space<hbm>>
      %dma_start3A_359 = tpu.memref_slice %arg3[%run_scoped3A, %mul3A_2] : memref<2x320000xi32, #tpu.memory_space<hbm>> -> memref<1x10000xi32, #tpu.memory_space<hbm>>
      %dma_start3A_360 = tpu.memref_squeeze %dma_start3A_359 : memref<1x10000xi32, #tpu.memory_space<hbm>> -> memref<10000xi32, #tpu.memory_space<hbm>>
      tpu.enqueue_dma source(%dma_start3A_360 : memref<10000xi32, #tpu.memory_space<hbm>>) target(%arg6 : memref<10000xi32, #tpu.memory_space<vmem>>) target_semaphore(%run_scoped3A_356 : memref<!tpu.dma_semaphore, #tpu.memory_space<semaphore_mem>>)
      %dma_wait3A_361 = tpu.memref_slice %arg3[%run_scoped3A, %mul3A_2] : memref<2x320000xi32, #tpu.memory_space<hbm>> -> memref<1x10000xi32, #tpu.memory_space<hbm>>
      %dma_wait3A_362 = tpu.memref_squeeze %dma_wait3A_361 : memref<1x10000xi32, #tpu.memory_space<hbm>> -> memref<10000xi32, #tpu.memory_space<hbm>>
      %dma_wait3A_363 = tpu.memref_slice %arg3[%run_scoped3A, %mul3A_2] : memref<2x320000xi32, #tpu.memory_space<hbm>> -> memref<1x10000xi32, #tpu.memory_space<hbm>>
      %dma_wait3A_364 = tpu.memref_squeeze %dma_wait3A_363 : memref<1x10000xi32, #tpu.memory_space<hbm>> -> memref<10000xi32, #tpu.memory_space<hbm>>
      tpu.wait_dma2 semaphore(%run_scoped3A_356 : memref<!tpu.dma_semaphore, #tpu.memory_space<semaphore_mem>>) src(%dma_wait3A_364 : memref<10000xi32, #tpu.memory_space<hbm>>) dst(%arg6 : memref<10000xi32, #tpu.memory_space<vmem>>)
      tpu.yield
    }) : () -> ()
    %scan3A = arith.constant 0 : i32
    %scan3A_6 = arith.constant 0 : i32
    %scan3A_7 = arith.constant 640 : i32
    %scan3A_8 = arith.addi %scan3A_6, %scan3A_7 : i32
    %scan3A_9 = arith.constant 1 : i32
    %scan3A_10 = scf.for %scan3A_356 = %scan3A_6 to %scan3A_8 step %scan3A_9 iter_args(%scan3A_357 = %scan3A) -> (i32)  : i32 {
      %jit3A = arith.constant 8 : i32
      %div3A = arith.divsi %scan3A_356, %jit3A : i32
      %sign3A = arith.constant 0 : i32
      %sign3A_358 = arith.cmpi sgt, %scan3A_356, %sign3A : i32
      %sign3A_359 = arith.extui %sign3A_358 : i1 to i32
      %sign3A_360 = arith.constant 0 : i32
      %sign3A_361 = arith.cmpi slt, %scan3A_356, %sign3A_360 : i32
      %sign3A_362 = arith.extui %sign3A_361 : i1 to i32
      %sign3A_363 = arith.subi %sign3A_359, %sign3A_362 : i32
      %sign3A_364 = arith.constant 0 : i32
      %sign3A_365 = arith.cmpi sgt, %jit3A, %sign3A_364 : i32
      %sign3A_366 = arith.extui %sign3A_365 : i1 to i32
      %sign3A_367 = arith.constant 0 : i32
      %sign3A_368 = arith.cmpi slt, %jit3A, %sign3A_367 : i32
      %sign3A_369 = arith.extui %sign3A_368 : i1 to i32
      %sign3A_370 = arith.subi %sign3A_366, %sign3A_369 : i32
      %ne3A = arith.cmpi ne, %sign3A_363, %sign3A_370 : i32
      %rem3A = arith.remsi %scan3A_356, %jit3A : i32
      %ne3A_371 = arith.constant 0 : i32
      %ne3A_372 = arith.cmpi ne, %rem3A, %ne3A_371 : i32
      %and3A_373 = arith.andi %ne3A, %ne3A_372 : i1
      %sub3A = arith.constant 1 : i32
      %sub3A_374 = arith.subi %div3A, %sub3A : i32
      %select_n3A = arith.select %and3A_373, %sub3A_374, %div3A : i32
      %jit3A_375 = arith.constant 8 : i32
      %eq3A_376 = arith.constant 0 : i32
      %eq3A_377 = arith.cmpi eq, %jit3A_375, %eq3A_376 : i32
      %jit3A_378 = arith.constant 1 : i32
      %select_n3A_379 = arith.select %eq3A_377, %jit3A_378, %jit3A_375 : i32
      %rem3A_380 = arith.remsi %scan3A_356, %select_n3A_379 : i32
      %ne3A_381 = arith.constant 0 : i32
      %ne3A_382 = arith.cmpi ne, %rem3A_380, %ne3A_381 : i32
      %lt3A = arith.constant 0 : i32
      %lt3A_383 = arith.cmpi slt, %rem3A_380, %lt3A : i32
      %lt3A_384 = arith.constant 0 : i32
      %lt3A_385 = arith.cmpi slt, %select_n3A_379, %lt3A_384 : i32
      %ne3A_386 = arith.xori %lt3A_383, %lt3A_385 : i1
      %and3A_387 = arith.andi %ne3A_386, %ne3A_382 : i1
      %add3A_388 = arith.addi %rem3A_380, %select_n3A_379 : i32
      %select_n3A_389 = arith.select %and3A_387, %add3A_388, %rem3A_380 : i32
      %mul3A_390 = arith.constant 16 : i32
      %mul3A_391 = arith.muli %select_n3A_389, %mul3A_390 : i32
      %swap3A_392 = arith.index_cast %select_n3A : i32 to index
      %swap3A_393 = arith.index_cast %mul3A_391 : i32 to index
      %swap3A_394 = tpu.vector_load %arg8[%swap3A_392, %swap3A_393] {strides = array<i32>} : memref<80x128xf32, #tpu.memory_space<vmem>>, vector<16xf32>,
      tpu.vector_store %arg8[%swap3A_392, %swap3A_393], %broadcast_in_dim3A_3 {strides = array<i32>} : memref<80x128xf32, #tpu.memory_space<vmem>>, vector<16xf32>,
      %scan3A_395 = arith.constant 0 : i32
      scf.yield %scan3A_395 : i32
    }
    %scan3A_11 = arith.constant 640 : i32
    %mul3A_12 = arith.constant 625 : i32
    %mul3A_13 = arith.muli %arg1, %mul3A_12 : i32
    %add3A_14 = arith.constant 0 : i32
    %add3A_15 = arith.addi %mul3A_13, %add3A_14 : i32
    "tpu.region"() ({
      %run_scoped3A_356 = tpu.sem_alloc : memref<!tpu.dma_semaphore, #tpu.memory_space<semaphore_mem>>
      %dma_start3A_357 = arith.constant 0 : i32
      %dma_start3A_358 = tpu.memref_slice %arg16[%add3A_15, %dma_start3A_357] : memref<10000x128xf32, #tpu.memory_space<vmem_shared>> -> memref<80x128xf32, #tpu.memory_space<vmem_shared>>
      %dma_start3A_359 = arith.constant 0 : i32
      %dma_start3A_360 = tpu.memref_slice %arg16[%add3A_15, %dma_start3A_359] : memref<10000x128xf32, #tpu.memory_space<vmem_shared>> -> memref<80x128xf32, #tpu.memory_space<vmem_shared>>
      tpu.enqueue_dma source(%arg8 : memref<80x128xf32, #tpu.memory_space<vmem>>) target(%dma_start3A_360 : memref<80x128xf32, #tpu.memory_space<vmem_shared>>) target_semaphore(%run_scoped3A_356 : memref<!tpu.dma_semaphore, #tpu.memory_space<semaphore_mem>>)
      %dma_wait3A_361 = arith.constant 0 : i32
      %dma_wait3A_362 = tpu.memref_slice %arg16[%add3A_15, %dma_wait3A_361] : memref<10000x128xf32, #tpu.memory_space<vmem_shared>> -> memref<80x128xf32, #tpu.memory_space<vmem_shared>>
      %dma_wait3A_363 = arith.constant 0 : i32
      %dma_wait3A_364 = tpu.memref_slice %arg16[%add3A_15, %dma_wait3A_363] : memref<10000x128xf32, #tpu.memory_space<vmem_shared>> -> memref<80x128xf32, #tpu.memory_space<vmem_shared>>
      tpu.wait_dma2 semaphore(%run_scoped3A_356 : memref<!tpu.dma_semaphore, #tpu.memory_space<semaphore_mem>>) src(%arg8 : memref<80x128xf32, #tpu.memory_space<vmem>>) dst(%dma_wait3A_364 : memref<80x128xf32, #tpu.memory_space<vmem_shared>>)
      tpu.yield
    }) : () -> ()
    %mul3A_16 = arith.constant 625 : i32
    %mul3A_17 = arith.muli %arg1, %mul3A_16 : i32
    %add3A_18 = arith.constant 80 : i32
    %add3A_19 = arith.addi %mul3A_17, %add3A_18 : i32
    "tpu.region"() ({
      %run_scoped3A_356 = tpu.sem_alloc : memref<!tpu.dma_semaphore, #tpu.memory_space<semaphore_mem>>
      %dma_start3A_357 = arith.constant 0 : i32
      %dma_start3A_358 = tpu.memref_slice %arg16[%add3A_19, %dma_start3A_357] : memref<10000x128xf32, #tpu.memory_space<vmem_shared>> -> memref<80x128xf32, #tpu.memory_space<vmem_shared>>
      %dma_start3A_359 = arith.constant 0 : i32
      %dma_start3A_360 = tpu.memref_slice %arg16[%add3A_19, %dma_start3A_359] : memref<10000x128xf32, #tpu.memory_space<vmem_shared>> -> memref<80x128xf32, #tpu.memory_space<vmem_shared>>
      tpu.enqueue_dma source(%arg8 : memref<80x128xf32, #tpu.memory_space<vmem>>) target(%dma_start3A_360 : memref<80x128xf32, #tpu.memory_space<vmem_shared>>) target_semaphore(%run_scoped3A_356 : memref<!tpu.dma_semaphore, #tpu.memory_space<semaphore_mem>>)
      %dma_wait3A_361 = arith.constant 0 : i32
      %dma_wait3A_362 = tpu.memref_slice %arg16[%add3A_19, %dma_wait3A_361] : memref<10000x128xf32, #tpu.memory_space<vmem_shared>> -> memref<80x128xf32, #tpu.memory_space<vmem_shared>>
      %dma_wait3A_363 = arith.constant 0 : i32
      %dma_wait3A_364 = tpu.memref_slice %arg16[%add3A_19, %dma_wait3A_363] : memref<10000x128xf32, #tpu.memory_space<vmem_shared>> -> memref<80x128xf32, #tpu.memory_space<vmem_shared>>
      tpu.wait_dma2 semaphore(%run_scoped3A_356 : memref<!tpu.dma_semaphore, #tpu.memory_space<semaphore_mem>>) src(%arg8 : memref<80x128xf32, #tpu.memory_space<vmem>>) dst(%dma_wait3A_364 : memref<80x128xf32, #tpu.memory_space<vmem_shared>>)
      tpu.yield
    }) : () -> ()
    %mul3A_20 = arith.constant 625 : i32
    %mul3A_21 = arith.muli %arg1, %mul3A_20 : i32
    %add3A_22 = arith.constant 160 : i32
    %add3A_23 = arith.addi %mul3A_21, %add3A_22 : i32
    "tpu.region"() ({
      %run_scoped3A_356 = tpu.sem_alloc : memref<!tpu.dma_semaphore, #tpu.memory_space<semaphore_mem>>
      %dma_start3A_357 = arith.constant 0 : i32
      %dma_start3A_358 = tpu.memref_slice %arg16[%add3A_23, %dma_start3A_357] : memref<10000x128xf32, #tpu.memory_space<vmem_shared>> -> memref<80x128xf32, #tpu.memory_space<vmem_shared>>
      %dma_start3A_359 = arith.constant 0 : i32
      %dma_start3A_360 = tpu.memref_slice %arg16[%add3A_23, %dma_start3A_359] : memref<10000x128xf32, #tpu.memory_space<vmem_shared>> -> memref<80x128xf32, #tpu.memory_space<vmem_shared>>
      tpu.enqueue_dma source(%arg8 : memref<80x128xf32, #tpu.memory_space<vmem>>) target(%dma_start3A_360 : memref<80x128xf32, #tpu.memory_space<vmem_shared>>) target_semaphore(%run_scoped3A_356 : memref<!tpu.dma_semaphore, #tpu.memory_space<semaphore_mem>>)
      %dma_wait3A_361 = arith.constant 0 : i32
      %dma_wait3A_362 = tpu.memref_slice %arg16[%add3A_23, %dma_wait3A_361] : memref<10000x128xf32, #tpu.memory_space<vmem_shared>> -> memref<80x128xf32, #tpu.memory_space<vmem_shared>>
      %dma_wait3A_363 = arith.constant 0 : i32
      %dma_wait3A_364 = tpu.memref_slice %arg16[%add3A_23, %dma_wait3A_363] : memref<10000x128xf32, #tpu.memory_space<vmem_shared>> -> memref<80x128xf32, #tpu.memory_space<vmem_shared>>
      tpu.wait_dma2 semaphore(%run_scoped3A_356 : memref<!tpu.dma_semaphore, #tpu.memory_space<semaphore_mem>>) src(%arg8 : memref<80x128xf32, #tpu.memory_space<vmem>>) dst(%dma_wait3A_364 : memref<80x128xf32, #tpu.memory_space<vmem_shared>>)
      tpu.yield
    }) : () -> ()
    %mul3A_24 = arith.constant 625 : i32
    %mul3A_25 = arith.muli %arg1, %mul3A_24 : i32
    %add3A_26 = arith.constant 240 : i32
    %add3A_27 = arith.addi %mul3A_25, %add3A_26 : i32
    "tpu.region"() ({
      %run_scoped3A_356 = tpu.sem_alloc : memref<!tpu.dma_semaphore, #tpu.memory_space<semaphore_mem>>
      %dma_start3A_357 = arith.constant 0 : i32
      %dma_start3A_358 = tpu.memref_slice %arg16[%add3A_27, %dma_start3A_357] : memref<10000x128xf32, #tpu.memory_space<vmem_shared>> -> memref<80x128xf32, #tpu.memory_space<vmem_shared>>
      %dma_start3A_359 = arith.constant 0 : i32
      %dma_start3A_360 = tpu.memref_slice %arg16[%add3A_27, %dma_start3A_359] : memref<10000x128xf32, #tpu.memory_space<vmem_shared>> -> memref<80x128xf32, #tpu.memory_space<vmem_shared>>
      tpu.enqueue_dma source(%arg8 : memref<80x128xf32, #tpu.memory_space<vmem>>) target(%dma_start3A_360 : memref<80x128xf32, #tpu.memory_space<vmem_shared>>) target_semaphore(%run_scoped3A_356 : memref<!tpu.dma_semaphore, #tpu.memory_space<semaphore_mem>>)
      %dma_wait3A_361 = arith.constant 0 : i32
      %dma_wait3A_362 = tpu.memref_slice %arg16[%add3A_27, %dma_wait3A_361] : memref<10000x128xf32, #tpu.memory_space<vmem_shared>> -> memref<80x128xf32, #tpu.memory_space<vmem_shared>>
      %dma_wait3A_363 = arith.constant 0 : i32
      %dma_wait3A_364 = tpu.memref_slice %arg16[%add3A_27, %dma_wait3A_363] : memref<10000x128xf32, #tpu.memory_space<vmem_shared>> -> memref<80x128xf32, #tpu.memory_space<vmem_shared>>
      tpu.wait_dma2 semaphore(%run_scoped3A_356 : memref<!tpu.dma_semaphore, #tpu.memory_space<semaphore_mem>>) src(%arg8 : memref<80x128xf32, #tpu.memory_space<vmem>>) dst(%dma_wait3A_364 : memref<80x128xf32, #tpu.memory_space<vmem_shared>>)
      tpu.yield
    }) : () -> ()
    %mul3A_28 = arith.constant 625 : i32
    %mul3A_29 = arith.muli %arg1, %mul3A_28 : i32
    %add3A_30 = arith.constant 320 : i32
    %add3A_31 = arith.addi %mul3A_29, %add3A_30 : i32
    "tpu.region"() ({
      %run_scoped3A_356 = tpu.sem_alloc : memref<!tpu.dma_semaphore, #tpu.memory_space<semaphore_mem>>
      %dma_start3A_357 = arith.constant 0 : i32
      %dma_start3A_358 = tpu.memref_slice %arg16[%add3A_31, %dma_start3A_357] : memref<10000x128xf32, #tpu.memory_space<vmem_shared>> -> memref<80x128xf32, #tpu.memory_space<vmem_shared>>
      %dma_start3A_359 = arith.constant 0 : i32
      %dma_start3A_360 = tpu.memref_slice %arg16[%add3A_31, %dma_start3A_359] : memref<10000x128xf32, #tpu.memory_space<vmem_shared>> -> memref<80x128xf32, #tpu.memory_space<vmem_shared>>
      tpu.enqueue_dma source(%arg8 : memref<80x128xf32, #tpu.memory_space<vmem>>) target(%dma_start3A_360 : memref<80x128xf32, #tpu.memory_space<vmem_shared>>) target_semaphore(%run_scoped3A_356 : memref<!tpu.dma_semaphore, #tpu.memory_space<semaphore_mem>>)
      %dma_wait3A_361 = arith.constant 0 : i32
      %dma_wait3A_362 = tpu.memref_slice %arg16[%add3A_31, %dma_wait3A_361] : memref<10000x128xf32, #tpu.memory_space<vmem_shared>> -> memref<80x128xf32, #tpu.memory_space<vmem_shared>>
      %dma_wait3A_363 = arith.constant 0 : i32
      %dma_wait3A_364 = tpu.memref_slice %arg16[%add3A_31, %dma_wait3A_363] : memref<10000x128xf32, #tpu.memory_space<vmem_shared>> -> memref<80x128xf32, #tpu.memory_space<vmem_shared>>
      tpu.wait_dma2 semaphore(%run_scoped3A_356 : memref<!tpu.dma_semaphore, #tpu.memory_space<semaphore_mem>>) src(%arg8 : memref<80x128xf32, #tpu.memory_space<vmem>>) dst(%dma_wait3A_364 : memref<80x128xf32, #tpu.memory_space<vmem_shared>>)
      tpu.yield
    }) : () -> ()
    %mul3A_32 = arith.constant 625 : i32
    %mul3A_33 = arith.muli %arg1, %mul3A_32 : i32
    %add3A_34 = arith.constant 400 : i32
    %add3A_35 = arith.addi %mul3A_33, %add3A_34 : i32
    "tpu.region"() ({
      %run_scoped3A_356 = tpu.sem_alloc : memref<!tpu.dma_semaphore, #tpu.memory_space<semaphore_mem>>
      %dma_start3A_357 = arith.constant 0 : i32
      %dma_start3A_358 = tpu.memref_slice %arg16[%add3A_35, %dma_start3A_357] : memref<10000x128xf32, #tpu.memory_space<vmem_shared>> -> memref<80x128xf32, #tpu.memory_space<vmem_shared>>
      %dma_start3A_359 = arith.constant 0 : i32
      %dma_start3A_360 = tpu.memref_slice %arg16[%add3A_35, %dma_start3A_359] : memref<10000x128xf32, #tpu.memory_space<vmem_shared>> -> memref<80x128xf32, #tpu.memory_space<vmem_shared>>
      tpu.enqueue_dma source(%arg8 : memref<80x128xf32, #tpu.memory_space<vmem>>) target(%dma_start3A_360 : memref<80x128xf32, #tpu.memory_space<vmem_shared>>) target_semaphore(%run_scoped3A_356 : memref<!tpu.dma_semaphore, #tpu.memory_space<semaphore_mem>>)
      %dma_wait3A_361 = arith.constant 0 : i32
      %dma_wait3A_362 = tpu.memref_slice %arg16[%add3A_35, %dma_wait3A_361] : memref<10000x128xf32, #tpu.memory_space<vmem_shared>> -> memref<80x128xf32, #tpu.memory_space<vmem_shared>>
      %dma_wait3A_363 = arith.constant 0 : i32
      %dma_wait3A_364 = tpu.memref_slice %arg16[%add3A_35, %dma_wait3A_363] : memref<10000x128xf32, #tpu.memory_space<vmem_shared>> -> memref<80x128xf32, #tpu.memory_space<vmem_shared>>
      tpu.wait_dma2 semaphore(%run_scoped3A_356 : memref<!tpu.dma_semaphore, #tpu.memory_space<semaphore_mem>>) src(%arg8 : memref<80x128xf32, #tpu.memory_space<vmem>>) dst(%dma_wait3A_364 : memref<80x128xf32, #tpu.memory_space<vmem_shared>>)
      tpu.yield
    }) : () -> ()
    %mul3A_36 = arith.constant 625 : i32
    %mul3A_37 = arith.muli %arg1, %mul3A_36 : i32
    %add3A_38 = arith.constant 480 : i32
    %add3A_39 = arith.addi %mul3A_37, %add3A_38 : i32
    "tpu.region"() ({
      %run_scoped3A_356 = tpu.sem_alloc : memref<!tpu.dma_semaphore, #tpu.memory_space<semaphore_mem>>
      %dma_start3A_357 = arith.constant 0 : i32
      %dma_start3A_358 = tpu.memref_slice %arg16[%add3A_39, %dma_start3A_357] : memref<10000x128xf32, #tpu.memory_space<vmem_shared>> -> memref<80x128xf32, #tpu.memory_space<vmem_shared>>
      %dma_start3A_359 = arith.constant 0 : i32
      %dma_start3A_360 = tpu.memref_slice %arg16[%add3A_39, %dma_start3A_359] : memref<10000x128xf32, #tpu.memory_space<vmem_shared>> -> memref<80x128xf32, #tpu.memory_space<vmem_shared>>
      tpu.enqueue_dma source(%arg8 : memref<80x128xf32, #tpu.memory_space<vmem>>) target(%dma_start3A_360 : memref<80x128xf32, #tpu.memory_space<vmem_shared>>) target_semaphore(%run_scoped3A_356 : memref<!tpu.dma_semaphore, #tpu.memory_space<semaphore_mem>>)
      %dma_wait3A_361 = arith.constant 0 : i32
      %dma_wait3A_362 = tpu.memref_slice %arg16[%add3A_39, %dma_wait3A_361] : memref<10000x128xf32, #tpu.memory_space<vmem_shared>> -> memref<80x128xf32, #tpu.memory_space<vmem_shared>>
      %dma_wait3A_363 = arith.constant 0 : i32
      %dma_wait3A_364 = tpu.memref_slice %arg16[%add3A_39, %dma_wait3A_363] : memref<10000x128xf32, #tpu.memory_space<vmem_shared>> -> memref<80x128xf32, #tpu.memory_space<vmem_shared>>
      tpu.wait_dma2 semaphore(%run_scoped3A_356 : memref<!tpu.dma_semaphore, #tpu.memory_space<semaphore_mem>>) src(%arg8 : memref<80x128xf32, #tpu.memory_space<vmem>>) dst(%dma_wait3A_364 : memref<80x128xf32, #tpu.memory_space<vmem_shared>>)
      tpu.yield
    }) : () -> ()
    %mul3A_40 = arith.constant 625 : i32
    %mul3A_41 = arith.muli %arg1, %mul3A_40 : i32
    %add3A_42 = arith.constant 560 : i32
    %add3A_43 = arith.addi %mul3A_41, %add3A_42 : i32
    "tpu.region"() ({
      %run_scoped3A_356 = tpu.sem_alloc : memref<!tpu.dma_semaphore, #tpu.memory_space<semaphore_mem>>
      %dma_start3A_357 = arith.constant 0 : i32
      %dma_start3A_358 = arith.constant 0 : i32
      %dma_start3A_359 = tpu.memref_slice %arg8[%dma_start3A_357, %dma_start3A_358] : memref<80x128xf32, #tpu.memory_space<vmem>> -> memref<65x128xf32, #tpu.memory_space<vmem>>
      %dma_start3A_360 = arith.constant 0 : i32
      %dma_start3A_361 = tpu.memref_slice %arg16[%add3A_43, %dma_start3A_360] : memref<10000x128xf32, #tpu.memory_space<vmem_shared>> -> memref<65x128xf32, #tpu.memory_space<vmem_shared>>
      %dma_start3A_362 = arith.constant 0 : i32
      %dma_start3A_363 = tpu.memref_slice %arg16[%add3A_43, %dma_start3A_362] : memref<10000x128xf32, #tpu.memory_space<vmem_shared>> -> memref<65x128xf32, #tpu.memory_space<vmem_shared>>
      %dma_start3A_364 = arith.constant 0 : i32
      %dma_start3A_365 = arith.constant 0 : i32
      %dma_start3A_366 = tpu.memref_slice %arg8[%dma_start3A_364, %dma_start3A_365] : memref<80x128xf32, #tpu.memory_space<vmem>> -> memref<65x128xf32, #tpu.memory_space<vmem>>
      tpu.enqueue_dma source(%dma_start3A_366 : memref<65x128xf32, #tpu.memory_space<vmem>>) target(%dma_start3A_363 : memref<65x128xf32, #tpu.memory_space<vmem_shared>>) target_semaphore(%run_scoped3A_356 : memref<!tpu.dma_semaphore, #tpu.memory_space<semaphore_mem>>)
      %dma_wait3A_367 = arith.constant 0 : i32
      %dma_wait3A_368 = arith.constant 0 : i32
      %dma_wait3A_369 = tpu.memref_slice %arg8[%dma_wait3A_367, %dma_wait3A_368] : memref<80x128xf32, #tpu.memory_space<vmem>> -> memref<65x128xf32, #tpu.memory_space<vmem>>
      %dma_wait3A_370 = arith.constant 0 : i32
      %dma_wait3A_371 = tpu.memref_slice %arg16[%add3A_43, %dma_wait3A_370] : memref<10000x128xf32, #tpu.memory_space<vmem_shared>> -> memref<65x128xf32, #tpu.memory_space<vmem_shared>>
      %dma_wait3A_372 = arith.constant 0 : i32
      %dma_wait3A_373 = tpu.memref_slice %arg16[%add3A_43, %dma_wait3A_372] : memref<10000x128xf32, #tpu.memory_space<vmem_shared>> -> memref<65x128xf32, #tpu.memory_space<vmem_shared>>
      %dma_wait3A_374 = arith.constant 0 : i32
      %dma_wait3A_375 = arith.constant 0 : i32
      %dma_wait3A_376 = tpu.memref_slice %arg8[%dma_wait3A_374, %dma_wait3A_375] : memref<80x128xf32, #tpu.memory_space<vmem>> -> memref<65x128xf32, #tpu.memory_space<vmem>>
      tpu.wait_dma2 semaphore(%run_scoped3A_356 : memref<!tpu.dma_semaphore, #tpu.memory_space<semaphore_mem>>) src(%dma_wait3A_376 : memref<65x128xf32, #tpu.memory_space<vmem>>) dst(%dma_wait3A_373 : memref<65x128xf32, #tpu.memory_space<vmem_shared>>)
      tpu.yield
    }) : () -> ()
    %scan3A_44 = arith.constant 0 : i32
    %scan3A_45 = arith.constant 0 : i32
    %scan3A_46 = arith.constant 640 : i32
    %scan3A_47 = arith.addi %scan3A_45, %scan3A_46 : i32
    %scan3A_48 = arith.constant 1 : i32
    %scan3A_49 = scf.for %scan3A_356 = %scan3A_45 to %scan3A_47 step %scan3A_48 iter_args(%scan3A_357 = %scan3A_44) -> (i32)  : i32 {
      %jit3A = arith.constant 8 : i32
      %div3A = arith.divsi %scan3A_356, %jit3A : i32
      %sign3A = arith.constant 0 : i32
      %sign3A_358 = arith.cmpi sgt, %scan3A_356, %sign3A : i32
      %sign3A_359 = arith.extui %sign3A_358 : i1 to i32
      %sign3A_360 = arith.constant 0 : i32
      %sign3A_361 = arith.cmpi slt, %scan3A_356, %sign3A_360 : i32
      %sign3A_362 = arith.extui %sign3A_361 : i1 to i32
      %sign3A_363 = arith.subi %sign3A_359, %sign3A_362 : i32
      %sign3A_364 = arith.constant 0 : i32
      %sign3A_365 = arith.cmpi sgt, %jit3A, %sign3A_364 : i32
      %sign3A_366 = arith.extui %sign3A_365 : i1 to i32
      %sign3A_367 = arith.constant 0 : i32
      %sign3A_368 = arith.cmpi slt, %jit3A, %sign3A_367 : i32
      %sign3A_369 = arith.extui %sign3A_368 : i1 to i32
      %sign3A_370 = arith.subi %sign3A_366, %sign3A_369 : i32
      %ne3A = arith.cmpi ne, %sign3A_363, %sign3A_370 : i32
      %rem3A = arith.remsi %scan3A_356, %jit3A : i32
      %ne3A_371 = arith.constant 0 : i32
      %ne3A_372 = arith.cmpi ne, %rem3A, %ne3A_371 : i32
      %and3A_373 = arith.andi %ne3A, %ne3A_372 : i1
      %sub3A = arith.constant 1 : i32
      %sub3A_374 = arith.subi %div3A, %sub3A : i32
      %select_n3A = arith.select %and3A_373, %sub3A_374, %div3A : i32
      %jit3A_375 = arith.constant 8 : i32
      %eq3A_376 = arith.constant 0 : i32
      %eq3A_377 = arith.cmpi eq, %jit3A_375, %eq3A_376 : i32
      %jit3A_378 = arith.constant 1 : i32
      %select_n3A_379 = arith.select %eq3A_377, %jit3A_378, %jit3A_375 : i32
      %rem3A_380 = arith.remsi %scan3A_356, %select_n3A_379 : i32
      %ne3A_381 = arith.constant 0 : i32
      %ne3A_382 = arith.cmpi ne, %rem3A_380, %ne3A_381 : i32
      %lt3A = arith.constant 0 : i32
      %lt3A_383 = arith.cmpi slt, %rem3A_380, %lt3A : i32
      %lt3A_384 = arith.constant 0 : i32
      %lt3A_385 = arith.cmpi slt, %select_n3A_379, %lt3A_384 : i32
      %ne3A_386 = arith.xori %lt3A_383, %lt3A_385 : i1
      %and3A_387 = arith.andi %ne3A_386, %ne3A_382 : i1
      %add3A_388 = arith.addi %rem3A_380, %select_n3A_379 : i32
      %select_n3A_389 = arith.select %and3A_387, %add3A_388, %rem3A_380 : i32
      %mul3A_390 = arith.constant 16 : i32
      %mul3A_391 = arith.muli %select_n3A_389, %mul3A_390 : i32
      %swap3A_392 = arith.index_cast %select_n3A : i32 to index
      %swap3A_393 = arith.index_cast %mul3A_391 : i32 to index
      %swap3A_394 = tpu.vector_load %arg14[%swap3A_392, %swap3A_393] {strides = array<i32>} : memref<80x128xf32, #tpu.memory_space<vmem>>, vector<16xf32>,
      tpu.vector_store %arg14[%swap3A_392, %swap3A_393], %broadcast_in_dim3A_3 {strides = array<i32>} : memref<80x128xf32, #tpu.memory_space<vmem>>, vector<16xf32>,
      %scan3A_395 = arith.constant 0 : i32
      scf.yield %scan3A_395 : i32
    }
    %scan3A_50 = arith.constant 640 : i32
    %iota3A = tpu.iota {dimensions = array<i32: 0>} : vector<16xi32>
    %add3A_51 = arith.constant 0 : i32
    %add3A_52 = vector.broadcast %add3A_51 : i32 to vector<16xi32>
    %add3A_53 = arith.addi %iota3A, %add3A_52 : vector<16xi32>
    %swap3A = arith.constant 0 : index
    %swap3A_54 = tpu.vector_load %arg15[%swap3A] {strides = array<i32>} : memref<80xi32, #tpu.memory_space<vmem>>, vector<16xi32>,
    tpu.vector_store %arg15[%swap3A], %add3A_53 {strides = array<i32>} : memref<80xi32, #tpu.memory_space<vmem>>, vector<16xi32>,
    %add3A_55 = arith.constant 16 : i32
    %add3A_56 = vector.broadcast %add3A_55 : i32 to vector<16xi32>
    %add3A_57 = arith.addi %iota3A, %add3A_56 : vector<16xi32>
    %swap3A_58 = arith.constant 16 : index
    %swap3A_59 = tpu.vector_load %arg15[%swap3A_58] {strides = array<i32>} : memref<80xi32, #tpu.memory_space<vmem>>, vector<16xi32>,
    tpu.vector_store %arg15[%swap3A_58], %add3A_57 {strides = array<i32>} : memref<80xi32, #tpu.memory_space<vmem>>, vector<16xi32>,
    %add3A_60 = arith.constant 32 : i32
    %add3A_61 = vector.broadcast %add3A_60 : i32 to vector<16xi32>
    %add3A_62 = arith.addi %iota3A, %add3A_61 : vector<16xi32>
    %swap3A_63 = arith.constant 32 : index
    %swap3A_64 = tpu.vector_load %arg15[%swap3A_63] {strides = array<i32>} : memref<80xi32, #tpu.memory_space<vmem>>, vector<16xi32>,
    tpu.vector_store %arg15[%swap3A_63], %add3A_62 {strides = array<i32>} : memref<80xi32, #tpu.memory_space<vmem>>, vector<16xi32>,
    %add3A_65 = arith.constant 48 : i32
    %add3A_66 = vector.broadcast %add3A_65 : i32 to vector<16xi32>
    %add3A_67 = arith.addi %iota3A, %add3A_66 : vector<16xi32>
    %swap3A_68 = arith.constant 48 : index
    %swap3A_69 = tpu.vector_load %arg15[%swap3A_68] {strides = array<i32>} : memref<80xi32, #tpu.memory_space<vmem>>, vector<16xi32>,
    tpu.vector_store %arg15[%swap3A_68], %add3A_67 {strides = array<i32>} : memref<80xi32, #tpu.memory_space<vmem>>, vector<16xi32>,
    %add3A_70 = arith.constant 64 : i32
    %add3A_71 = vector.broadcast %add3A_70 : i32 to vector<16xi32>
    %add3A_72 = arith.addi %iota3A, %add3A_71 : vector<16xi32>
    %swap3A_73 = arith.constant 64 : index
    %swap3A_74 = tpu.vector_load %arg15[%swap3A_73] {strides = array<i32>} : memref<80xi32, #tpu.memory_space<vmem>>, vector<16xi32>,
    tpu.vector_store %arg15[%swap3A_73], %add3A_72 {strides = array<i32>} : memref<80xi32, #tpu.memory_space<vmem>>, vector<16xi32>,
    %eq3A = arith.constant 0 : i32
    %eq3A_75 = arith.cmpi eq, %arg1, %eq3A : i32
    %convert_element_type3A = arith.extui %eq3A_75 : i1 to i32
    %cond3A = arith.constant 0 : i32
    %cond3A_76 = arith.cmpi ne, %convert_element_type3A, %cond3A : i32
    scf.if %cond3A_76 {
      "tpu.region"() ({
        %run_scoped3A_356 = tpu.sem_alloc : memref<!tpu.dma_semaphore, #tpu.memory_space<semaphore_mem>>
        %dma_start3A_357 = arith.constant 0 : i32
        %dma_start3A_358 = arith.constant 0 : i32
        %dma_start3A_359 = tpu.memref_slice %arg8[%dma_start3A_357, %dma_start3A_358] : memref<80x128xf32, #tpu.memory_space<vmem>> -> memref<80x128xf32, #tpu.memory_space<vmem>>
        %dma_start3A_360 = arith.constant 0 : i32
        %dma_start3A_361 = arith.constant 0 : i32
        %dma_start3A_362 = tpu.memref_slice %arg17[%dma_start3A_360, %dma_start3A_361] : memref<80x128xf32, #tpu.memory_space<vmem_shared>> -> memref<80x128xf32, #tpu.memory_space<vmem_shared>>
        %dma_start3A_363 = arith.constant 0 : i32
        %dma_start3A_364 = arith.constant 0 : i32
        %dma_start3A_365 = tpu.memref_slice %arg17[%dma_start3A_363, %dma_start3A_364] : memref<80x128xf32, #tpu.memory_space<vmem_shared>> -> memref<80x128xf32, #tpu.memory_space<vmem_shared>>
        %dma_start3A_366 = arith.constant 0 : i32
        %dma_start3A_367 = arith.constant 0 : i32
        %dma_start3A_368 = tpu.memref_slice %arg8[%dma_start3A_366, %dma_start3A_367] : memref<80x128xf32, #tpu.memory_space<vmem>> -> memref<80x128xf32, #tpu.memory_space<vmem>>
        tpu.enqueue_dma source(%dma_start3A_368 : memref<80x128xf32, #tpu.memory_space<vmem>>) target(%dma_start3A_365 : memref<80x128xf32, #tpu.memory_space<vmem_shared>>) target_semaphore(%run_scoped3A_356 : memref<!tpu.dma_semaphore, #tpu.memory_space<semaphore_mem>>)
        %dma_wait3A_369 = arith.constant 0 : i32
        %dma_wait3A_370 = arith.constant 0 : i32
        %dma_wait3A_371 = tpu.memref_slice %arg8[%dma_wait3A_369, %dma_wait3A_370] : memref<80x128xf32, #tpu.memory_space<vmem>> -> memref<80x128xf32, #tpu.memory_space<vmem>>
        %dma_wait3A_372 = arith.constant 0 : i32
        %dma_wait3A_373 = arith.constant 0 : i32
        %dma_wait3A_374 = tpu.memref_slice %arg17[%dma_wait3A_372, %dma_wait3A_373] : memref<80x128xf32, #tpu.memory_space<vmem_shared>> -> memref<80x128xf32, #tpu.memory_space<vmem_shared>>
        %dma_wait3A_375 = arith.constant 0 : i32
        %dma_wait3A_376 = arith.constant 0 : i32
        %dma_wait3A_377 = tpu.memref_slice %arg17[%dma_wait3A_375, %dma_wait3A_376] : memref<80x128xf32, #tpu.memory_space<vmem_shared>> -> memref<80x128xf32, #tpu.memory_space<vmem_shared>>
        %dma_wait3A_378 = arith.constant 0 : i32
        %dma_wait3A_379 = arith.constant 0 : i32
        %dma_wait3A_380 = tpu.memref_slice %arg8[%dma_wait3A_378, %dma_wait3A_379] : memref<80x128xf32, #tpu.memory_space<vmem>> -> memref<80x128xf32, #tpu.memory_space<vmem>>
        tpu.wait_dma2 semaphore(%run_scoped3A_356 : memref<!tpu.dma_semaphore, #tpu.memory_space<semaphore_mem>>) src(%dma_wait3A_380 : memref<80x128xf32, #tpu.memory_space<vmem>>) dst(%dma_wait3A_377 : memref<80x128xf32, #tpu.memory_space<vmem_shared>>)
        tpu.yield
      }) : () -> ()
    } else {
    }
    %barrier3A = arith.constant 0 : index
    tpu.barrier barrier_id(%barrier3A)
    %add3A_77 = arith.constant 0 : i32
    %add3A_78 = arith.addi %mul3A_2, %add3A_77 : i32
    %dma_start3A = arith.constant 1 : i32
    %dma_start3A_79 = arith.constant 0 : i32
    %dma_start3A_80 = arith.constant 0 : i32
    %dma_start3A_81 = tpu.memref_slice %arg7[%dma_start3A_79, %dma_start3A_80] : memref<2x80xi32, #tpu.memory_space<vmem>> -> memref<1x80xi32, #tpu.memory_space<vmem>>
    %dma_start3A_82 = tpu.memref_squeeze %dma_start3A_81 : memref<1x80xi32, #tpu.memory_space<vmem>> -> memref<80xi32, #tpu.memory_space<vmem>>
    %dma_start3A_83 = tpu.memref_slice %arg3[%dma_start3A, %add3A_78] : memref<2x320000xi32, #tpu.memory_space<hbm>> -> memref<1x80xi32, #tpu.memory_space<hbm>>
    %dma_start3A_84 = tpu.memref_squeeze %dma_start3A_83 : memref<1x80xi32, #tpu.memory_space<hbm>> -> memref<80xi32, #tpu.memory_space<hbm>>
    %dma_start3A_85 = arith.constant 0 : i32
    %dma_start3A_86 = tpu.memref_slice %arg7[%dma_start3A_79, %dma_start3A_85] : memref<2x80xi32, #tpu.memory_space<vmem>> -> memref<1x80xi32, #tpu.memory_space<vmem>>
    %dma_start3A_87 = tpu.memref_squeeze %dma_start3A_86 : memref<1x80xi32, #tpu.memory_space<vmem>> -> memref<80xi32, #tpu.memory_space<vmem>>
    %dma_start3A_88 = tpu.memref_slice %arg3[%dma_start3A, %add3A_78] : memref<2x320000xi32, #tpu.memory_space<hbm>> -> memref<1x80xi32, #tpu.memory_space<hbm>>
    %dma_start3A_89 = tpu.memref_squeeze %dma_start3A_88 : memref<1x80xi32, #tpu.memory_space<hbm>> -> memref<80xi32, #tpu.memory_space<hbm>>
    tpu.enqueue_dma source(%dma_start3A_89 : memref<80xi32, #tpu.memory_space<hbm>>) target(%dma_start3A_87 : memref<80xi32, #tpu.memory_space<vmem>>) target_semaphore(%arg12 : memref<!tpu.dma_semaphore, #tpu.memory_space<semaphore_mem>>)
    %dma_start3A_90 = arith.constant 0 : i32
    %dma_start3A_91 = tpu.memref_slice %arg6[%dma_start3A_90] : memref<10000xi32, #tpu.memory_space<vmem>> -> memref<80xi32, #tpu.memory_space<vmem>>
    %dma_start3A_92 = arith.constant 0 : i32
    %dma_start3A_93 = arith.constant 0 : i32
    %dma_start3A_94 = tpu.memref_slice %arg2[%dma_start3A_92, %dma_start3A_93] : memref<10000x128xf32, #tpu.memory_space<hbm>> -> memref<10000x128xf32, #tpu.memory_space<hbm>>
    tpu.enqueue_indirect_dma source(%dma_start3A_94 : memref<10000x128xf32, #tpu.memory_space<hbm>>) target(%arg8 : memref<80x128xf32, #tpu.memory_space<vmem>>) offsets(%dma_start3A_91 : memref<80xi32, #tpu.memory_space<vmem>>) semaphore(%arg10 : memref<!tpu.dma_semaphore, #tpu.memory_space<semaphore_mem>>)
    %add3A_95 = arith.constant 80 : i32
    %add3A_96 = arith.addi %mul3A_2, %add3A_95 : i32
    %dma_start3A_97 = arith.constant 1 : i32
    %dma_start3A_98 = arith.constant 1 : i32
    %dma_start3A_99 = arith.constant 0 : i32
    %dma_start3A_100 = tpu.memref_slice %arg7[%dma_start3A_98, %dma_start3A_99] : memref<2x80xi32, #tpu.memory_space<vmem>> -> memref<1x80xi32, #tpu.memory_space<vmem>>
    %dma_start3A_101 = tpu.memref_squeeze %dma_start3A_100 : memref<1x80xi32, #tpu.memory_space<vmem>> -> memref<80xi32, #tpu.memory_space<vmem>>
    %dma_start3A_102 = tpu.memref_slice %arg3[%dma_start3A_97, %add3A_96] : memref<2x320000xi32, #tpu.memory_space<hbm>> -> memref<1x80xi32, #tpu.memory_space<hbm>>
    %dma_start3A_103 = tpu.memref_squeeze %dma_start3A_102 : memref<1x80xi32, #tpu.memory_space<hbm>> -> memref<80xi32, #tpu.memory_space<hbm>>
    %dma_start3A_104 = arith.constant 0 : i32
    %dma_start3A_105 = tpu.memref_slice %arg7[%dma_start3A_98, %dma_start3A_104] : memref<2x80xi32, #tpu.memory_space<vmem>> -> memref<1x80xi32, #tpu.memory_space<vmem>>
    %dma_start3A_106 = tpu.memref_squeeze %dma_start3A_105 : memref<1x80xi32, #tpu.memory_space<vmem>> -> memref<80xi32, #tpu.memory_space<vmem>>
    %dma_start3A_107 = tpu.memref_slice %arg3[%dma_start3A_97, %add3A_96] : memref<2x320000xi32, #tpu.memory_space<hbm>> -> memref<1x80xi32, #tpu.memory_space<hbm>>
    %dma_start3A_108 = tpu.memref_squeeze %dma_start3A_107 : memref<1x80xi32, #tpu.memory_space<hbm>> -> memref<80xi32, #tpu.memory_space<hbm>>
    tpu.enqueue_dma source(%dma_start3A_108 : memref<80xi32, #tpu.memory_space<hbm>>) target(%dma_start3A_106 : memref<80xi32, #tpu.memory_space<vmem>>) target_semaphore(%arg13 : memref<!tpu.dma_semaphore, #tpu.memory_space<semaphore_mem>>)
    %dma_start3A_109 = arith.constant 80 : i32
    %dma_start3A_110 = tpu.memref_slice %arg6[%dma_start3A_109] : memref<10000xi32, #tpu.memory_space<vmem>> -> memref<80xi32, #tpu.memory_space<vmem>>
    %dma_start3A_111 = arith.constant 0 : i32
    %dma_start3A_112 = arith.constant 0 : i32
    %dma_start3A_113 = tpu.memref_slice %arg2[%dma_start3A_111, %dma_start3A_112] : memref<10000x128xf32, #tpu.memory_space<hbm>> -> memref<10000x128xf32, #tpu.memory_space<hbm>>
    tpu.enqueue_indirect_dma source(%dma_start3A_113 : memref<10000x128xf32, #tpu.memory_space<hbm>>) target(%arg9 : memref<80x128xf32, #tpu.memory_space<vmem>>) offsets(%dma_start3A_110 : memref<80xi32, #tpu.memory_space<vmem>>) semaphore(%arg11 : memref<!tpu.dma_semaphore, #tpu.memory_space<semaphore_mem>>)
    %scan3A_114 = arith.constant 0 : i32
    %scan3A_115 = arith.constant 0 : i32
    %scan3A_116 = arith.constant 61 : i32
    %scan3A_117 = arith.addi %scan3A_115, %scan3A_116 : i32
    %scan3A_118 = arith.constant 1 : i32
    %scan3A_119 = scf.for %scan3A_356 = %scan3A_115 to %scan3A_117 step %scan3A_118 iter_args(%scan3A_357 = %scan3A_114) -> (i32)  : i32 {
      %mul3A_358 = arith.constant 2 : i32
      %mul3A_359 = arith.muli %scan3A_356, %mul3A_358 : i32
      %add3A_360 = arith.constant 0 : i32
      %add3A_361 = arith.addi %mul3A_359, %add3A_360 : i32
      %mul3A_362 = arith.constant 80 : i32
      %mul3A_363 = arith.muli %add3A_361, %mul3A_362 : i32
      %add3A_364 = arith.addi %mul3A_2, %mul3A_363 : i32
      %dma_wait3A_365 = arith.constant 1 : i32
      %dma_wait3A_366 = arith.constant 0 : i32
      %dma_wait3A_367 = arith.constant 0 : i32
      %dma_wait3A_368 = tpu.memref_slice %arg7[%dma_wait3A_366, %dma_wait3A_367] : memref<2x80xi32, #tpu.memory_space<vmem>> -> memref<1x80xi32, #tpu.memory_space<vmem>>
      %dma_wait3A_369 = tpu.memref_squeeze %dma_wait3A_368 : memref<1x80xi32, #tpu.memory_space<vmem>> -> memref<80xi32, #tpu.memory_space<vmem>>
      %dma_wait3A_370 = tpu.memref_slice %arg3[%dma_wait3A_365, %add3A_364] : memref<2x320000xi32, #tpu.memory_space<hbm>> -> memref<1x80xi32, #tpu.memory_space<hbm>>
      %dma_wait3A_371 = tpu.memref_squeeze %dma_wait3A_370 : memref<1x80xi32, #tpu.memory_space<hbm>> -> memref<80xi32, #tpu.memory_space<hbm>>
      %dma_wait3A_372 = arith.constant 0 : i32
      %dma_wait3A_373 = tpu.memref_slice %arg7[%dma_wait3A_366, %dma_wait3A_372] : memref<2x80xi32, #tpu.memory_space<vmem>> -> memref<1x80xi32, #tpu.memory_space<vmem>>
      %dma_wait3A_374 = tpu.memref_squeeze %dma_wait3A_373 : memref<1x80xi32, #tpu.memory_space<vmem>> -> memref<80xi32, #tpu.memory_space<vmem>>
      %dma_wait3A_375 = tpu.memref_slice %arg3[%dma_wait3A_365, %add3A_364] : memref<2x320000xi32, #tpu.memory_space<hbm>> -> memref<1x80xi32, #tpu.memory_space<hbm>>
      %dma_wait3A_376 = tpu.memref_squeeze %dma_wait3A_375 : memref<1x80xi32, #tpu.memory_space<hbm>> -> memref<80xi32, #tpu.memory_space<hbm>>
      tpu.wait_dma2 semaphore(%arg12 : memref<!tpu.dma_semaphore, #tpu.memory_space<semaphore_mem>>) src(%dma_wait3A_376 : memref<80xi32, #tpu.memory_space<hbm>>) dst(%dma_wait3A_374 : memref<80xi32, #tpu.memory_space<vmem>>)
      %get3A_377 = arith.constant 0 : i32
      %get3A_378 = arith.index_cast %get3A_377 : i32 to index
      %get3A_379 = arith.constant 0 : index
      %get3A_380 = tpu.vector_load %arg7[%get3A_378, %get3A_379] {strides = array<i32>} : memref<2x80xi32, #tpu.memory_space<vmem>>, vector<16xi32>,
      %shift_right_arithmetic3A_381 = arith.constant 7 : i32
      %shift_right_arithmetic3A_382 = vector.broadcast %shift_right_arithmetic3A_381 : i32 to vector<16xi32>
      %shift_right_arithmetic3A_383 = arith.shrsi %get3A_380, %shift_right_arithmetic3A_382 : vector<16xi32>
      %and3A_384 = arith.constant 127 : i32
      %and3A_385 = vector.broadcast %and3A_384 : i32 to vector<16xi32>
      %and3A_386 = arith.andi %get3A_380, %and3A_385 : vector<16xi32>
      tpu.vector_store_idx %arg14[%shift_right_arithmetic3A_383, %and3A_386], %broadcast_in_dim3A_5 {add = true} : memref<80x128xf32, #tpu.memory_space<vmem>>[vector<16xi32>, vector<16xi32>], vector<16xf32>,
      %get3A_387 = arith.constant 0 : i32
      %get3A_388 = arith.index_cast %get3A_387 : i32 to index
      %get3A_389 = arith.constant 16 : index
      %get3A_390 = tpu.vector_load %arg7[%get3A_388, %get3A_389] {strides = array<i32>} : memref<2x80xi32, #tpu.memory_space<vmem>>, vector<16xi32>,
      %shift_right_arithmetic3A_391 = arith.constant 7 : i32
      %shift_right_arithmetic3A_392 = vector.broadcast %shift_right_arithmetic3A_391 : i32 to vector<16xi32>
      %shift_right_arithmetic3A_393 = arith.shrsi %get3A_390, %shift_right_arithmetic3A_392 : vector<16xi32>
      %and3A_394 = arith.constant 127 : i32
      %and3A_395 = vector.broadcast %and3A_394 : i32 to vector<16xi32>
      %and3A_396 = arith.andi %get3A_390, %and3A_395 : vector<16xi32>
      tpu.vector_store_idx %arg14[%shift_right_arithmetic3A_393, %and3A_396], %broadcast_in_dim3A_5 {add = true} : memref<80x128xf32, #tpu.memory_space<vmem>>[vector<16xi32>, vector<16xi32>], vector<16xf32>,
      %get3A_397 = arith.constant 0 : i32
      %get3A_398 = arith.index_cast %get3A_397 : i32 to index
      %get3A_399 = arith.constant 32 : index
      %get3A_400 = tpu.vector_load %arg7[%get3A_398, %get3A_399] {strides = array<i32>} : memref<2x80xi32, #tpu.memory_space<vmem>>, vector<16xi32>,
      %shift_right_arithmetic3A_401 = arith.constant 7 : i32
      %shift_right_arithmetic3A_402 = vector.broadcast %shift_right_arithmetic3A_401 : i32 to vector<16xi32>
      %shift_right_arithmetic3A_403 = arith.shrsi %get3A_400, %shift_right_arithmetic3A_402 : vector<16xi32>
      %and3A_404 = arith.constant 127 : i32
      %and3A_405 = vector.broadcast %and3A_404 : i32 to vector<16xi32>
      %and3A_406 = arith.andi %get3A_400, %and3A_405 : vector<16xi32>
      tpu.vector_store_idx %arg14[%shift_right_arithmetic3A_403, %and3A_406], %broadcast_in_dim3A_5 {add = true} : memref<80x128xf32, #tpu.memory_space<vmem>>[vector<16xi32>, vector<16xi32>], vector<16xf32>,
      %get3A_407 = arith.constant 0 : i32
      %get3A_408 = arith.index_cast %get3A_407 : i32 to index
      %get3A_409 = arith.constant 48 : index
      %get3A_410 = tpu.vector_load %arg7[%get3A_408, %get3A_409] {strides = array<i32>} : memref<2x80xi32, #tpu.memory_space<vmem>>, vector<16xi32>,
      %shift_right_arithmetic3A_411 = arith.constant 7 : i32
      %shift_right_arithmetic3A_412 = vector.broadcast %shift_right_arithmetic3A_411 : i32 to vector<16xi32>
      %shift_right_arithmetic3A_413 = arith.shrsi %get3A_410, %shift_right_arithmetic3A_412 : vector<16xi32>
      %and3A_414 = arith.constant 127 : i32
      %and3A_415 = vector.broadcast %and3A_414 : i32 to vector<16xi32>
      %and3A_416 = arith.andi %get3A_410, %and3A_415 : vector<16xi32>
      tpu.vector_store_idx %arg14[%shift_right_arithmetic3A_413, %and3A_416], %broadcast_in_dim3A_5 {add = true} : memref<80x128xf32, #tpu.memory_space<vmem>>[vector<16xi32>, vector<16xi32>], vector<16xf32>,
      %get3A_417 = arith.constant 0 : i32
      %get3A_418 = arith.index_cast %get3A_417 : i32 to index
      %get3A_419 = arith.constant 64 : index
      %get3A_420 = tpu.vector_load %arg7[%get3A_418, %get3A_419] {strides = array<i32>} : memref<2x80xi32, #tpu.memory_space<vmem>>, vector<16xi32>,
      %shift_right_arithmetic3A_421 = arith.constant 7 : i32
      %shift_right_arithmetic3A_422 = vector.broadcast %shift_right_arithmetic3A_421 : i32 to vector<16xi32>
      %shift_right_arithmetic3A_423 = arith.shrsi %get3A_420, %shift_right_arithmetic3A_422 : vector<16xi32>
      %and3A_424 = arith.constant 127 : i32
      %and3A_425 = vector.broadcast %and3A_424 : i32 to vector<16xi32>
      %and3A_426 = arith.andi %get3A_420, %and3A_425 : vector<16xi32>
      tpu.vector_store_idx %arg14[%shift_right_arithmetic3A_423, %and3A_426], %broadcast_in_dim3A_5 {add = true} : memref<80x128xf32, #tpu.memory_space<vmem>>[vector<16xi32>, vector<16xi32>], vector<16xf32>,
      %mul3A_427 = arith.constant 80 : i32
      %mul3A_428 = arith.muli %add3A_361, %mul3A_427 : i32
      %dma_wait3A_429 = tpu.memref_slice %arg6[%mul3A_428] : memref<10000xi32, #tpu.memory_space<vmem>> -> memref<80xi32, #tpu.memory_space<vmem>>
      %dma_wait3A_430 = arith.constant 0 : i32
      %dma_wait3A_431 = arith.constant 0 : i32
      %dma_wait3A_432 = tpu.memref_slice %arg2[%dma_wait3A_430, %dma_wait3A_431] : memref<10000x128xf32, #tpu.memory_space<hbm>> -> memref<10000x128xf32, #tpu.memory_space<hbm>>
      tpu.wait_indirect_dma semaphore(%arg10 : memref<!tpu.dma_semaphore, #tpu.memory_space<semaphore_mem>>) src(%dma_wait3A_432 : memref<10000x128xf32, #tpu.memory_space<hbm>>) dst(%arg8 : memref<80x128xf32, #tpu.memory_space<vmem>>)
      %run_scoped3A_433 = arith.constant 0 : i32
      "tpu.region"() ({
        %run_scoped3A_557 = tpu.sem_alloc : memref<!tpu.dma_semaphore, #tpu.memory_space<semaphore_mem>>
        %dma_start3A_558 = arith.constant 0 : i32
        %dma_start3A_559 = tpu.memref_slice %arg7[%run_scoped3A_433, %dma_start3A_558] : memref<2x80xi32, #tpu.memory_space<vmem>> -> memref<1x80xi32, #tpu.memory_space<vmem>>
        %dma_start3A_560 = tpu.memref_squeeze %dma_start3A_559 : memref<1x80xi32, #tpu.memory_space<vmem>> -> memref<80xi32, #tpu.memory_space<vmem>>
        %dma_start3A_561 = arith.constant 0 : i32
        %dma_start3A_562 = arith.constant 0 : i32
        %dma_start3A_563 = tpu.memref_slice %arg16[%dma_start3A_561, %dma_start3A_562] : memref<10000x128xf32, #tpu.memory_space<vmem_shared>> -> memref<10000x128xf32, #tpu.memory_space<vmem_shared>>
        tpu.enqueue_indirect_dma source(%arg8 : memref<80x128xf32, #tpu.memory_space<vmem>>) target(%dma_start3A_563 : memref<10000x128xf32, #tpu.memory_space<vmem_shared>>) offsets(%dma_start3A_560 : memref<80xi32, #tpu.memory_space<vmem>>) semaphore(%run_scoped3A_557 : memref<!tpu.dma_semaphore, #tpu.memory_space<semaphore_mem>>) {add = true}
        %dma_wait3A_564 = arith.constant 0 : i32
        %dma_wait3A_565 = tpu.memref_slice %arg7[%run_scoped3A_433, %dma_wait3A_564] : memref<2x80xi32, #tpu.memory_space<vmem>> -> memref<1x80xi32, #tpu.memory_space<vmem>>
        %dma_wait3A_566 = tpu.memref_squeeze %dma_wait3A_565 : memref<1x80xi32, #tpu.memory_space<vmem>> -> memref<80xi32, #tpu.memory_space<vmem>>
        %dma_wait3A_567 = arith.constant 0 : i32
        %dma_wait3A_568 = arith.constant 0 : i32
        %dma_wait3A_569 = tpu.memref_slice %arg16[%dma_wait3A_567, %dma_wait3A_568] : memref<10000x128xf32, #tpu.memory_space<vmem_shared>> -> memref<10000x128xf32, #tpu.memory_space<vmem_shared>>
        tpu.wait_indirect_dma semaphore(%run_scoped3A_557 : memref<!tpu.dma_semaphore, #tpu.memory_space<semaphore_mem>>) src(%arg8 : memref<80x128xf32, #tpu.memory_space<vmem>>) dst(%dma_wait3A_569 : memref<10000x128xf32, #tpu.memory_space<vmem_shared>>)
        tpu.yield
      }) : () -> ()
      %add3A_434 = arith.constant 2 : i32
      %add3A_435 = arith.addi %add3A_361, %add3A_434 : i32
      %mul3A_436 = arith.constant 80 : i32
      %mul3A_437 = arith.muli %add3A_435, %mul3A_436 : i32
      %add3A_438 = arith.addi %mul3A_2, %mul3A_437 : i32
      %dma_start3A_439 = arith.constant 1 : i32
      %dma_start3A_440 = arith.constant 0 : i32
      %dma_start3A_441 = arith.constant 0 : i32
      %dma_start3A_442 = tpu.memref_slice %arg7[%dma_start3A_440, %dma_start3A_441] : memref<2x80xi32, #tpu.memory_space<vmem>> -> memref<1x80xi32, #tpu.memory_space<vmem>>
      %dma_start3A_443 = tpu.memref_squeeze %dma_start3A_442 : memref<1x80xi32, #tpu.memory_space<vmem>> -> memref<80xi32, #tpu.memory_space<vmem>>
      %dma_start3A_444 = tpu.memref_slice %arg3[%dma_start3A_439, %add3A_438] : memref<2x320000xi32, #tpu.memory_space<hbm>> -> memref<1x80xi32, #tpu.memory_space<hbm>>
      %dma_start3A_445 = tpu.memref_squeeze %dma_start3A_444 : memref<1x80xi32, #tpu.memory_space<hbm>> -> memref<80xi32, #tpu.memory_space<hbm>>
      %dma_start3A_446 = arith.constant 0 : i32
      %dma_start3A_447 = tpu.memref_slice %arg7[%dma_start3A_440, %dma_start3A_446] : memref<2x80xi32, #tpu.memory_space<vmem>> -> memref<1x80xi32, #tpu.memory_space<vmem>>
      %dma_start3A_448 = tpu.memref_squeeze %dma_start3A_447 : memref<1x80xi32, #tpu.memory_space<vmem>> -> memref<80xi32, #tpu.memory_space<vmem>>
      %dma_start3A_449 = tpu.memref_slice %arg3[%dma_start3A_439, %add3A_438] : memref<2x320000xi32, #tpu.memory_space<hbm>> -> memref<1x80xi32, #tpu.memory_space<hbm>>
      %dma_start3A_450 = tpu.memref_squeeze %dma_start3A_449 : memref<1x80xi32, #tpu.memory_space<hbm>> -> memref<80xi32, #tpu.memory_space<hbm>>
      tpu.enqueue_dma source(%dma_start3A_450 : memref<80xi32, #tpu.memory_space<hbm>>) target(%dma_start3A_448 : memref<80xi32, #tpu.memory_space<vmem>>) target_semaphore(%arg12 : memref<!tpu.dma_semaphore, #tpu.memory_space<semaphore_mem>>)
      %mul3A_451 = arith.constant 80 : i32
      %mul3A_452 = arith.muli %add3A_435, %mul3A_451 : i32
      %dma_start3A_453 = tpu.memref_slice %arg6[%mul3A_452] : memref<10000xi32, #tpu.memory_space<vmem>> -> memref<80xi32, #tpu.memory_space<vmem>>
      %dma_start3A_454 = arith.constant 0 : i32
      %dma_start3A_455 = arith.constant 0 : i32
      %dma_start3A_456 = tpu.memref_slice %arg2[%dma_start3A_454, %dma_start3A_455] : memref<10000x128xf32, #tpu.memory_space<hbm>> -> memref<10000x128xf32, #tpu.memory_space<hbm>>
      tpu.enqueue_indirect_dma source(%dma_start3A_456 : memref<10000x128xf32, #tpu.memory_space<hbm>>) target(%arg8 : memref<80x128xf32, #tpu.memory_space<vmem>>) offsets(%dma_start3A_453 : memref<80xi32, #tpu.memory_space<vmem>>) semaphore(%arg10 : memref<!tpu.dma_semaphore, #tpu.memory_space<semaphore_mem>>)
      %mul3A_457 = arith.constant 2 : i32
      %mul3A_458 = arith.muli %scan3A_356, %mul3A_457 : i32
      %add3A_459 = arith.constant 1 : i32
      %add3A_460 = arith.addi %mul3A_458, %add3A_459 : i32
      %mul3A_461 = arith.constant 80 : i32
      %mul3A_462 = arith.muli %add3A_460, %mul3A_461 : i32
      %add3A_463 = arith.addi %mul3A_2, %mul3A_462 : i32
      %dma_wait3A_464 = arith.constant 1 : i32
      %dma_wait3A_465 = arith.constant 1 : i32
      %dma_wait3A_466 = arith.constant 0 : i32
      %dma_wait3A_467 = tpu.memref_slice %arg7[%dma_wait3A_465, %dma_wait3A_466] : memref<2x80xi32, #tpu.memory_space<vmem>> -> memref<1x80xi32, #tpu.memory_space<vmem>>
      %dma_wait3A_468 = tpu.memref_squeeze %dma_wait3A_467 : memref<1x80xi32, #tpu.memory_space<vmem>> -> memref<80xi32, #tpu.memory_space<vmem>>
      %dma_wait3A_469 = tpu.memref_slice %arg3[%dma_wait3A_464, %add3A_463] : memref<2x320000xi32, #tpu.memory_space<hbm>> -> memref<1x80xi32, #tpu.memory_space<hbm>>
      %dma_wait3A_470 = tpu.memref_squeeze %dma_wait3A_469 : memref<1x80xi32, #tpu.memory_space<hbm>> -> memref<80xi32, #tpu.memory_space<hbm>>
      %dma_wait3A_471 = arith.constant 0 : i32
      %dma_wait3A_472 = tpu.memref_slice %arg7[%dma_wait3A_465, %dma_wait3A_471] : memref<2x80xi32, #tpu.memory_space<vmem>> -> memref<1x80xi32, #tpu.memory_space<vmem>>
      %dma_wait3A_473 = tpu.memref_squeeze %dma_wait3A_472 : memref<1x80xi32, #tpu.memory_space<vmem>> -> memref<80xi32, #tpu.memory_space<vmem>>
      %dma_wait3A_474 = tpu.memref_slice %arg3[%dma_wait3A_464, %add3A_463] : memref<2x320000xi32, #tpu.memory_space<hbm>> -> memref<1x80xi32, #tpu.memory_space<hbm>>
      %dma_wait3A_475 = tpu.memref_squeeze %dma_wait3A_474 : memref<1x80xi32, #tpu.memory_space<hbm>> -> memref<80xi32, #tpu.memory_space<hbm>>
      tpu.wait_dma2 semaphore(%arg13 : memref<!tpu.dma_semaphore, #tpu.memory_space<semaphore_mem>>) src(%dma_wait3A_475 : memref<80xi32, #tpu.memory_space<hbm>>) dst(%dma_wait3A_473 : memref<80xi32, #tpu.memory_space<vmem>>)
      %get3A_476 = arith.constant 1 : i32
      %get3A_477 = arith.index_cast %get3A_476 : i32 to index
      %get3A_478 = arith.constant 0 : index
      %get3A_479 = tpu.vector_load %arg7[%get3A_477, %get3A_478] {strides = array<i32>} : memref<2x80xi32, #tpu.memory_space<vmem>>, vector<16xi32>,
      %shift_right_arithmetic3A_480 = arith.constant 7 : i32
      %shift_right_arithmetic3A_481 = vector.broadcast %shift_right_arithmetic3A_480 : i32 to vector<16xi32>
      %shift_right_arithmetic3A_482 = arith.shrsi %get3A_479, %shift_right_arithmetic3A_481 : vector<16xi32>
      %and3A_483 = arith.constant 127 : i32
      %and3A_484 = vector.broadcast %and3A_483 : i32 to vector<16xi32>
      %and3A_485 = arith.andi %get3A_479, %and3A_484 : vector<16xi32>
      tpu.vector_store_idx %arg14[%shift_right_arithmetic3A_482, %and3A_485], %broadcast_in_dim3A_5 {add = true} : memref<80x128xf32, #tpu.memory_space<vmem>>[vector<16xi32>, vector<16xi32>], vector<16xf32>,
      %get3A_486 = arith.constant 1 : i32
      %get3A_487 = arith.index_cast %get3A_486 : i32 to index
      %get3A_488 = arith.constant 16 : index
      %get3A_489 = tpu.vector_load %arg7[%get3A_487, %get3A_488] {strides = array<i32>} : memref<2x80xi32, #tpu.memory_space<vmem>>, vector<16xi32>,
      %shift_right_arithmetic3A_490 = arith.constant 7 : i32
      %shift_right_arithmetic3A_491 = vector.broadcast %shift_right_arithmetic3A_490 : i32 to vector<16xi32>
      %shift_right_arithmetic3A_492 = arith.shrsi %get3A_489, %shift_right_arithmetic3A_491 : vector<16xi32>
      %and3A_493 = arith.constant 127 : i32
      %and3A_494 = vector.broadcast %and3A_493 : i32 to vector<16xi32>
      %and3A_495 = arith.andi %get3A_489, %and3A_494 : vector<16xi32>
      tpu.vector_store_idx %arg14[%shift_right_arithmetic3A_492, %and3A_495], %broadcast_in_dim3A_5 {add = true} : memref<80x128xf32, #tpu.memory_space<vmem>>[vector<16xi32>, vector<16xi32>], vector<16xf32>,
      %get3A_496 = arith.constant 1 : i32
      %get3A_497 = arith.index_cast %get3A_496 : i32 to index
      %get3A_498 = arith.constant 32 : index
      %get3A_499 = tpu.vector_load %arg7[%get3A_497, %get3A_498] {strides = array<i32>} : memref<2x80xi32, #tpu.memory_space<vmem>>, vector<16xi32>,
      %shift_right_arithmetic3A_500 = arith.constant 7 : i32
      %shift_right_arithmetic3A_501 = vector.broadcast %shift_right_arithmetic3A_500 : i32 to vector<16xi32>
      %shift_right_arithmetic3A_502 = arith.shrsi %get3A_499, %shift_right_arithmetic3A_501 : vector<16xi32>
      %and3A_503 = arith.constant 127 : i32
      %and3A_504 = vector.broadcast %and3A_503 : i32 to vector<16xi32>
      %and3A_505 = arith.andi %get3A_499, %and3A_504 : vector<16xi32>
      tpu.vector_store_idx %arg14[%shift_right_arithmetic3A_502, %and3A_505], %broadcast_in_dim3A_5 {add = true} : memref<80x128xf32, #tpu.memory_space<vmem>>[vector<16xi32>, vector<16xi32>], vector<16xf32>,
      %get3A_506 = arith.constant 1 : i32
      %get3A_507 = arith.index_cast %get3A_506 : i32 to index
      %get3A_508 = arith.constant 48 : index
      %get3A_509 = tpu.vector_load %arg7[%get3A_507, %get3A_508] {strides = array<i32>} : memref<2x80xi32, #tpu.memory_space<vmem>>, vector<16xi32>,
      %shift_right_arithmetic3A_510 = arith.constant 7 : i32
      %shift_right_arithmetic3A_511 = vector.broadcast %shift_right_arithmetic3A_510 : i32 to vector<16xi32>
      %shift_right_arithmetic3A_512 = arith.shrsi %get3A_509, %shift_right_arithmetic3A_511 : vector<16xi32>
      %and3A_513 = arith.constant 127 : i32
      %and3A_514 = vector.broadcast %and3A_513 : i32 to vector<16xi32>
      %and3A_515 = arith.andi %get3A_509, %and3A_514 : vector<16xi32>
      tpu.vector_store_idx %arg14[%shift_right_arithmetic3A_512, %and3A_515], %broadcast_in_dim3A_5 {add = true} : memref<80x128xf32, #tpu.memory_space<vmem>>[vector<16xi32>, vector<16xi32>], vector<16xf32>,
      %get3A_516 = arith.constant 1 : i32
      %get3A_517 = arith.index_cast %get3A_516 : i32 to index
      %get3A_518 = arith.constant 64 : index
      %get3A_519 = tpu.vector_load %arg7[%get3A_517, %get3A_518] {strides = array<i32>} : memref<2x80xi32, #tpu.memory_space<vmem>>, vector<16xi32>,
      %shift_right_arithmetic3A_520 = arith.constant 7 : i32
      %shift_right_arithmetic3A_521 = vector.broadcast %shift_right_arithmetic3A_520 : i32 to vector<16xi32>
      %shift_right_arithmetic3A_522 = arith.shrsi %get3A_519, %shift_right_arithmetic3A_521 : vector<16xi32>
      %and3A_523 = arith.constant 127 : i32
      %and3A_524 = vector.broadcast %and3A_523 : i32 to vector<16xi32>
      %and3A_525 = arith.andi %get3A_519, %and3A_524 : vector<16xi32>
      tpu.vector_store_idx %arg14[%shift_right_arithmetic3A_522, %and3A_525], %broadcast_in_dim3A_5 {add = true} : memref<80x128xf32, #tpu.memory_space<vmem>>[vector<16xi32>, vector<16xi32>], vector<16xf32>,
      %mul3A_526 = arith.constant 80 : i32
      %mul3A_527 = arith.muli %add3A_460, %mul3A_526 : i32
      %dma_wait3A_528 = tpu.memref_slice %arg6[%mul3A_527] : memref<10000xi32, #tpu.memory_space<vmem>> -> memref<80xi32, #tpu.memory_space<vmem>>
      %dma_wait3A_529 = arith.constant 0 : i32
      %dma_wait3A_530 = arith.constant 0 : i32
      %dma_wait3A_531 = tpu.memref_slice %arg2[%dma_wait3A_529, %dma_wait3A_530] : memref<10000x128xf32, #tpu.memory_space<hbm>> -> memref<10000x128xf32, #tpu.memory_space<hbm>>
      tpu.wait_indirect_dma semaphore(%arg11 : memref<!tpu.dma_semaphore, #tpu.memory_space<semaphore_mem>>) src(%dma_wait3A_531 : memref<10000x128xf32, #tpu.memory_space<hbm>>) dst(%arg9 : memref<80x128xf32, #tpu.memory_space<vmem>>)
      %run_scoped3A_532 = arith.constant 1 : i32
      "tpu.region"() ({
        %run_scoped3A_557 = tpu.sem_alloc : memref<!tpu.dma_semaphore, #tpu.memory_space<semaphore_mem>>
        %dma_start3A_558 = arith.constant 0 : i32
        %dma_start3A_559 = tpu.memref_slice %arg7[%run_scoped3A_532, %dma_start3A_558] : memref<2x80xi32, #tpu.memory_space<vmem>> -> memref<1x80xi32, #tpu.memory_space<vmem>>
        %dma_start3A_560 = tpu.memref_squeeze %dma_start3A_559 : memref<1x80xi32, #tpu.memory_space<vmem>> -> memref<80xi32, #tpu.memory_space<vmem>>
        %dma_start3A_561 = arith.constant 0 : i32
        %dma_start3A_562 = arith.constant 0 : i32
        %dma_start3A_563 = tpu.memref_slice %arg16[%dma_start3A_561, %dma_start3A_562] : memref<10000x128xf32, #tpu.memory_space<vmem_shared>> -> memref<10000x128xf32, #tpu.memory_space<vmem_shared>>
        tpu.enqueue_indirect_dma source(%arg9 : memref<80x128xf32, #tpu.memory_space<vmem>>) target(%dma_start3A_563 : memref<10000x128xf32, #tpu.memory_space<vmem_shared>>) offsets(%dma_start3A_560 : memref<80xi32, #tpu.memory_space<vmem>>) semaphore(%run_scoped3A_557 : memref<!tpu.dma_semaphore, #tpu.memory_space<semaphore_mem>>) {add = true}
        %dma_wait3A_564 = arith.constant 0 : i32
        %dma_wait3A_565 = tpu.memref_slice %arg7[%run_scoped3A_532, %dma_wait3A_564] : memref<2x80xi32, #tpu.memory_space<vmem>> -> memref<1x80xi32, #tpu.memory_space<vmem>>
        %dma_wait3A_566 = tpu.memref_squeeze %dma_wait3A_565 : memref<1x80xi32, #tpu.memory_space<vmem>> -> memref<80xi32, #tpu.memory_space<vmem>>
        %dma_wait3A_567 = arith.constant 0 : i32
        %dma_wait3A_568 = arith.constant 0 : i32
        %dma_wait3A_569 = tpu.memref_slice %arg16[%dma_wait3A_567, %dma_wait3A_568] : memref<10000x128xf32, #tpu.memory_space<vmem_shared>> -> memref<10000x128xf32, #tpu.memory_space<vmem_shared>>
        tpu.wait_indirect_dma semaphore(%run_scoped3A_557 : memref<!tpu.dma_semaphore, #tpu.memory_space<semaphore_mem>>) src(%arg9 : memref<80x128xf32, #tpu.memory_space<vmem>>) dst(%dma_wait3A_569 : memref<10000x128xf32, #tpu.memory_space<vmem_shared>>)
        tpu.yield
      }) : () -> ()
      %add3A_533 = arith.constant 2 : i32
      %add3A_534 = arith.addi %add3A_460, %add3A_533 : i32
      %mul3A_535 = arith.constant 80 : i32
      %mul3A_536 = arith.muli %add3A_534, %mul3A_535 : i32
      %add3A_537 = arith.addi %mul3A_2, %mul3A_536 : i32
      %dma_start3A_538 = arith.constant 1 : i32
      %dma_start3A_539 = arith.constant 1 : i32
      %dma_start3A_540 = arith.constant 0 : i32
      %dma_start3A_541 = tpu.memref_slice %arg7[%dma_start3A_539, %dma_start3A_540] : memref<2x80xi32, #tpu.memory_space<vmem>> -> memref<1x80xi32, #tpu.memory_space<vmem>>
      %dma_start3A_542 = tpu.memref_squeeze %dma_start3A_541 : memref<1x80xi32, #tpu.memory_space<vmem>> -> memref<80xi32, #tpu.memory_space<vmem>>
      %dma_start3A_543 = tpu.memref_slice %arg3[%dma_start3A_538, %add3A_537] : memref<2x320000xi32, #tpu.memory_space<hbm>> -> memref<1x80xi32, #tpu.memory_space<hbm>>
      %dma_start3A_544 = tpu.memref_squeeze %dma_start3A_543 : memref<1x80xi32, #tpu.memory_space<hbm>> -> memref<80xi32, #tpu.memory_space<hbm>>
      %dma_start3A_545 = arith.constant 0 : i32
      %dma_start3A_546 = tpu.memref_slice %arg7[%dma_start3A_539, %dma_start3A_545] : memref<2x80xi32, #tpu.memory_space<vmem>> -> memref<1x80xi32, #tpu.memory_space<vmem>>
      %dma_start3A_547 = tpu.memref_squeeze %dma_start3A_546 : memref<1x80xi32, #tpu.memory_space<vmem>> -> memref<80xi32, #tpu.memory_space<vmem>>
      %dma_start3A_548 = tpu.memref_slice %arg3[%dma_start3A_538, %add3A_537] : memref<2x320000xi32, #tpu.memory_space<hbm>> -> memref<1x80xi32, #tpu.memory_space<hbm>>
      %dma_start3A_549 = tpu.memref_squeeze %dma_start3A_548 : memref<1x80xi32, #tpu.memory_space<hbm>> -> memref<80xi32, #tpu.memory_space<hbm>>
      tpu.enqueue_dma source(%dma_start3A_549 : memref<80xi32, #tpu.memory_space<hbm>>) target(%dma_start3A_547 : memref<80xi32, #tpu.memory_space<vmem>>) target_semaphore(%arg13 : memref<!tpu.dma_semaphore, #tpu.memory_space<semaphore_mem>>)
      %mul3A_550 = arith.constant 80 : i32
      %mul3A_551 = arith.muli %add3A_534, %mul3A_550 : i32
      %dma_start3A_552 = tpu.memref_slice %arg6[%mul3A_551] : memref<10000xi32, #tpu.memory_space<vmem>> -> memref<80xi32, #tpu.memory_space<vmem>>
      %dma_start3A_553 = arith.constant 0 : i32
      %dma_start3A_554 = arith.constant 0 : i32
      %dma_start3A_555 = tpu.memref_slice %arg2[%dma_start3A_553, %dma_start3A_554] : memref<10000x128xf32, #tpu.memory_space<hbm>> -> memref<10000x128xf32, #tpu.memory_space<hbm>>
      tpu.enqueue_indirect_dma source(%dma_start3A_555 : memref<10000x128xf32, #tpu.memory_space<hbm>>) target(%arg9 : memref<80x128xf32, #tpu.memory_space<vmem>>) offsets(%dma_start3A_552 : memref<80xi32, #tpu.memory_space<vmem>>) semaphore(%arg11 : memref<!tpu.dma_semaphore, #tpu.memory_space<semaphore_mem>>)
      %scan3A_556 = arith.constant 0 : i32
      scf.yield %scan3A_556 : i32
    }
    %scan3A_120 = arith.constant 61 : i32
    %add3A_121 = arith.constant 9760 : i32
    %add3A_122 = arith.addi %mul3A_2, %add3A_121 : i32
    %dma_wait3A = arith.constant 1 : i32
    %dma_wait3A_123 = arith.constant 0 : i32
    %dma_wait3A_124 = arith.constant 0 : i32
    %dma_wait3A_125 = tpu.memref_slice %arg7[%dma_wait3A_123, %dma_wait3A_124] : memref<2x80xi32, #tpu.memory_space<vmem>> -> memref<1x80xi32, #tpu.memory_space<vmem>>
    %dma_wait3A_126 = tpu.memref_squeeze %dma_wait3A_125 : memref<1x80xi32, #tpu.memory_space<vmem>> -> memref<80xi32, #tpu.memory_space<vmem>>
    %dma_wait3A_127 = tpu.memref_slice %arg3[%dma_wait3A, %add3A_122] : memref<2x320000xi32, #tpu.memory_space<hbm>> -> memref<1x80xi32, #tpu.memory_space<hbm>>
    %dma_wait3A_128 = tpu.memref_squeeze %dma_wait3A_127 : memref<1x80xi32, #tpu.memory_space<hbm>> -> memref<80xi32, #tpu.memory_space<hbm>>
    %dma_wait3A_129 = arith.constant 0 : i32
    %dma_wait3A_130 = tpu.memref_slice %arg7[%dma_wait3A_123, %dma_wait3A_129] : memref<2x80xi32, #tpu.memory_space<vmem>> -> memref<1x80xi32, #tpu.memory_space<vmem>>
    %dma_wait3A_131 = tpu.memref_squeeze %dma_wait3A_130 : memref<1x80xi32, #tpu.memory_space<vmem>> -> memref<80xi32, #tpu.memory_space<vmem>>
    %dma_wait3A_132 = tpu.memref_slice %arg3[%dma_wait3A, %add3A_122] : memref<2x320000xi32, #tpu.memory_space<hbm>> -> memref<1x80xi32, #tpu.memory_space<hbm>>
    %dma_wait3A_133 = tpu.memref_squeeze %dma_wait3A_132 : memref<1x80xi32, #tpu.memory_space<hbm>> -> memref<80xi32, #tpu.memory_space<hbm>>
    tpu.wait_dma2 semaphore(%arg12 : memref<!tpu.dma_semaphore, #tpu.memory_space<semaphore_mem>>) src(%dma_wait3A_133 : memref<80xi32, #tpu.memory_space<hbm>>) dst(%dma_wait3A_131 : memref<80xi32, #tpu.memory_space<vmem>>)
    %get3A = arith.constant 0 : i32
    %get3A_134 = arith.index_cast %get3A : i32 to index
    %get3A_135 = arith.constant 0 : index
    %get3A_136 = tpu.vector_load %arg7[%get3A_134, %get3A_135] {strides = array<i32>} : memref<2x80xi32, #tpu.memory_space<vmem>>, vector<16xi32>,
    %shift_right_arithmetic3A = arith.constant 7 : i32
    %shift_right_arithmetic3A_137 = vector.broadcast %shift_right_arithmetic3A : i32 to vector<16xi32>
    %shift_right_arithmetic3A_138 = arith.shrsi %get3A_136, %shift_right_arithmetic3A_137 : vector<16xi32>
    %and3A = arith.constant 127 : i32
    %and3A_139 = vector.broadcast %and3A : i32 to vector<16xi32>
    %and3A_140 = arith.andi %get3A_136, %and3A_139 : vector<16xi32>
    tpu.vector_store_idx %arg14[%shift_right_arithmetic3A_138, %and3A_140], %broadcast_in_dim3A_5 {add = true} : memref<80x128xf32, #tpu.memory_space<vmem>>[vector<16xi32>, vector<16xi32>], vector<16xf32>,
    %get3A_141 = arith.constant 0 : i32
    %get3A_142 = arith.index_cast %get3A_141 : i32 to index
    %get3A_143 = arith.constant 16 : index
    %get3A_144 = tpu.vector_load %arg7[%get3A_142, %get3A_143] {strides = array<i32>} : memref<2x80xi32, #tpu.memory_space<vmem>>, vector<16xi32>,
    %shift_right_arithmetic3A_145 = arith.constant 7 : i32
    %shift_right_arithmetic3A_146 = vector.broadcast %shift_right_arithmetic3A_145 : i32 to vector<16xi32>
    %shift_right_arithmetic3A_147 = arith.shrsi %get3A_144, %shift_right_arithmetic3A_146 : vector<16xi32>
    %and3A_148 = arith.constant 127 : i32
    %and3A_149 = vector.broadcast %and3A_148 : i32 to vector<16xi32>
    %and3A_150 = arith.andi %get3A_144, %and3A_149 : vector<16xi32>
    tpu.vector_store_idx %arg14[%shift_right_arithmetic3A_147, %and3A_150], %broadcast_in_dim3A_5 {add = true} : memref<80x128xf32, #tpu.memory_space<vmem>>[vector<16xi32>, vector<16xi32>], vector<16xf32>,
    %get3A_151 = arith.constant 0 : i32
    %get3A_152 = arith.index_cast %get3A_151 : i32 to index
    %get3A_153 = arith.constant 32 : index
    %get3A_154 = tpu.vector_load %arg7[%get3A_152, %get3A_153] {strides = array<i32>} : memref<2x80xi32, #tpu.memory_space<vmem>>, vector<16xi32>,
    %shift_right_arithmetic3A_155 = arith.constant 7 : i32
    %shift_right_arithmetic3A_156 = vector.broadcast %shift_right_arithmetic3A_155 : i32 to vector<16xi32>
    %shift_right_arithmetic3A_157 = arith.shrsi %get3A_154, %shift_right_arithmetic3A_156 : vector<16xi32>
    %and3A_158 = arith.constant 127 : i32
    %and3A_159 = vector.broadcast %and3A_158 : i32 to vector<16xi32>
    %and3A_160 = arith.andi %get3A_154, %and3A_159 : vector<16xi32>
    tpu.vector_store_idx %arg14[%shift_right_arithmetic3A_157, %and3A_160], %broadcast_in_dim3A_5 {add = true} : memref<80x128xf32, #tpu.memory_space<vmem>>[vector<16xi32>, vector<16xi32>], vector<16xf32>,
    %get3A_161 = arith.constant 0 : i32
    %get3A_162 = arith.index_cast %get3A_161 : i32 to index
    %get3A_163 = arith.constant 48 : index
    %get3A_164 = tpu.vector_load %arg7[%get3A_162, %get3A_163] {strides = array<i32>} : memref<2x80xi32, #tpu.memory_space<vmem>>, vector<16xi32>,
    %shift_right_arithmetic3A_165 = arith.constant 7 : i32
    %shift_right_arithmetic3A_166 = vector.broadcast %shift_right_arithmetic3A_165 : i32 to vector<16xi32>
    %shift_right_arithmetic3A_167 = arith.shrsi %get3A_164, %shift_right_arithmetic3A_166 : vector<16xi32>
    %and3A_168 = arith.constant 127 : i32
    %and3A_169 = vector.broadcast %and3A_168 : i32 to vector<16xi32>
    %and3A_170 = arith.andi %get3A_164, %and3A_169 : vector<16xi32>
    tpu.vector_store_idx %arg14[%shift_right_arithmetic3A_167, %and3A_170], %broadcast_in_dim3A_5 {add = true} : memref<80x128xf32, #tpu.memory_space<vmem>>[vector<16xi32>, vector<16xi32>], vector<16xf32>,
    %get3A_171 = arith.constant 0 : i32
    %get3A_172 = arith.index_cast %get3A_171 : i32 to index
    %get3A_173 = arith.constant 64 : index
    %get3A_174 = tpu.vector_load %arg7[%get3A_172, %get3A_173] {strides = array<i32>} : memref<2x80xi32, #tpu.memory_space<vmem>>, vector<16xi32>,
    %shift_right_arithmetic3A_175 = arith.constant 7 : i32
    %shift_right_arithmetic3A_176 = vector.broadcast %shift_right_arithmetic3A_175 : i32 to vector<16xi32>
    %shift_right_arithmetic3A_177 = arith.shrsi %get3A_174, %shift_right_arithmetic3A_176 : vector<16xi32>
    %and3A_178 = arith.constant 127 : i32
    %and3A_179 = vector.broadcast %and3A_178 : i32 to vector<16xi32>
    %and3A_180 = arith.andi %get3A_174, %and3A_179 : vector<16xi32>
    tpu.vector_store_idx %arg14[%shift_right_arithmetic3A_177, %and3A_180], %broadcast_in_dim3A_5 {add = true} : memref<80x128xf32, #tpu.memory_space<vmem>>[vector<16xi32>, vector<16xi32>], vector<16xf32>,
    %dma_wait3A_181 = arith.constant 9760 : i32
    %dma_wait3A_182 = tpu.memref_slice %arg6[%dma_wait3A_181] : memref<10000xi32, #tpu.memory_space<vmem>> -> memref<80xi32, #tpu.memory_space<vmem>>
    %dma_wait3A_183 = arith.constant 0 : i32
    %dma_wait3A_184 = arith.constant 0 : i32
    %dma_wait3A_185 = tpu.memref_slice %arg2[%dma_wait3A_183, %dma_wait3A_184] : memref<10000x128xf32, #tpu.memory_space<hbm>> -> memref<10000x128xf32, #tpu.memory_space<hbm>>
    tpu.wait_indirect_dma semaphore(%arg10 : memref<!tpu.dma_semaphore, #tpu.memory_space<semaphore_mem>>) src(%dma_wait3A_185 : memref<10000x128xf32, #tpu.memory_space<hbm>>) dst(%arg8 : memref<80x128xf32, #tpu.memory_space<vmem>>)
    %run_scoped3A_186 = arith.constant 0 : i32
    "tpu.region"() ({
      %run_scoped3A_356 = tpu.sem_alloc : memref<!tpu.dma_semaphore, #tpu.memory_space<semaphore_mem>>
      %dma_start3A_357 = arith.constant 0 : i32
      %dma_start3A_358 = tpu.memref_slice %arg7[%run_scoped3A_186, %dma_start3A_357] : memref<2x80xi32, #tpu.memory_space<vmem>> -> memref<1x80xi32, #tpu.memory_space<vmem>>
      %dma_start3A_359 = tpu.memref_squeeze %dma_start3A_358 : memref<1x80xi32, #tpu.memory_space<vmem>> -> memref<80xi32, #tpu.memory_space<vmem>>
      %dma_start3A_360 = arith.constant 0 : i32
      %dma_start3A_361 = arith.constant 0 : i32
      %dma_start3A_362 = tpu.memref_slice %arg16[%dma_start3A_360, %dma_start3A_361] : memref<10000x128xf32, #tpu.memory_space<vmem_shared>> -> memref<10000x128xf32, #tpu.memory_space<vmem_shared>>
      tpu.enqueue_indirect_dma source(%arg8 : memref<80x128xf32, #tpu.memory_space<vmem>>) target(%dma_start3A_362 : memref<10000x128xf32, #tpu.memory_space<vmem_shared>>) offsets(%dma_start3A_359 : memref<80xi32, #tpu.memory_space<vmem>>) semaphore(%run_scoped3A_356 : memref<!tpu.dma_semaphore, #tpu.memory_space<semaphore_mem>>) {add = true}
      %dma_wait3A_363 = arith.constant 0 : i32
      %dma_wait3A_364 = tpu.memref_slice %arg7[%run_scoped3A_186, %dma_wait3A_363] : memref<2x80xi32, #tpu.memory_space<vmem>> -> memref<1x80xi32, #tpu.memory_space<vmem>>
      %dma_wait3A_365 = tpu.memref_squeeze %dma_wait3A_364 : memref<1x80xi32, #tpu.memory_space<vmem>> -> memref<80xi32, #tpu.memory_space<vmem>>
      %dma_wait3A_366 = arith.constant 0 : i32
      %dma_wait3A_367 = arith.constant 0 : i32
      %dma_wait3A_368 = tpu.memref_slice %arg16[%dma_wait3A_366, %dma_wait3A_367] : memref<10000x128xf32, #tpu.memory_space<vmem_shared>> -> memref<10000x128xf32, #tpu.memory_space<vmem_shared>>
      tpu.wait_indirect_dma semaphore(%run_scoped3A_356 : memref<!tpu.dma_semaphore, #tpu.memory_space<semaphore_mem>>) src(%arg8 : memref<80x128xf32, #tpu.memory_space<vmem>>) dst(%dma_wait3A_368 : memref<10000x128xf32, #tpu.memory_space<vmem_shared>>)
      tpu.yield
    }) : () -> ()
    %add3A_187 = arith.constant 9840 : i32
    %add3A_188 = arith.addi %mul3A_2, %add3A_187 : i32
    %dma_wait3A_189 = arith.constant 1 : i32
    %dma_wait3A_190 = arith.constant 1 : i32
    %dma_wait3A_191 = arith.constant 0 : i32
    %dma_wait3A_192 = tpu.memref_slice %arg7[%dma_wait3A_190, %dma_wait3A_191] : memref<2x80xi32, #tpu.memory_space<vmem>> -> memref<1x80xi32, #tpu.memory_space<vmem>>
    %dma_wait3A_193 = tpu.memref_squeeze %dma_wait3A_192 : memref<1x80xi32, #tpu.memory_space<vmem>> -> memref<80xi32, #tpu.memory_space<vmem>>
    %dma_wait3A_194 = tpu.memref_slice %arg3[%dma_wait3A_189, %add3A_188] : memref<2x320000xi32, #tpu.memory_space<hbm>> -> memref<1x80xi32, #tpu.memory_space<hbm>>
    %dma_wait3A_195 = tpu.memref_squeeze %dma_wait3A_194 : memref<1x80xi32, #tpu.memory_space<hbm>> -> memref<80xi32, #tpu.memory_space<hbm>>
    %dma_wait3A_196 = arith.constant 0 : i32
    %dma_wait3A_197 = tpu.memref_slice %arg7[%dma_wait3A_190, %dma_wait3A_196] : memref<2x80xi32, #tpu.memory_space<vmem>> -> memref<1x80xi32, #tpu.memory_space<vmem>>
    %dma_wait3A_198 = tpu.memref_squeeze %dma_wait3A_197 : memref<1x80xi32, #tpu.memory_space<vmem>> -> memref<80xi32, #tpu.memory_space<vmem>>
    %dma_wait3A_199 = tpu.memref_slice %arg3[%dma_wait3A_189, %add3A_188] : memref<2x320000xi32, #tpu.memory_space<hbm>> -> memref<1x80xi32, #tpu.memory_space<hbm>>
    %dma_wait3A_200 = tpu.memref_squeeze %dma_wait3A_199 : memref<1x80xi32, #tpu.memory_space<hbm>> -> memref<80xi32, #tpu.memory_space<hbm>>
    tpu.wait_dma2 semaphore(%arg13 : memref<!tpu.dma_semaphore, #tpu.memory_space<semaphore_mem>>) src(%dma_wait3A_200 : memref<80xi32, #tpu.memory_space<hbm>>) dst(%dma_wait3A_198 : memref<80xi32, #tpu.memory_space<vmem>>)
    %get3A_201 = arith.constant 1 : i32
    %get3A_202 = arith.index_cast %get3A_201 : i32 to index
    %get3A_203 = arith.constant 0 : index
    %get3A_204 = tpu.vector_load %arg7[%get3A_202, %get3A_203] {strides = array<i32>} : memref<2x80xi32, #tpu.memory_space<vmem>>, vector<16xi32>,
    %shift_right_arithmetic3A_205 = arith.constant 7 : i32
    %shift_right_arithmetic3A_206 = vector.broadcast %shift_right_arithmetic3A_205 : i32 to vector<16xi32>
    %shift_right_arithmetic3A_207 = arith.shrsi %get3A_204, %shift_right_arithmetic3A_206 : vector<16xi32>
    %and3A_208 = arith.constant 127 : i32
    %and3A_209 = vector.broadcast %and3A_208 : i32 to vector<16xi32>
    %and3A_210 = arith.andi %get3A_204, %and3A_209 : vector<16xi32>
    tpu.vector_store_idx %arg14[%shift_right_arithmetic3A_207, %and3A_210], %broadcast_in_dim3A_5 {add = true} : memref<80x128xf32, #tpu.memory_space<vmem>>[vector<16xi32>, vector<16xi32>], vector<16xf32>,
    %get3A_211 = arith.constant 1 : i32
    %get3A_212 = arith.index_cast %get3A_211 : i32 to index
    %get3A_213 = arith.constant 16 : index
    %get3A_214 = tpu.vector_load %arg7[%get3A_212, %get3A_213] {strides = array<i32>} : memref<2x80xi32, #tpu.memory_space<vmem>>, vector<16xi32>,
    %shift_right_arithmetic3A_215 = arith.constant 7 : i32
    %shift_right_arithmetic3A_216 = vector.broadcast %shift_right_arithmetic3A_215 : i32 to vector<16xi32>
    %shift_right_arithmetic3A_217 = arith.shrsi %get3A_214, %shift_right_arithmetic3A_216 : vector<16xi32>
    %and3A_218 = arith.constant 127 : i32
    %and3A_219 = vector.broadcast %and3A_218 : i32 to vector<16xi32>
    %and3A_220 = arith.andi %get3A_214, %and3A_219 : vector<16xi32>
    tpu.vector_store_idx %arg14[%shift_right_arithmetic3A_217, %and3A_220], %broadcast_in_dim3A_5 {add = true} : memref<80x128xf32, #tpu.memory_space<vmem>>[vector<16xi32>, vector<16xi32>], vector<16xf32>,
    %get3A_221 = arith.constant 1 : i32
    %get3A_222 = arith.index_cast %get3A_221 : i32 to index
    %get3A_223 = arith.constant 32 : index
    %get3A_224 = tpu.vector_load %arg7[%get3A_222, %get3A_223] {strides = array<i32>} : memref<2x80xi32, #tpu.memory_space<vmem>>, vector<16xi32>,
    %shift_right_arithmetic3A_225 = arith.constant 7 : i32
    %shift_right_arithmetic3A_226 = vector.broadcast %shift_right_arithmetic3A_225 : i32 to vector<16xi32>
    %shift_right_arithmetic3A_227 = arith.shrsi %get3A_224, %shift_right_arithmetic3A_226 : vector<16xi32>
    %and3A_228 = arith.constant 127 : i32
    %and3A_229 = vector.broadcast %and3A_228 : i32 to vector<16xi32>
    %and3A_230 = arith.andi %get3A_224, %and3A_229 : vector<16xi32>
    tpu.vector_store_idx %arg14[%shift_right_arithmetic3A_227, %and3A_230], %broadcast_in_dim3A_5 {add = true} : memref<80x128xf32, #tpu.memory_space<vmem>>[vector<16xi32>, vector<16xi32>], vector<16xf32>,
    %get3A_231 = arith.constant 1 : i32
    %get3A_232 = arith.index_cast %get3A_231 : i32 to index
    %get3A_233 = arith.constant 48 : index
    %get3A_234 = tpu.vector_load %arg7[%get3A_232, %get3A_233] {strides = array<i32>} : memref<2x80xi32, #tpu.memory_space<vmem>>, vector<16xi32>,
    %shift_right_arithmetic3A_235 = arith.constant 7 : i32
    %shift_right_arithmetic3A_236 = vector.broadcast %shift_right_arithmetic3A_235 : i32 to vector<16xi32>
    %shift_right_arithmetic3A_237 = arith.shrsi %get3A_234, %shift_right_arithmetic3A_236 : vector<16xi32>
    %and3A_238 = arith.constant 127 : i32
    %and3A_239 = vector.broadcast %and3A_238 : i32 to vector<16xi32>
    %and3A_240 = arith.andi %get3A_234, %and3A_239 : vector<16xi32>
    tpu.vector_store_idx %arg14[%shift_right_arithmetic3A_237, %and3A_240], %broadcast_in_dim3A_5 {add = true} : memref<80x128xf32, #tpu.memory_space<vmem>>[vector<16xi32>, vector<16xi32>], vector<16xf32>,
    %get3A_241 = arith.constant 1 : i32
    %get3A_242 = arith.index_cast %get3A_241 : i32 to index
    %get3A_243 = arith.constant 64 : index
    %get3A_244 = tpu.vector_load %arg7[%get3A_242, %get3A_243] {strides = array<i32>} : memref<2x80xi32, #tpu.memory_space<vmem>>, vector<16xi32>,
    %shift_right_arithmetic3A_245 = arith.constant 7 : i32
    %shift_right_arithmetic3A_246 = vector.broadcast %shift_right_arithmetic3A_245 : i32 to vector<16xi32>
    %shift_right_arithmetic3A_247 = arith.shrsi %get3A_244, %shift_right_arithmetic3A_246 : vector<16xi32>
    %and3A_248 = arith.constant 127 : i32
    %and3A_249 = vector.broadcast %and3A_248 : i32 to vector<16xi32>
    %and3A_250 = arith.andi %get3A_244, %and3A_249 : vector<16xi32>
    tpu.vector_store_idx %arg14[%shift_right_arithmetic3A_247, %and3A_250], %broadcast_in_dim3A_5 {add = true} : memref<80x128xf32, #tpu.memory_space<vmem>>[vector<16xi32>, vector<16xi32>], vector<16xf32>,
    %dma_wait3A_251 = arith.constant 9840 : i32
    %dma_wait3A_252 = tpu.memref_slice %arg6[%dma_wait3A_251] : memref<10000xi32, #tpu.memory_space<vmem>> -> memref<80xi32, #tpu.memory_space<vmem>>
    %dma_wait3A_253 = arith.constant 0 : i32
    %dma_wait3A_254 = arith.constant 0 : i32
    %dma_wait3A_255 = tpu.memref_slice %arg2[%dma_wait3A_253, %dma_wait3A_254] : memref<10000x128xf32, #tpu.memory_space<hbm>> -> memref<10000x128xf32, #tpu.memory_space<hbm>>
    tpu.wait_indirect_dma semaphore(%arg11 : memref<!tpu.dma_semaphore, #tpu.memory_space<semaphore_mem>>) src(%dma_wait3A_255 : memref<10000x128xf32, #tpu.memory_space<hbm>>) dst(%arg9 : memref<80x128xf32, #tpu.memory_space<vmem>>)
    %run_scoped3A_256 = arith.constant 1 : i32
    "tpu.region"() ({
      %run_scoped3A_356 = tpu.sem_alloc : memref<!tpu.dma_semaphore, #tpu.memory_space<semaphore_mem>>
      %dma_start3A_357 = arith.constant 0 : i32
      %dma_start3A_358 = tpu.memref_slice %arg7[%run_scoped3A_256, %dma_start3A_357] : memref<2x80xi32, #tpu.memory_space<vmem>> -> memref<1x80xi32, #tpu.memory_space<vmem>>
      %dma_start3A_359 = tpu.memref_squeeze %dma_start3A_358 : memref<1x80xi32, #tpu.memory_space<vmem>> -> memref<80xi32, #tpu.memory_space<vmem>>
      %dma_start3A_360 = arith.constant 0 : i32
      %dma_start3A_361 = arith.constant 0 : i32
      %dma_start3A_362 = tpu.memref_slice %arg16[%dma_start3A_360, %dma_start3A_361] : memref<10000x128xf32, #tpu.memory_space<vmem_shared>> -> memref<10000x128xf32, #tpu.memory_space<vmem_shared>>
      tpu.enqueue_indirect_dma source(%arg9 : memref<80x128xf32, #tpu.memory_space<vmem>>) target(%dma_start3A_362 : memref<10000x128xf32, #tpu.memory_space<vmem_shared>>) offsets(%dma_start3A_359 : memref<80xi32, #tpu.memory_space<vmem>>) semaphore(%run_scoped3A_356 : memref<!tpu.dma_semaphore, #tpu.memory_space<semaphore_mem>>) {add = true}
      %dma_wait3A_363 = arith.constant 0 : i32
      %dma_wait3A_364 = tpu.memref_slice %arg7[%run_scoped3A_256, %dma_wait3A_363] : memref<2x80xi32, #tpu.memory_space<vmem>> -> memref<1x80xi32, #tpu.memory_space<vmem>>
      %dma_wait3A_365 = tpu.memref_squeeze %dma_wait3A_364 : memref<1x80xi32, #tpu.memory_space<vmem>> -> memref<80xi32, #tpu.memory_space<vmem>>
      %dma_wait3A_366 = arith.constant 0 : i32
      %dma_wait3A_367 = arith.constant 0 : i32
      %dma_wait3A_368 = tpu.memref_slice %arg16[%dma_wait3A_366, %dma_wait3A_367] : memref<10000x128xf32, #tpu.memory_space<vmem_shared>> -> memref<10000x128xf32, #tpu.memory_space<vmem_shared>>
      tpu.wait_indirect_dma semaphore(%run_scoped3A_356 : memref<!tpu.dma_semaphore, #tpu.memory_space<semaphore_mem>>) src(%arg9 : memref<80x128xf32, #tpu.memory_space<vmem>>) dst(%dma_wait3A_368 : memref<10000x128xf32, #tpu.memory_space<vmem_shared>>)
      tpu.yield
    }) : () -> ()
    %add3A_257 = arith.constant 9920 : i32
    %add3A_258 = arith.addi %mul3A_2, %add3A_257 : i32
    %dma_start3A_259 = arith.constant 1 : i32
    %dma_start3A_260 = arith.constant 0 : i32
    %dma_start3A_261 = arith.constant 0 : i32
    %dma_start3A_262 = tpu.memref_slice %arg7[%dma_start3A_260, %dma_start3A_261] : memref<2x80xi32, #tpu.memory_space<vmem>> -> memref<1x80xi32, #tpu.memory_space<vmem>>
    %dma_start3A_263 = tpu.memref_squeeze %dma_start3A_262 : memref<1x80xi32, #tpu.memory_space<vmem>> -> memref<80xi32, #tpu.memory_space<vmem>>
    %dma_start3A_264 = tpu.memref_slice %arg3[%dma_start3A_259, %add3A_258] : memref<2x320000xi32, #tpu.memory_space<hbm>> -> memref<1x80xi32, #tpu.memory_space<hbm>>
    %dma_start3A_265 = tpu.memref_squeeze %dma_start3A_264 : memref<1x80xi32, #tpu.memory_space<hbm>> -> memref<80xi32, #tpu.memory_space<hbm>>
    %dma_start3A_266 = arith.constant 0 : i32
    %dma_start3A_267 = tpu.memref_slice %arg7[%dma_start3A_260, %dma_start3A_266] : memref<2x80xi32, #tpu.memory_space<vmem>> -> memref<1x80xi32, #tpu.memory_space<vmem>>
    %dma_start3A_268 = tpu.memref_squeeze %dma_start3A_267 : memref<1x80xi32, #tpu.memory_space<vmem>> -> memref<80xi32, #tpu.memory_space<vmem>>
    %dma_start3A_269 = tpu.memref_slice %arg3[%dma_start3A_259, %add3A_258] : memref<2x320000xi32, #tpu.memory_space<hbm>> -> memref<1x80xi32, #tpu.memory_space<hbm>>
    %dma_start3A_270 = tpu.memref_squeeze %dma_start3A_269 : memref<1x80xi32, #tpu.memory_space<hbm>> -> memref<80xi32, #tpu.memory_space<hbm>>
    tpu.enqueue_dma source(%dma_start3A_270 : memref<80xi32, #tpu.memory_space<hbm>>) target(%dma_start3A_268 : memref<80xi32, #tpu.memory_space<vmem>>) target_semaphore(%arg12 : memref<!tpu.dma_semaphore, #tpu.memory_space<semaphore_mem>>)
    %dma_start3A_271 = arith.constant 9920 : i32
    %dma_start3A_272 = tpu.memref_slice %arg6[%dma_start3A_271] : memref<10000xi32, #tpu.memory_space<vmem>> -> memref<80xi32, #tpu.memory_space<vmem>>
    %dma_start3A_273 = arith.constant 0 : i32
    %dma_start3A_274 = arith.constant 0 : i32
    %dma_start3A_275 = tpu.memref_slice %arg2[%dma_start3A_273, %dma_start3A_274] : memref<10000x128xf32, #tpu.memory_space<hbm>> -> memref<10000x128xf32, #tpu.memory_space<hbm>>
    tpu.enqueue_indirect_dma source(%dma_start3A_275 : memref<10000x128xf32, #tpu.memory_space<hbm>>) target(%arg8 : memref<80x128xf32, #tpu.memory_space<vmem>>) offsets(%dma_start3A_272 : memref<80xi32, #tpu.memory_space<vmem>>) semaphore(%arg10 : memref<!tpu.dma_semaphore, #tpu.memory_space<semaphore_mem>>)
    %add3A_276 = arith.constant 9920 : i32
    %add3A_277 = arith.addi %mul3A_2, %add3A_276 : i32
    %dma_wait3A_278 = arith.constant 1 : i32
    %dma_wait3A_279 = arith.constant 0 : i32
    %dma_wait3A_280 = arith.constant 0 : i32
    %dma_wait3A_281 = tpu.memref_slice %arg7[%dma_wait3A_279, %dma_wait3A_280] : memref<2x80xi32, #tpu.memory_space<vmem>> -> memref<1x80xi32, #tpu.memory_space<vmem>>
    %dma_wait3A_282 = tpu.memref_squeeze %dma_wait3A_281 : memref<1x80xi32, #tpu.memory_space<vmem>> -> memref<80xi32, #tpu.memory_space<vmem>>
    %dma_wait3A_283 = tpu.memref_slice %arg3[%dma_wait3A_278, %add3A_277] : memref<2x320000xi32, #tpu.memory_space<hbm>> -> memref<1x80xi32, #tpu.memory_space<hbm>>
    %dma_wait3A_284 = tpu.memref_squeeze %dma_wait3A_283 : memref<1x80xi32, #tpu.memory_space<hbm>> -> memref<80xi32, #tpu.memory_space<hbm>>
    %dma_wait3A_285 = arith.constant 0 : i32
    %dma_wait3A_286 = tpu.memref_slice %arg7[%dma_wait3A_279, %dma_wait3A_285] : memref<2x80xi32, #tpu.memory_space<vmem>> -> memref<1x80xi32, #tpu.memory_space<vmem>>
    %dma_wait3A_287 = tpu.memref_squeeze %dma_wait3A_286 : memref<1x80xi32, #tpu.memory_space<vmem>> -> memref<80xi32, #tpu.memory_space<vmem>>
    %dma_wait3A_288 = tpu.memref_slice %arg3[%dma_wait3A_278, %add3A_277] : memref<2x320000xi32, #tpu.memory_space<hbm>> -> memref<1x80xi32, #tpu.memory_space<hbm>>
    %dma_wait3A_289 = tpu.memref_squeeze %dma_wait3A_288 : memref<1x80xi32, #tpu.memory_space<hbm>> -> memref<80xi32, #tpu.memory_space<hbm>>
    tpu.wait_dma2 semaphore(%arg12 : memref<!tpu.dma_semaphore, #tpu.memory_space<semaphore_mem>>) src(%dma_wait3A_289 : memref<80xi32, #tpu.memory_space<hbm>>) dst(%dma_wait3A_287 : memref<80xi32, #tpu.memory_space<vmem>>)
    %get3A_290 = arith.constant 0 : i32
    %get3A_291 = arith.index_cast %get3A_290 : i32 to index
    %get3A_292 = arith.constant 0 : index
    %get3A_293 = tpu.vector_load %arg7[%get3A_291, %get3A_292] {strides = array<i32>} : memref<2x80xi32, #tpu.memory_space<vmem>>, vector<16xi32>,
    %shift_right_arithmetic3A_294 = arith.constant 7 : i32
    %shift_right_arithmetic3A_295 = vector.broadcast %shift_right_arithmetic3A_294 : i32 to vector<16xi32>
    %shift_right_arithmetic3A_296 = arith.shrsi %get3A_293, %shift_right_arithmetic3A_295 : vector<16xi32>
    %and3A_297 = arith.constant 127 : i32
    %and3A_298 = vector.broadcast %and3A_297 : i32 to vector<16xi32>
    %and3A_299 = arith.andi %get3A_293, %and3A_298 : vector<16xi32>
    tpu.vector_store_idx %arg14[%shift_right_arithmetic3A_296, %and3A_299], %broadcast_in_dim3A_5 {add = true} : memref<80x128xf32, #tpu.memory_space<vmem>>[vector<16xi32>, vector<16xi32>], vector<16xf32>,
    %get3A_300 = arith.constant 0 : i32
    %get3A_301 = arith.index_cast %get3A_300 : i32 to index
    %get3A_302 = arith.constant 16 : index
    %get3A_303 = tpu.vector_load %arg7[%get3A_301, %get3A_302] {strides = array<i32>} : memref<2x80xi32, #tpu.memory_space<vmem>>, vector<16xi32>,
    %shift_right_arithmetic3A_304 = arith.constant 7 : i32
    %shift_right_arithmetic3A_305 = vector.broadcast %shift_right_arithmetic3A_304 : i32 to vector<16xi32>
    %shift_right_arithmetic3A_306 = arith.shrsi %get3A_303, %shift_right_arithmetic3A_305 : vector<16xi32>
    %and3A_307 = arith.constant 127 : i32
    %and3A_308 = vector.broadcast %and3A_307 : i32 to vector<16xi32>
    %and3A_309 = arith.andi %get3A_303, %and3A_308 : vector<16xi32>
    tpu.vector_store_idx %arg14[%shift_right_arithmetic3A_306, %and3A_309], %broadcast_in_dim3A_5 {add = true} : memref<80x128xf32, #tpu.memory_space<vmem>>[vector<16xi32>, vector<16xi32>], vector<16xf32>,
    %get3A_310 = arith.constant 0 : i32
    %get3A_311 = arith.index_cast %get3A_310 : i32 to index
    %get3A_312 = arith.constant 32 : index
    %get3A_313 = tpu.vector_load %arg7[%get3A_311, %get3A_312] {strides = array<i32>} : memref<2x80xi32, #tpu.memory_space<vmem>>, vector<16xi32>,
    %shift_right_arithmetic3A_314 = arith.constant 7 : i32
    %shift_right_arithmetic3A_315 = vector.broadcast %shift_right_arithmetic3A_314 : i32 to vector<16xi32>
    %shift_right_arithmetic3A_316 = arith.shrsi %get3A_313, %shift_right_arithmetic3A_315 : vector<16xi32>
    %and3A_317 = arith.constant 127 : i32
    %and3A_318 = vector.broadcast %and3A_317 : i32 to vector<16xi32>
    %and3A_319 = arith.andi %get3A_313, %and3A_318 : vector<16xi32>
    tpu.vector_store_idx %arg14[%shift_right_arithmetic3A_316, %and3A_319], %broadcast_in_dim3A_5 {add = true} : memref<80x128xf32, #tpu.memory_space<vmem>>[vector<16xi32>, vector<16xi32>], vector<16xf32>,
    %get3A_320 = arith.constant 0 : i32
    %get3A_321 = arith.index_cast %get3A_320 : i32 to index
    %get3A_322 = arith.constant 48 : index
    %get3A_323 = tpu.vector_load %arg7[%get3A_321, %get3A_322] {strides = array<i32>} : memref<2x80xi32, #tpu.memory_space<vmem>>, vector<16xi32>,
    %shift_right_arithmetic3A_324 = arith.constant 7 : i32
    %shift_right_arithmetic3A_325 = vector.broadcast %shift_right_arithmetic3A_324 : i32 to vector<16xi32>
    %shift_right_arithmetic3A_326 = arith.shrsi %get3A_323, %shift_right_arithmetic3A_325 : vector<16xi32>
    %and3A_327 = arith.constant 127 : i32
    %and3A_328 = vector.broadcast %and3A_327 : i32 to vector<16xi32>
    %and3A_329 = arith.andi %get3A_323, %and3A_328 : vector<16xi32>
    tpu.vector_store_idx %arg14[%shift_right_arithmetic3A_326, %and3A_329], %broadcast_in_dim3A_5 {add = true} : memref<80x128xf32, #tpu.memory_space<vmem>>[vector<16xi32>, vector<16xi32>], vector<16xf32>,
    %get3A_330 = arith.constant 0 : i32
    %get3A_331 = arith.index_cast %get3A_330 : i32 to index
    %get3A_332 = arith.constant 64 : index
    %get3A_333 = tpu.vector_load %arg7[%get3A_331, %get3A_332] {strides = array<i32>} : memref<2x80xi32, #tpu.memory_space<vmem>>, vector<16xi32>,
    %shift_right_arithmetic3A_334 = arith.constant 7 : i32
    %shift_right_arithmetic3A_335 = vector.broadcast %shift_right_arithmetic3A_334 : i32 to vector<16xi32>
    %shift_right_arithmetic3A_336 = arith.shrsi %get3A_333, %shift_right_arithmetic3A_335 : vector<16xi32>
    %and3A_337 = arith.constant 127 : i32
    %and3A_338 = vector.broadcast %and3A_337 : i32 to vector<16xi32>
    %and3A_339 = arith.andi %get3A_333, %and3A_338 : vector<16xi32>
    tpu.vector_store_idx %arg14[%shift_right_arithmetic3A_336, %and3A_339], %broadcast_in_dim3A_5 {add = true} : memref<80x128xf32, #tpu.memory_space<vmem>>[vector<16xi32>, vector<16xi32>], vector<16xf32>,
    %dma_wait3A_340 = arith.constant 9920 : i32
    %dma_wait3A_341 = tpu.memref_slice %arg6[%dma_wait3A_340] : memref<10000xi32, #tpu.memory_space<vmem>> -> memref<80xi32, #tpu.memory_space<vmem>>
    %dma_wait3A_342 = arith.constant 0 : i32
    %dma_wait3A_343 = arith.constant 0 : i32
    %dma_wait3A_344 = tpu.memref_slice %arg2[%dma_wait3A_342, %dma_wait3A_343] : memref<10000x128xf32, #tpu.memory_space<hbm>> -> memref<10000x128xf32, #tpu.memory_space<hbm>>
    tpu.wait_indirect_dma semaphore(%arg10 : memref<!tpu.dma_semaphore, #tpu.memory_space<semaphore_mem>>) src(%dma_wait3A_344 : memref<10000x128xf32, #tpu.memory_space<hbm>>) dst(%arg8 : memref<80x128xf32, #tpu.memory_space<vmem>>)
    %run_scoped3A_345 = arith.constant 0 : i32
    "tpu.region"() ({
      %run_scoped3A_356 = tpu.sem_alloc : memref<!tpu.dma_semaphore, #tpu.memory_space<semaphore_mem>>
      %dma_start3A_357 = arith.constant 0 : i32
      %dma_start3A_358 = tpu.memref_slice %arg7[%run_scoped3A_345, %dma_start3A_357] : memref<2x80xi32, #tpu.memory_space<vmem>> -> memref<1x80xi32, #tpu.memory_space<vmem>>
      %dma_start3A_359 = tpu.memref_squeeze %dma_start3A_358 : memref<1x80xi32, #tpu.memory_space<vmem>> -> memref<80xi32, #tpu.memory_space<vmem>>
      %dma_start3A_360 = arith.constant 0 : i32
      %dma_start3A_361 = arith.constant 0 : i32
      %dma_start3A_362 = tpu.memref_slice %arg16[%dma_start3A_360, %dma_start3A_361] : memref<10000x128xf32, #tpu.memory_space<vmem_shared>> -> memref<10000x128xf32, #tpu.memory_space<vmem_shared>>
      tpu.enqueue_indirect_dma source(%arg8 : memref<80x128xf32, #tpu.memory_space<vmem>>) target(%dma_start3A_362 : memref<10000x128xf32, #tpu.memory_space<vmem_shared>>) offsets(%dma_start3A_359 : memref<80xi32, #tpu.memory_space<vmem>>) semaphore(%run_scoped3A_356 : memref<!tpu.dma_semaphore, #tpu.memory_space<semaphore_mem>>) {add = true}
      %dma_wait3A_363 = arith.constant 0 : i32
      %dma_wait3A_364 = tpu.memref_slice %arg7[%run_scoped3A_345, %dma_wait3A_363] : memref<2x80xi32, #tpu.memory_space<vmem>> -> memref<1x80xi32, #tpu.memory_space<vmem>>
      %dma_wait3A_365 = tpu.memref_squeeze %dma_wait3A_364 : memref<1x80xi32, #tpu.memory_space<vmem>> -> memref<80xi32, #tpu.memory_space<vmem>>
      %dma_wait3A_366 = arith.constant 0 : i32
      %dma_wait3A_367 = arith.constant 0 : i32
      %dma_wait3A_368 = tpu.memref_slice %arg16[%dma_wait3A_366, %dma_wait3A_367] : memref<10000x128xf32, #tpu.memory_space<vmem_shared>> -> memref<10000x128xf32, #tpu.memory_space<vmem_shared>>
      tpu.wait_indirect_dma semaphore(%run_scoped3A_356 : memref<!tpu.dma_semaphore, #tpu.memory_space<semaphore_mem>>) src(%arg8 : memref<80x128xf32, #tpu.memory_space<vmem>>) dst(%dma_wait3A_368 : memref<10000x128xf32, #tpu.memory_space<vmem_shared>>)
      tpu.yield
    }) : () -> ()
    "tpu.region"() ({
      %run_scoped3A_356 = tpu.sem_alloc : memref<!tpu.dma_semaphore, #tpu.memory_space<semaphore_mem>>
      %dma_start3A_357 = arith.constant 0 : i32
      %dma_start3A_358 = arith.constant 0 : i32
      %dma_start3A_359 = tpu.memref_slice %arg17[%dma_start3A_357, %dma_start3A_358] : memref<80x128xf32, #tpu.memory_space<vmem_shared>> -> memref<80x128xf32, #tpu.memory_space<vmem_shared>>
      tpu.enqueue_indirect_dma source(%arg14 : memref<80x128xf32, #tpu.memory_space<vmem>>) target(%dma_start3A_359 : memref<80x128xf32, #tpu.memory_space<vmem_shared>>) offsets(%arg15 : memref<80xi32, #tpu.memory_space<vmem>>) semaphore(%run_scoped3A_356 : memref<!tpu.dma_semaphore, #tpu.memory_space<semaphore_mem>>) {add = true}
      %dma_wait3A_360 = arith.constant 0 : i32
      %dma_wait3A_361 = arith.constant 0 : i32
      %dma_wait3A_362 = tpu.memref_slice %arg17[%dma_wait3A_360, %dma_wait3A_361] : memref<80x128xf32, #tpu.memory_space<vmem_shared>> -> memref<80x128xf32, #tpu.memory_space<vmem_shared>>
      tpu.wait_indirect_dma semaphore(%run_scoped3A_356 : memref<!tpu.dma_semaphore, #tpu.memory_space<semaphore_mem>>) src(%arg14 : memref<80x128xf32, #tpu.memory_space<vmem>>) dst(%dma_wait3A_362 : memref<80x128xf32, #tpu.memory_space<vmem_shared>>)
      tpu.yield
    }) : () -> ()
    %barrier3A_346 = arith.constant 0 : index
    tpu.barrier barrier_id(%barrier3A_346)
    %mul3A_347 = arith.constant 625 : i32
    %mul3A_348 = arith.muli %arg1, %mul3A_347 : i32
    %mul3A_349 = arith.constant 625 : i32
    %mul3A_350 = arith.muli %arg1, %mul3A_349 : i32
    "tpu.region"() ({
      %run_scoped3A_356 = tpu.sem_alloc : memref<!tpu.dma_semaphore, #tpu.memory_space<semaphore_mem>>
      %dma_start3A_357 = arith.constant 0 : i32
      %dma_start3A_358 = tpu.memref_slice %arg4[%arg0, %mul3A_350, %dma_start3A_357] : memref<2x10000x128xf32, #tpu.memory_space<hbm>> -> memref<1x625x128xf32, #tpu.memory_space<hbm>>
      %dma_start3A_359 = tpu.memref_squeeze %dma_start3A_358 : memref<1x625x128xf32, #tpu.memory_space<hbm>> -> memref<625x128xf32, #tpu.memory_space<hbm>>
      %dma_start3A_360 = arith.constant 0 : i32
      %dma_start3A_361 = tpu.memref_slice %arg16[%mul3A_348, %dma_start3A_360] : memref<10000x128xf32, #tpu.memory_space<vmem_shared>> -> memref<625x128xf32, #tpu.memory_space<vmem_shared>>
      tpu.enqueue_dma source(%dma_start3A_361 : memref<625x128xf32, #tpu.memory_space<vmem_shared>>) target(%dma_start3A_359 : memref<625x128xf32, #tpu.memory_space<hbm>>) target_semaphore(%run_scoped3A_356 : memref<!tpu.dma_semaphore, #tpu.memory_space<semaphore_mem>>)
      %dma_wait3A_362 = arith.constant 0 : i32
      %dma_wait3A_363 = tpu.memref_slice %arg4[%arg0, %mul3A_350, %dma_wait3A_362] : memref<2x10000x128xf32, #tpu.memory_space<hbm>> -> memref<1x625x128xf32, #tpu.memory_space<hbm>>
      %dma_wait3A_364 = tpu.memref_squeeze %dma_wait3A_363 : memref<1x625x128xf32, #tpu.memory_space<hbm>> -> memref<625x128xf32, #tpu.memory_space<hbm>>
      %dma_wait3A_365 = arith.constant 0 : i32
      %dma_wait3A_366 = tpu.memref_slice %arg16[%mul3A_348, %dma_wait3A_365] : memref<10000x128xf32, #tpu.memory_space<vmem_shared>> -> memref<625x128xf32, #tpu.memory_space<vmem_shared>>
      tpu.wait_dma2 semaphore(%run_scoped3A_356 : memref<!tpu.dma_semaphore, #tpu.memory_space<semaphore_mem>>) src(%dma_wait3A_366 : memref<625x128xf32, #tpu.memory_space<vmem_shared>>) dst(%dma_wait3A_364 : memref<625x128xf32, #tpu.memory_space<hbm>>)
      tpu.yield
    }) : () -> ()
    %eq3A_351 = arith.constant 0 : i32
    %eq3A_352 = arith.cmpi eq, %arg1, %eq3A_351 : i32
    %convert_element_type3A_353 = arith.extui %eq3A_352 : i1 to i32
    %cond3A_354 = arith.constant 0 : i32
    %cond3A_355 = arith.cmpi ne, %convert_element_type3A_353, %cond3A_354 : i32
    scf.if %cond3A_355 {
      "tpu.region"() ({
        %run_scoped3A_356 = tpu.sem_alloc : memref<!tpu.dma_semaphore, #tpu.memory_space<semaphore_mem>>
        %dma_start3A_357 = arith.constant 0 : i32
        %dma_start3A_358 = arith.constant 0 : i32
        %dma_start3A_359 = tpu.memref_slice %arg5[%arg0, %dma_start3A_357, %dma_start3A_358] : memref<2x80x128xf32, #tpu.memory_space<hbm>> -> memref<1x80x128xf32, #tpu.memory_space<hbm>>
        %dma_start3A_360 = tpu.memref_squeeze %dma_start3A_359 : memref<1x80x128xf32, #tpu.memory_space<hbm>> -> memref<80x128xf32, #tpu.memory_space<hbm>>
        tpu.enqueue_dma source(%arg17 : memref<80x128xf32, #tpu.memory_space<vmem_shared>>) target(%dma_start3A_360 : memref<80x128xf32, #tpu.memory_space<hbm>>) target_semaphore(%run_scoped3A_356 : memref<!tpu.dma_semaphore, #tpu.memory_space<semaphore_mem>>)
        %dma_wait3A_361 = arith.constant 0 : i32
        %dma_wait3A_362 = arith.constant 0 : i32
        %dma_wait3A_363 = tpu.memref_slice %arg5[%arg0, %dma_wait3A_361, %dma_wait3A_362] : memref<2x80x128xf32, #tpu.memory_space<hbm>> -> memref<1x80x128xf32, #tpu.memory_space<hbm>>
        %dma_wait3A_364 = tpu.memref_squeeze %dma_wait3A_363 : memref<1x80x128xf32, #tpu.memory_space<hbm>> -> memref<80x128xf32, #tpu.memory_space<hbm>>
        tpu.wait_dma2 semaphore(%run_scoped3A_356 : memref<!tpu.dma_semaphore, #tpu.memory_space<semaphore_mem>>) src(%arg17 : memref<80x128xf32, #tpu.memory_space<vmem_shared>>) dst(%dma_wait3A_364 : memref<80x128xf32, #tpu.memory_space<hbm>>)
        tpu.yield
      }) : () -> ()
    } else {
    }
    return
  }
}

#map = affine_map<(d0, d1) -> (0, 0)>
#map1 = affine_map<(d0, d1) -> (0, 0, 0)>
module attributes {stable_mosaic.version = 14 : i64} {
  func.func @_seg_sum_body(%arg0: i32, %arg1: i32, %arg2: memref<10000x48xf32, #tpu.memory_space<hbm>>, %arg3: memref<2x320000xi32, #tpu.memory_space<hbm>>, %arg4: memref<2x10000x48xf32, #tpu.memory_space<hbm>>, %arg5: memref<10000xi32, #tpu.memory_space<vmem>>, %arg6: memref<4x80xi32, #tpu.memory_space<vmem>>, %arg7: memref<80x48xf32, #tpu.memory_space<vmem>>, %arg8: memref<80x48xf32, #tpu.memory_space<vmem>>, %arg9: memref<80x48xf32, #tpu.memory_space<vmem>>, %arg10: memref<80x48xf32, #tpu.memory_space<vmem>>, %arg11: memref<!tpu.dma_semaphore, #tpu.memory_space<semaphore_mem>>, %arg12: memref<!tpu.dma_semaphore, #tpu.memory_space<semaphore_mem>>, %arg13: memref<!tpu.dma_semaphore, #tpu.memory_space<semaphore_mem>>, %arg14: memref<!tpu.dma_semaphore, #tpu.memory_space<semaphore_mem>>, %arg15: memref<!tpu.dma_semaphore, #tpu.memory_space<semaphore_mem>>, %arg16: memref<!tpu.dma_semaphore, #tpu.memory_space<semaphore_mem>>, %arg17: memref<!tpu.dma_semaphore, #tpu.memory_space<semaphore_mem>>, %arg18: memref<!tpu.dma_semaphore, #tpu.memory_space<semaphore_mem>>, %arg19: memref<10000x48xf32, #tpu.memory_space<vmem_shared>>) attributes {dimension_semantics = [#tpu.dimension_semantics<core_parallel>, #tpu.dimension_semantics<subcore_parallel>], iteration_bounds = array<i64: 2, 16>, scalar_prefetch = 0 : i64, scratch_operands = 15 : i64, tpu.core_type = #tpu.core_type<sc_vector_subcore>, window_params = [{transform_indices = #map}, {transform_indices = #map}, {transform_indices = #map1}]} {
    %mul3A = arith.constant 2 : i32
    %mul3A_0 = arith.muli %arg1, %mul3A : i32
    %add3A = arith.addi %mul3A_0, %arg0 : i32
    %mul3A_1 = arith.constant 10000 : i32
    %mul3A_2 = arith.muli %add3A, %mul3A_1 : i32
    %broadcast_in_dim3A = arith.constant 0.000000e+00 : f32
    %broadcast_in_dim3A_3 = vector.broadcast %broadcast_in_dim3A : f32 to vector<16xf32>
    %broadcast_in_dim3A_4 = arith.constant 1.000000e+00 : f32
    %broadcast_in_dim3A_5 = vector.broadcast %broadcast_in_dim3A_4 : f32 to vector<16xf32>
    %run_scoped3A = arith.constant 0 : i32
    "tpu.region"() ({
      %run_scoped3A_249 = tpu.sem_alloc : memref<!tpu.dma_semaphore, #tpu.memory_space<semaphore_mem>>
      %dma_start3A_250 = tpu.memref_slice %arg3[%run_scoped3A, %mul3A_2] : memref<2x320000xi32, #tpu.memory_space<hbm>> -> memref<1x10000xi32, #tpu.memory_space<hbm>>
      %dma_start3A_251 = tpu.memref_squeeze %dma_start3A_250 : memref<1x10000xi32, #tpu.memory_space<hbm>> -> memref<10000xi32, #tpu.memory_space<hbm>>
      %dma_start3A_252 = tpu.memref_slice %arg3[%run_scoped3A, %mul3A_2] : memref<2x320000xi32, #tpu.memory_space<hbm>> -> memref<1x10000xi32, #tpu.memory_space<hbm>>
      %dma_start3A_253 = tpu.memref_squeeze %dma_start3A_252 : memref<1x10000xi32, #tpu.memory_space<hbm>> -> memref<10000xi32, #tpu.memory_space<hbm>>
      tpu.enqueue_dma source(%dma_start3A_253 : memref<10000xi32, #tpu.memory_space<hbm>>) target(%arg5 : memref<10000xi32, #tpu.memory_space<vmem>>) target_semaphore(%run_scoped3A_249 : memref<!tpu.dma_semaphore, #tpu.memory_space<semaphore_mem>>)
      %dma_wait3A_254 = tpu.memref_slice %arg3[%run_scoped3A, %mul3A_2] : memref<2x320000xi32, #tpu.memory_space<hbm>> -> memref<1x10000xi32, #tpu.memory_space<hbm>>
      %dma_wait3A_255 = tpu.memref_squeeze %dma_wait3A_254 : memref<1x10000xi32, #tpu.memory_space<hbm>> -> memref<10000xi32, #tpu.memory_space<hbm>>
      %dma_wait3A_256 = tpu.memref_slice %arg3[%run_scoped3A, %mul3A_2] : memref<2x320000xi32, #tpu.memory_space<hbm>> -> memref<1x10000xi32, #tpu.memory_space<hbm>>
      %dma_wait3A_257 = tpu.memref_squeeze %dma_wait3A_256 : memref<1x10000xi32, #tpu.memory_space<hbm>> -> memref<10000xi32, #tpu.memory_space<hbm>>
      tpu.wait_dma2 semaphore(%run_scoped3A_249 : memref<!tpu.dma_semaphore, #tpu.memory_space<semaphore_mem>>) src(%dma_wait3A_257 : memref<10000xi32, #tpu.memory_space<hbm>>) dst(%arg5 : memref<10000xi32, #tpu.memory_space<vmem>>)
      tpu.yield
    }) : () -> ()
    %scan3A = arith.constant 0 : i32
    %scan3A_6 = arith.constant 0 : i32
    %scan3A_7 = arith.constant 240 : i32
    %scan3A_8 = arith.addi %scan3A_6, %scan3A_7 : i32
    %scan3A_9 = arith.constant 1 : i32
    %scan3A_10 = scf.for %scan3A_249 = %scan3A_6 to %scan3A_8 step %scan3A_9 iter_args(%scan3A_250 = %scan3A) -> (i32)  : i32 {
      %jit3A = arith.constant 3 : i32
      %div3A = arith.divsi %scan3A_249, %jit3A : i32
      %sign3A = arith.constant 0 : i32
      %sign3A_251 = arith.cmpi sgt, %scan3A_249, %sign3A : i32
      %sign3A_252 = arith.extui %sign3A_251 : i1 to i32
      %sign3A_253 = arith.constant 0 : i32
      %sign3A_254 = arith.cmpi slt, %scan3A_249, %sign3A_253 : i32
      %sign3A_255 = arith.extui %sign3A_254 : i1 to i32
      %sign3A_256 = arith.subi %sign3A_252, %sign3A_255 : i32
      %sign3A_257 = arith.constant 0 : i32
      %sign3A_258 = arith.cmpi sgt, %jit3A, %sign3A_257 : i32
      %sign3A_259 = arith.extui %sign3A_258 : i1 to i32
      %sign3A_260 = arith.constant 0 : i32
      %sign3A_261 = arith.cmpi slt, %jit3A, %sign3A_260 : i32
      %sign3A_262 = arith.extui %sign3A_261 : i1 to i32
      %sign3A_263 = arith.subi %sign3A_259, %sign3A_262 : i32
      %ne3A = arith.cmpi ne, %sign3A_256, %sign3A_263 : i32
      %rem3A = arith.remsi %scan3A_249, %jit3A : i32
      %ne3A_264 = arith.constant 0 : i32
      %ne3A_265 = arith.cmpi ne, %rem3A, %ne3A_264 : i32
      %and3A = arith.andi %ne3A, %ne3A_265 : i1
      %sub3A = arith.constant 1 : i32
      %sub3A_266 = arith.subi %div3A, %sub3A : i32
      %select_n3A = arith.select %and3A, %sub3A_266, %div3A : i32
      %jit3A_267 = arith.constant 3 : i32
      %eq3A = arith.constant 0 : i32
      %eq3A_268 = arith.cmpi eq, %jit3A_267, %eq3A : i32
      %jit3A_269 = arith.constant 1 : i32
      %select_n3A_270 = arith.select %eq3A_268, %jit3A_269, %jit3A_267 : i32
      %rem3A_271 = arith.remsi %scan3A_249, %select_n3A_270 : i32
      %ne3A_272 = arith.constant 0 : i32
      %ne3A_273 = arith.cmpi ne, %rem3A_271, %ne3A_272 : i32
      %lt3A = arith.constant 0 : i32
      %lt3A_274 = arith.cmpi slt, %rem3A_271, %lt3A : i32
      %lt3A_275 = arith.constant 0 : i32
      %lt3A_276 = arith.cmpi slt, %select_n3A_270, %lt3A_275 : i32
      %ne3A_277 = arith.xori %lt3A_274, %lt3A_276 : i1
      %and3A_278 = arith.andi %ne3A_277, %ne3A_273 : i1
      %add3A_279 = arith.addi %rem3A_271, %select_n3A_270 : i32
      %select_n3A_280 = arith.select %and3A_278, %add3A_279, %rem3A_271 : i32
      %mul3A_281 = arith.constant 16 : i32
      %mul3A_282 = arith.muli %select_n3A_280, %mul3A_281 : i32
      %swap3A = arith.index_cast %select_n3A : i32 to index
      %swap3A_283 = arith.index_cast %mul3A_282 : i32 to index
      %swap3A_284 = tpu.vector_load %arg7[%swap3A, %swap3A_283] {strides = array<i32>} : memref<80x48xf32, #tpu.memory_space<vmem>>, vector<16xf32>,
      tpu.vector_store %arg7[%swap3A, %swap3A_283], %broadcast_in_dim3A_3 {strides = array<i32>} : memref<80x48xf32, #tpu.memory_space<vmem>>, vector<16xf32>,
      %scan3A_285 = arith.constant 0 : i32
      scf.yield %scan3A_285 : i32
    }
    %scan3A_11 = arith.constant 240 : i32
    %mul3A_12 = arith.constant 625 : i32
    %mul3A_13 = arith.muli %arg1, %mul3A_12 : i32
    %add3A_14 = arith.constant 0 : i32
    %add3A_15 = arith.addi %mul3A_13, %add3A_14 : i32
    "tpu.region"() ({
      %run_scoped3A_249 = tpu.sem_alloc : memref<!tpu.dma_semaphore, #tpu.memory_space<semaphore_mem>>
      %dma_start3A_250 = arith.constant 0 : i32
      %dma_start3A_251 = tpu.memref_slice %arg19[%add3A_15, %dma_start3A_250] : memref<10000x48xf32, #tpu.memory_space<vmem_shared>> -> memref<80x48xf32, #tpu.memory_space<vmem_shared>>
      %dma_start3A_252 = arith.constant 0 : i32
      %dma_start3A_253 = tpu.memref_slice %arg19[%add3A_15, %dma_start3A_252] : memref<10000x48xf32, #tpu.memory_space<vmem_shared>> -> memref<80x48xf32, #tpu.memory_space<vmem_shared>>
      tpu.enqueue_dma source(%arg7 : memref<80x48xf32, #tpu.memory_space<vmem>>) target(%dma_start3A_253 : memref<80x48xf32, #tpu.memory_space<vmem_shared>>) target_semaphore(%run_scoped3A_249 : memref<!tpu.dma_semaphore, #tpu.memory_space<semaphore_mem>>)
      %dma_wait3A_254 = arith.constant 0 : i32
      %dma_wait3A_255 = tpu.memref_slice %arg19[%add3A_15, %dma_wait3A_254] : memref<10000x48xf32, #tpu.memory_space<vmem_shared>> -> memref<80x48xf32, #tpu.memory_space<vmem_shared>>
      %dma_wait3A_256 = arith.constant 0 : i32
      %dma_wait3A_257 = tpu.memref_slice %arg19[%add3A_15, %dma_wait3A_256] : memref<10000x48xf32, #tpu.memory_space<vmem_shared>> -> memref<80x48xf32, #tpu.memory_space<vmem_shared>>
      tpu.wait_dma2 semaphore(%run_scoped3A_249 : memref<!tpu.dma_semaphore, #tpu.memory_space<semaphore_mem>>) src(%arg7 : memref<80x48xf32, #tpu.memory_space<vmem>>) dst(%dma_wait3A_257 : memref<80x48xf32, #tpu.memory_space<vmem_shared>>)
      tpu.yield
    }) : () -> ()
    %mul3A_16 = arith.constant 625 : i32
    %mul3A_17 = arith.muli %arg1, %mul3A_16 : i32
    %add3A_18 = arith.constant 80 : i32
    %add3A_19 = arith.addi %mul3A_17, %add3A_18 : i32
    "tpu.region"() ({
      %run_scoped3A_249 = tpu.sem_alloc : memref<!tpu.dma_semaphore, #tpu.memory_space<semaphore_mem>>
      %dma_start3A_250 = arith.constant 0 : i32
      %dma_start3A_251 = tpu.memref_slice %arg19[%add3A_19, %dma_start3A_250] : memref<10000x48xf32, #tpu.memory_space<vmem_shared>> -> memref<80x48xf32, #tpu.memory_space<vmem_shared>>
      %dma_start3A_252 = arith.constant 0 : i32
      %dma_start3A_253 = tpu.memref_slice %arg19[%add3A_19, %dma_start3A_252] : memref<10000x48xf32, #tpu.memory_space<vmem_shared>> -> memref<80x48xf32, #tpu.memory_space<vmem_shared>>
      tpu.enqueue_dma source(%arg7 : memref<80x48xf32, #tpu.memory_space<vmem>>) target(%dma_start3A_253 : memref<80x48xf32, #tpu.memory_space<vmem_shared>>) target_semaphore(%run_scoped3A_249 : memref<!tpu.dma_semaphore, #tpu.memory_space<semaphore_mem>>)
      %dma_wait3A_254 = arith.constant 0 : i32
      %dma_wait3A_255 = tpu.memref_slice %arg19[%add3A_19, %dma_wait3A_254] : memref<10000x48xf32, #tpu.memory_space<vmem_shared>> -> memref<80x48xf32, #tpu.memory_space<vmem_shared>>
      %dma_wait3A_256 = arith.constant 0 : i32
      %dma_wait3A_257 = tpu.memref_slice %arg19[%add3A_19, %dma_wait3A_256] : memref<10000x48xf32, #tpu.memory_space<vmem_shared>> -> memref<80x48xf32, #tpu.memory_space<vmem_shared>>
      tpu.wait_dma2 semaphore(%run_scoped3A_249 : memref<!tpu.dma_semaphore, #tpu.memory_space<semaphore_mem>>) src(%arg7 : memref<80x48xf32, #tpu.memory_space<vmem>>) dst(%dma_wait3A_257 : memref<80x48xf32, #tpu.memory_space<vmem_shared>>)
      tpu.yield
    }) : () -> ()
    %mul3A_20 = arith.constant 625 : i32
    %mul3A_21 = arith.muli %arg1, %mul3A_20 : i32
    %add3A_22 = arith.constant 160 : i32
    %add3A_23 = arith.addi %mul3A_21, %add3A_22 : i32
    "tpu.region"() ({
      %run_scoped3A_249 = tpu.sem_alloc : memref<!tpu.dma_semaphore, #tpu.memory_space<semaphore_mem>>
      %dma_start3A_250 = arith.constant 0 : i32
      %dma_start3A_251 = tpu.memref_slice %arg19[%add3A_23, %dma_start3A_250] : memref<10000x48xf32, #tpu.memory_space<vmem_shared>> -> memref<80x48xf32, #tpu.memory_space<vmem_shared>>
      %dma_start3A_252 = arith.constant 0 : i32
      %dma_start3A_253 = tpu.memref_slice %arg19[%add3A_23, %dma_start3A_252] : memref<10000x48xf32, #tpu.memory_space<vmem_shared>> -> memref<80x48xf32, #tpu.memory_space<vmem_shared>>
      tpu.enqueue_dma source(%arg7 : memref<80x48xf32, #tpu.memory_space<vmem>>) target(%dma_start3A_253 : memref<80x48xf32, #tpu.memory_space<vmem_shared>>) target_semaphore(%run_scoped3A_249 : memref<!tpu.dma_semaphore, #tpu.memory_space<semaphore_mem>>)
      %dma_wait3A_254 = arith.constant 0 : i32
      %dma_wait3A_255 = tpu.memref_slice %arg19[%add3A_23, %dma_wait3A_254] : memref<10000x48xf32, #tpu.memory_space<vmem_shared>> -> memref<80x48xf32, #tpu.memory_space<vmem_shared>>
      %dma_wait3A_256 = arith.constant 0 : i32
      %dma_wait3A_257 = tpu.memref_slice %arg19[%add3A_23, %dma_wait3A_256] : memref<10000x48xf32, #tpu.memory_space<vmem_shared>> -> memref<80x48xf32, #tpu.memory_space<vmem_shared>>
      tpu.wait_dma2 semaphore(%run_scoped3A_249 : memref<!tpu.dma_semaphore, #tpu.memory_space<semaphore_mem>>) src(%arg7 : memref<80x48xf32, #tpu.memory_space<vmem>>) dst(%dma_wait3A_257 : memref<80x48xf32, #tpu.memory_space<vmem_shared>>)
      tpu.yield
    }) : () -> ()
    %mul3A_24 = arith.constant 625 : i32
    %mul3A_25 = arith.muli %arg1, %mul3A_24 : i32
    %add3A_26 = arith.constant 240 : i32
    %add3A_27 = arith.addi %mul3A_25, %add3A_26 : i32
    "tpu.region"() ({
      %run_scoped3A_249 = tpu.sem_alloc : memref<!tpu.dma_semaphore, #tpu.memory_space<semaphore_mem>>
      %dma_start3A_250 = arith.constant 0 : i32
      %dma_start3A_251 = tpu.memref_slice %arg19[%add3A_27, %dma_start3A_250] : memref<10000x48xf32, #tpu.memory_space<vmem_shared>> -> memref<80x48xf32, #tpu.memory_space<vmem_shared>>
      %dma_start3A_252 = arith.constant 0 : i32
      %dma_start3A_253 = tpu.memref_slice %arg19[%add3A_27, %dma_start3A_252] : memref<10000x48xf32, #tpu.memory_space<vmem_shared>> -> memref<80x48xf32, #tpu.memory_space<vmem_shared>>
      tpu.enqueue_dma source(%arg7 : memref<80x48xf32, #tpu.memory_space<vmem>>) target(%dma_start3A_253 : memref<80x48xf32, #tpu.memory_space<vmem_shared>>) target_semaphore(%run_scoped3A_249 : memref<!tpu.dma_semaphore, #tpu.memory_space<semaphore_mem>>)
      %dma_wait3A_254 = arith.constant 0 : i32
      %dma_wait3A_255 = tpu.memref_slice %arg19[%add3A_27, %dma_wait3A_254] : memref<10000x48xf32, #tpu.memory_space<vmem_shared>> -> memref<80x48xf32, #tpu.memory_space<vmem_shared>>
      %dma_wait3A_256 = arith.constant 0 : i32
      %dma_wait3A_257 = tpu.memref_slice %arg19[%add3A_27, %dma_wait3A_256] : memref<10000x48xf32, #tpu.memory_space<vmem_shared>> -> memref<80x48xf32, #tpu.memory_space<vmem_shared>>
      tpu.wait_dma2 semaphore(%run_scoped3A_249 : memref<!tpu.dma_semaphore, #tpu.memory_space<semaphore_mem>>) src(%arg7 : memref<80x48xf32, #tpu.memory_space<vmem>>) dst(%dma_wait3A_257 : memref<80x48xf32, #tpu.memory_space<vmem_shared>>)
      tpu.yield
    }) : () -> ()
    %mul3A_28 = arith.constant 625 : i32
    %mul3A_29 = arith.muli %arg1, %mul3A_28 : i32
    %add3A_30 = arith.constant 320 : i32
    %add3A_31 = arith.addi %mul3A_29, %add3A_30 : i32
    "tpu.region"() ({
      %run_scoped3A_249 = tpu.sem_alloc : memref<!tpu.dma_semaphore, #tpu.memory_space<semaphore_mem>>
      %dma_start3A_250 = arith.constant 0 : i32
      %dma_start3A_251 = tpu.memref_slice %arg19[%add3A_31, %dma_start3A_250] : memref<10000x48xf32, #tpu.memory_space<vmem_shared>> -> memref<80x48xf32, #tpu.memory_space<vmem_shared>>
      %dma_start3A_252 = arith.constant 0 : i32
      %dma_start3A_253 = tpu.memref_slice %arg19[%add3A_31, %dma_start3A_252] : memref<10000x48xf32, #tpu.memory_space<vmem_shared>> -> memref<80x48xf32, #tpu.memory_space<vmem_shared>>
      tpu.enqueue_dma source(%arg7 : memref<80x48xf32, #tpu.memory_space<vmem>>) target(%dma_start3A_253 : memref<80x48xf32, #tpu.memory_space<vmem_shared>>) target_semaphore(%run_scoped3A_249 : memref<!tpu.dma_semaphore, #tpu.memory_space<semaphore_mem>>)
      %dma_wait3A_254 = arith.constant 0 : i32
      %dma_wait3A_255 = tpu.memref_slice %arg19[%add3A_31, %dma_wait3A_254] : memref<10000x48xf32, #tpu.memory_space<vmem_shared>> -> memref<80x48xf32, #tpu.memory_space<vmem_shared>>
      %dma_wait3A_256 = arith.constant 0 : i32
      %dma_wait3A_257 = tpu.memref_slice %arg19[%add3A_31, %dma_wait3A_256] : memref<10000x48xf32, #tpu.memory_space<vmem_shared>> -> memref<80x48xf32, #tpu.memory_space<vmem_shared>>
      tpu.wait_dma2 semaphore(%run_scoped3A_249 : memref<!tpu.dma_semaphore, #tpu.memory_space<semaphore_mem>>) src(%arg7 : memref<80x48xf32, #tpu.memory_space<vmem>>) dst(%dma_wait3A_257 : memref<80x48xf32, #tpu.memory_space<vmem_shared>>)
      tpu.yield
    }) : () -> ()
    %mul3A_32 = arith.constant 625 : i32
    %mul3A_33 = arith.muli %arg1, %mul3A_32 : i32
    %add3A_34 = arith.constant 400 : i32
    %add3A_35 = arith.addi %mul3A_33, %add3A_34 : i32
    "tpu.region"() ({
      %run_scoped3A_249 = tpu.sem_alloc : memref<!tpu.dma_semaphore, #tpu.memory_space<semaphore_mem>>
      %dma_start3A_250 = arith.constant 0 : i32
      %dma_start3A_251 = tpu.memref_slice %arg19[%add3A_35, %dma_start3A_250] : memref<10000x48xf32, #tpu.memory_space<vmem_shared>> -> memref<80x48xf32, #tpu.memory_space<vmem_shared>>
      %dma_start3A_252 = arith.constant 0 : i32
      %dma_start3A_253 = tpu.memref_slice %arg19[%add3A_35, %dma_start3A_252] : memref<10000x48xf32, #tpu.memory_space<vmem_shared>> -> memref<80x48xf32, #tpu.memory_space<vmem_shared>>
      tpu.enqueue_dma source(%arg7 : memref<80x48xf32, #tpu.memory_space<vmem>>) target(%dma_start3A_253 : memref<80x48xf32, #tpu.memory_space<vmem_shared>>) target_semaphore(%run_scoped3A_249 : memref<!tpu.dma_semaphore, #tpu.memory_space<semaphore_mem>>)
      %dma_wait3A_254 = arith.constant 0 : i32
      %dma_wait3A_255 = tpu.memref_slice %arg19[%add3A_35, %dma_wait3A_254] : memref<10000x48xf32, #tpu.memory_space<vmem_shared>> -> memref<80x48xf32, #tpu.memory_space<vmem_shared>>
      %dma_wait3A_256 = arith.constant 0 : i32
      %dma_wait3A_257 = tpu.memref_slice %arg19[%add3A_35, %dma_wait3A_256] : memref<10000x48xf32, #tpu.memory_space<vmem_shared>> -> memref<80x48xf32, #tpu.memory_space<vmem_shared>>
      tpu.wait_dma2 semaphore(%run_scoped3A_249 : memref<!tpu.dma_semaphore, #tpu.memory_space<semaphore_mem>>) src(%arg7 : memref<80x48xf32, #tpu.memory_space<vmem>>) dst(%dma_wait3A_257 : memref<80x48xf32, #tpu.memory_space<vmem_shared>>)
      tpu.yield
    }) : () -> ()
    %mul3A_36 = arith.constant 625 : i32
    %mul3A_37 = arith.muli %arg1, %mul3A_36 : i32
    %add3A_38 = arith.constant 480 : i32
    %add3A_39 = arith.addi %mul3A_37, %add3A_38 : i32
    "tpu.region"() ({
      %run_scoped3A_249 = tpu.sem_alloc : memref<!tpu.dma_semaphore, #tpu.memory_space<semaphore_mem>>
      %dma_start3A_250 = arith.constant 0 : i32
      %dma_start3A_251 = tpu.memref_slice %arg19[%add3A_39, %dma_start3A_250] : memref<10000x48xf32, #tpu.memory_space<vmem_shared>> -> memref<80x48xf32, #tpu.memory_space<vmem_shared>>
      %dma_start3A_252 = arith.constant 0 : i32
      %dma_start3A_253 = tpu.memref_slice %arg19[%add3A_39, %dma_start3A_252] : memref<10000x48xf32, #tpu.memory_space<vmem_shared>> -> memref<80x48xf32, #tpu.memory_space<vmem_shared>>
      tpu.enqueue_dma source(%arg7 : memref<80x48xf32, #tpu.memory_space<vmem>>) target(%dma_start3A_253 : memref<80x48xf32, #tpu.memory_space<vmem_shared>>) target_semaphore(%run_scoped3A_249 : memref<!tpu.dma_semaphore, #tpu.memory_space<semaphore_mem>>)
      %dma_wait3A_254 = arith.constant 0 : i32
      %dma_wait3A_255 = tpu.memref_slice %arg19[%add3A_39, %dma_wait3A_254] : memref<10000x48xf32, #tpu.memory_space<vmem_shared>> -> memref<80x48xf32, #tpu.memory_space<vmem_shared>>
      %dma_wait3A_256 = arith.constant 0 : i32
      %dma_wait3A_257 = tpu.memref_slice %arg19[%add3A_39, %dma_wait3A_256] : memref<10000x48xf32, #tpu.memory_space<vmem_shared>> -> memref<80x48xf32, #tpu.memory_space<vmem_shared>>
      tpu.wait_dma2 semaphore(%run_scoped3A_249 : memref<!tpu.dma_semaphore, #tpu.memory_space<semaphore_mem>>) src(%arg7 : memref<80x48xf32, #tpu.memory_space<vmem>>) dst(%dma_wait3A_257 : memref<80x48xf32, #tpu.memory_space<vmem_shared>>)
      tpu.yield
    }) : () -> ()
    %mul3A_40 = arith.constant 625 : i32
    %mul3A_41 = arith.muli %arg1, %mul3A_40 : i32
    %add3A_42 = arith.constant 560 : i32
    %add3A_43 = arith.addi %mul3A_41, %add3A_42 : i32
    "tpu.region"() ({
      %run_scoped3A_249 = tpu.sem_alloc : memref<!tpu.dma_semaphore, #tpu.memory_space<semaphore_mem>>
      %dma_start3A_250 = arith.constant 0 : i32
      %dma_start3A_251 = arith.constant 0 : i32
      %dma_start3A_252 = tpu.memref_slice %arg7[%dma_start3A_250, %dma_start3A_251] : memref<80x48xf32, #tpu.memory_space<vmem>> -> memref<65x48xf32, #tpu.memory_space<vmem>>
      %dma_start3A_253 = arith.constant 0 : i32
      %dma_start3A_254 = tpu.memref_slice %arg19[%add3A_43, %dma_start3A_253] : memref<10000x48xf32, #tpu.memory_space<vmem_shared>> -> memref<65x48xf32, #tpu.memory_space<vmem_shared>>
      %dma_start3A_255 = arith.constant 0 : i32
      %dma_start3A_256 = tpu.memref_slice %arg19[%add3A_43, %dma_start3A_255] : memref<10000x48xf32, #tpu.memory_space<vmem_shared>> -> memref<65x48xf32, #tpu.memory_space<vmem_shared>>
      %dma_start3A_257 = arith.constant 0 : i32
      %dma_start3A_258 = arith.constant 0 : i32
      %dma_start3A_259 = tpu.memref_slice %arg7[%dma_start3A_257, %dma_start3A_258] : memref<80x48xf32, #tpu.memory_space<vmem>> -> memref<65x48xf32, #tpu.memory_space<vmem>>
      tpu.enqueue_dma source(%dma_start3A_259 : memref<65x48xf32, #tpu.memory_space<vmem>>) target(%dma_start3A_256 : memref<65x48xf32, #tpu.memory_space<vmem_shared>>) target_semaphore(%run_scoped3A_249 : memref<!tpu.dma_semaphore, #tpu.memory_space<semaphore_mem>>)
      %dma_wait3A_260 = arith.constant 0 : i32
      %dma_wait3A_261 = arith.constant 0 : i32
      %dma_wait3A_262 = tpu.memref_slice %arg7[%dma_wait3A_260, %dma_wait3A_261] : memref<80x48xf32, #tpu.memory_space<vmem>> -> memref<65x48xf32, #tpu.memory_space<vmem>>
      %dma_wait3A_263 = arith.constant 0 : i32
      %dma_wait3A_264 = tpu.memref_slice %arg19[%add3A_43, %dma_wait3A_263] : memref<10000x48xf32, #tpu.memory_space<vmem_shared>> -> memref<65x48xf32, #tpu.memory_space<vmem_shared>>
      %dma_wait3A_265 = arith.constant 0 : i32
      %dma_wait3A_266 = tpu.memref_slice %arg19[%add3A_43, %dma_wait3A_265] : memref<10000x48xf32, #tpu.memory_space<vmem_shared>> -> memref<65x48xf32, #tpu.memory_space<vmem_shared>>
      %dma_wait3A_267 = arith.constant 0 : i32
      %dma_wait3A_268 = arith.constant 0 : i32
      %dma_wait3A_269 = tpu.memref_slice %arg7[%dma_wait3A_267, %dma_wait3A_268] : memref<80x48xf32, #tpu.memory_space<vmem>> -> memref<65x48xf32, #tpu.memory_space<vmem>>
      tpu.wait_dma2 semaphore(%run_scoped3A_249 : memref<!tpu.dma_semaphore, #tpu.memory_space<semaphore_mem>>) src(%dma_wait3A_269 : memref<65x48xf32, #tpu.memory_space<vmem>>) dst(%dma_wait3A_266 : memref<65x48xf32, #tpu.memory_space<vmem_shared>>)
      tpu.yield
    }) : () -> ()
    %barrier3A = arith.constant 0 : index
    tpu.barrier barrier_id(%barrier3A)
    %add3A_44 = arith.constant 0 : i32
    %add3A_45 = arith.addi %mul3A_2, %add3A_44 : i32
    %dma_start3A = arith.constant 1 : i32
    %dma_start3A_46 = arith.constant 0 : i32
    %dma_start3A_47 = arith.constant 0 : i32
    %dma_start3A_48 = tpu.memref_slice %arg6[%dma_start3A_46, %dma_start3A_47] : memref<4x80xi32, #tpu.memory_space<vmem>> -> memref<1x80xi32, #tpu.memory_space<vmem>>
    %dma_start3A_49 = tpu.memref_squeeze %dma_start3A_48 : memref<1x80xi32, #tpu.memory_space<vmem>> -> memref<80xi32, #tpu.memory_space<vmem>>
    %dma_start3A_50 = tpu.memref_slice %arg3[%dma_start3A, %add3A_45] : memref<2x320000xi32, #tpu.memory_space<hbm>> -> memref<1x80xi32, #tpu.memory_space<hbm>>
    %dma_start3A_51 = tpu.memref_squeeze %dma_start3A_50 : memref<1x80xi32, #tpu.memory_space<hbm>> -> memref<80xi32, #tpu.memory_space<hbm>>
    %dma_start3A_52 = arith.constant 0 : i32
    %dma_start3A_53 = tpu.memref_slice %arg6[%dma_start3A_46, %dma_start3A_52] : memref<4x80xi32, #tpu.memory_space<vmem>> -> memref<1x80xi32, #tpu.memory_space<vmem>>
    %dma_start3A_54 = tpu.memref_squeeze %dma_start3A_53 : memref<1x80xi32, #tpu.memory_space<vmem>> -> memref<80xi32, #tpu.memory_space<vmem>>
    %dma_start3A_55 = tpu.memref_slice %arg3[%dma_start3A, %add3A_45] : memref<2x320000xi32, #tpu.memory_space<hbm>> -> memref<1x80xi32, #tpu.memory_space<hbm>>
    %dma_start3A_56 = tpu.memref_squeeze %dma_start3A_55 : memref<1x80xi32, #tpu.memory_space<hbm>> -> memref<80xi32, #tpu.memory_space<hbm>>
    tpu.enqueue_dma source(%dma_start3A_56 : memref<80xi32, #tpu.memory_space<hbm>>) target(%dma_start3A_54 : memref<80xi32, #tpu.memory_space<vmem>>) target_semaphore(%arg15 : memref<!tpu.dma_semaphore, #tpu.memory_space<semaphore_mem>>)
    %dma_start3A_57 = arith.constant 0 : i32
    %dma_start3A_58 = tpu.memref_slice %arg5[%dma_start3A_57] : memref<10000xi32, #tpu.memory_space<vmem>> -> memref<80xi32, #tpu.memory_space<vmem>>
    %dma_start3A_59 = arith.constant 0 : i32
    %dma_start3A_60 = arith.constant 0 : i32
    %dma_start3A_61 = tpu.memref_slice %arg2[%dma_start3A_59, %dma_start3A_60] : memref<10000x48xf32, #tpu.memory_space<hbm>> -> memref<10000x48xf32, #tpu.memory_space<hbm>>
    tpu.enqueue_indirect_dma source(%dma_start3A_61 : memref<10000x48xf32, #tpu.memory_space<hbm>>) target(%arg7 : memref<80x48xf32, #tpu.memory_space<vmem>>) offsets(%dma_start3A_58 : memref<80xi32, #tpu.memory_space<vmem>>) semaphore(%arg11 : memref<!tpu.dma_semaphore, #tpu.memory_space<semaphore_mem>>)
    %add3A_62 = arith.constant 80 : i32
    %add3A_63 = arith.addi %mul3A_2, %add3A_62 : i32
    %dma_start3A_64 = arith.constant 1 : i32
    %dma_start3A_65 = arith.constant 1 : i32
    %dma_start3A_66 = arith.constant 0 : i32
    %dma_start3A_67 = tpu.memref_slice %arg6[%dma_start3A_65, %dma_start3A_66] : memref<4x80xi32, #tpu.memory_space<vmem>> -> memref<1x80xi32, #tpu.memory_space<vmem>>
    %dma_start3A_68 = tpu.memref_squeeze %dma_start3A_67 : memref<1x80xi32, #tpu.memory_space<vmem>> -> memref<80xi32, #tpu.memory_space<vmem>>
    %dma_start3A_69 = tpu.memref_slice %arg3[%dma_start3A_64, %add3A_63] : memref<2x320000xi32, #tpu.memory_space<hbm>> -> memref<1x80xi32, #tpu.memory_space<hbm>>
    %dma_start3A_70 = tpu.memref_squeeze %dma_start3A_69 : memref<1x80xi32, #tpu.memory_space<hbm>> -> memref<80xi32, #tpu.memory_space<hbm>>
    %dma_start3A_71 = arith.constant 0 : i32
    %dma_start3A_72 = tpu.memref_slice %arg6[%dma_start3A_65, %dma_start3A_71] : memref<4x80xi32, #tpu.memory_space<vmem>> -> memref<1x80xi32, #tpu.memory_space<vmem>>
    %dma_start3A_73 = tpu.memref_squeeze %dma_start3A_72 : memref<1x80xi32, #tpu.memory_space<vmem>> -> memref<80xi32, #tpu.memory_space<vmem>>
    %dma_start3A_74 = tpu.memref_slice %arg3[%dma_start3A_64, %add3A_63] : memref<2x320000xi32, #tpu.memory_space<hbm>> -> memref<1x80xi32, #tpu.memory_space<hbm>>
    %dma_start3A_75 = tpu.memref_squeeze %dma_start3A_74 : memref<1x80xi32, #tpu.memory_space<hbm>> -> memref<80xi32, #tpu.memory_space<hbm>>
    tpu.enqueue_dma source(%dma_start3A_75 : memref<80xi32, #tpu.memory_space<hbm>>) target(%dma_start3A_73 : memref<80xi32, #tpu.memory_space<vmem>>) target_semaphore(%arg16 : memref<!tpu.dma_semaphore, #tpu.memory_space<semaphore_mem>>)
    %dma_start3A_76 = arith.constant 80 : i32
    %dma_start3A_77 = tpu.memref_slice %arg5[%dma_start3A_76] : memref<10000xi32, #tpu.memory_space<vmem>> -> memref<80xi32, #tpu.memory_space<vmem>>
    %dma_start3A_78 = arith.constant 0 : i32
    %dma_start3A_79 = arith.constant 0 : i32
    %dma_start3A_80 = tpu.memref_slice %arg2[%dma_start3A_78, %dma_start3A_79] : memref<10000x48xf32, #tpu.memory_space<hbm>> -> memref<10000x48xf32, #tpu.memory_space<hbm>>
    tpu.enqueue_indirect_dma source(%dma_start3A_80 : memref<10000x48xf32, #tpu.memory_space<hbm>>) target(%arg8 : memref<80x48xf32, #tpu.memory_space<vmem>>) offsets(%dma_start3A_77 : memref<80xi32, #tpu.memory_space<vmem>>) semaphore(%arg12 : memref<!tpu.dma_semaphore, #tpu.memory_space<semaphore_mem>>)
    %add3A_81 = arith.constant 160 : i32
    %add3A_82 = arith.addi %mul3A_2, %add3A_81 : i32
    %dma_start3A_83 = arith.constant 1 : i32
    %dma_start3A_84 = arith.constant 2 : i32
    %dma_start3A_85 = arith.constant 0 : i32
    %dma_start3A_86 = tpu.memref_slice %arg6[%dma_start3A_84, %dma_start3A_85] : memref<4x80xi32, #tpu.memory_space<vmem>> -> memref<1x80xi32, #tpu.memory_space<vmem>>
    %dma_start3A_87 = tpu.memref_squeeze %dma_start3A_86 : memref<1x80xi32, #tpu.memory_space<vmem>> -> memref<80xi32, #tpu.memory_space<vmem>>
    %dma_start3A_88 = tpu.memref_slice %arg3[%dma_start3A_83, %add3A_82] : memref<2x320000xi32, #tpu.memory_space<hbm>> -> memref<1x80xi32, #tpu.memory_space<hbm>>
    %dma_start3A_89 = tpu.memref_squeeze %dma_start3A_88 : memref<1x80xi32, #tpu.memory_space<hbm>> -> memref<80xi32, #tpu.memory_space<hbm>>
    %dma_start3A_90 = arith.constant 0 : i32
    %dma_start3A_91 = tpu.memref_slice %arg6[%dma_start3A_84, %dma_start3A_90] : memref<4x80xi32, #tpu.memory_space<vmem>> -> memref<1x80xi32, #tpu.memory_space<vmem>>
    %dma_start3A_92 = tpu.memref_squeeze %dma_start3A_91 : memref<1x80xi32, #tpu.memory_space<vmem>> -> memref<80xi32, #tpu.memory_space<vmem>>
    %dma_start3A_93 = tpu.memref_slice %arg3[%dma_start3A_83, %add3A_82] : memref<2x320000xi32, #tpu.memory_space<hbm>> -> memref<1x80xi32, #tpu.memory_space<hbm>>
    %dma_start3A_94 = tpu.memref_squeeze %dma_start3A_93 : memref<1x80xi32, #tpu.memory_space<hbm>> -> memref<80xi32, #tpu.memory_space<hbm>>
    tpu.enqueue_dma source(%dma_start3A_94 : memref<80xi32, #tpu.memory_space<hbm>>) target(%dma_start3A_92 : memref<80xi32, #tpu.memory_space<vmem>>) target_semaphore(%arg17 : memref<!tpu.dma_semaphore, #tpu.memory_space<semaphore_mem>>)
    %dma_start3A_95 = arith.constant 160 : i32
    %dma_start3A_96 = tpu.memref_slice %arg5[%dma_start3A_95] : memref<10000xi32, #tpu.memory_space<vmem>> -> memref<80xi32, #tpu.memory_space<vmem>>
    %dma_start3A_97 = arith.constant 0 : i32
    %dma_start3A_98 = arith.constant 0 : i32
    %dma_start3A_99 = tpu.memref_slice %arg2[%dma_start3A_97, %dma_start3A_98] : memref<10000x48xf32, #tpu.memory_space<hbm>> -> memref<10000x48xf32, #tpu.memory_space<hbm>>
    tpu.enqueue_indirect_dma source(%dma_start3A_99 : memref<10000x48xf32, #tpu.memory_space<hbm>>) target(%arg9 : memref<80x48xf32, #tpu.memory_space<vmem>>) offsets(%dma_start3A_96 : memref<80xi32, #tpu.memory_space<vmem>>) semaphore(%arg13 : memref<!tpu.dma_semaphore, #tpu.memory_space<semaphore_mem>>)
    %add3A_100 = arith.constant 240 : i32
    %add3A_101 = arith.addi %mul3A_2, %add3A_100 : i32
    %dma_start3A_102 = arith.constant 1 : i32
    %dma_start3A_103 = arith.constant 3 : i32
    %dma_start3A_104 = arith.constant 0 : i32
    %dma_start3A_105 = tpu.memref_slice %arg6[%dma_start3A_103, %dma_start3A_104] : memref<4x80xi32, #tpu.memory_space<vmem>> -> memref<1x80xi32, #tpu.memory_space<vmem>>
    %dma_start3A_106 = tpu.memref_squeeze %dma_start3A_105 : memref<1x80xi32, #tpu.memory_space<vmem>> -> memref<80xi32, #tpu.memory_space<vmem>>
    %dma_start3A_107 = tpu.memref_slice %arg3[%dma_start3A_102, %add3A_101] : memref<2x320000xi32, #tpu.memory_space<hbm>> -> memref<1x80xi32, #tpu.memory_space<hbm>>
    %dma_start3A_108 = tpu.memref_squeeze %dma_start3A_107 : memref<1x80xi32, #tpu.memory_space<hbm>> -> memref<80xi32, #tpu.memory_space<hbm>>
    %dma_start3A_109 = arith.constant 0 : i32
    %dma_start3A_110 = tpu.memref_slice %arg6[%dma_start3A_103, %dma_start3A_109] : memref<4x80xi32, #tpu.memory_space<vmem>> -> memref<1x80xi32, #tpu.memory_space<vmem>>
    %dma_start3A_111 = tpu.memref_squeeze %dma_start3A_110 : memref<1x80xi32, #tpu.memory_space<vmem>> -> memref<80xi32, #tpu.memory_space<vmem>>
    %dma_start3A_112 = tpu.memref_slice %arg3[%dma_start3A_102, %add3A_101] : memref<2x320000xi32, #tpu.memory_space<hbm>> -> memref<1x80xi32, #tpu.memory_space<hbm>>
    %dma_start3A_113 = tpu.memref_squeeze %dma_start3A_112 : memref<1x80xi32, #tpu.memory_space<hbm>> -> memref<80xi32, #tpu.memory_space<hbm>>
    tpu.enqueue_dma source(%dma_start3A_113 : memref<80xi32, #tpu.memory_space<hbm>>) target(%dma_start3A_111 : memref<80xi32, #tpu.memory_space<vmem>>) target_semaphore(%arg18 : memref<!tpu.dma_semaphore, #tpu.memory_space<semaphore_mem>>)
    %dma_start3A_114 = arith.constant 240 : i32
    %dma_start3A_115 = tpu.memref_slice %arg5[%dma_start3A_114] : memref<10000xi32, #tpu.memory_space<vmem>> -> memref<80xi32, #tpu.memory_space<vmem>>
    %dma_start3A_116 = arith.constant 0 : i32
    %dma_start3A_117 = arith.constant 0 : i32
    %dma_start3A_118 = tpu.memref_slice %arg2[%dma_start3A_116, %dma_start3A_117] : memref<10000x48xf32, #tpu.memory_space<hbm>> -> memref<10000x48xf32, #tpu.memory_space<hbm>>
    tpu.enqueue_indirect_dma source(%dma_start3A_118 : memref<10000x48xf32, #tpu.memory_space<hbm>>) target(%arg10 : memref<80x48xf32, #tpu.memory_space<vmem>>) offsets(%dma_start3A_115 : memref<80xi32, #tpu.memory_space<vmem>>) semaphore(%arg14 : memref<!tpu.dma_semaphore, #tpu.memory_space<semaphore_mem>>)
    %scan3A_119 = arith.constant 0 : i32
    %scan3A_120 = arith.constant 0 : i32
    %scan3A_121 = arith.constant 30 : i32
    %scan3A_122 = arith.addi %scan3A_120, %scan3A_121 : i32
    %scan3A_123 = arith.constant 1 : i32
    %scan3A_124 = scf.for %scan3A_249 = %scan3A_120 to %scan3A_122 step %scan3A_123 iter_args(%scan3A_250 = %scan3A_119) -> (i32)  : i32 {
      %mul3A_251 = arith.constant 4 : i32
      %mul3A_252 = arith.muli %scan3A_249, %mul3A_251 : i32
      %add3A_253 = arith.constant 0 : i32
      %add3A_254 = arith.addi %mul3A_252, %add3A_253 : i32
      %mul3A_255 = arith.constant 80 : i32
      %mul3A_256 = arith.muli %add3A_254, %mul3A_255 : i32
      %add3A_257 = arith.addi %mul3A_2, %mul3A_256 : i32
      %dma_wait3A_258 = arith.constant 1 : i32
      %dma_wait3A_259 = arith.constant 0 : i32
      %dma_wait3A_260 = arith.constant 0 : i32
      %dma_wait3A_261 = tpu.memref_slice %arg6[%dma_wait3A_259, %dma_wait3A_260] : memref<4x80xi32, #tpu.memory_space<vmem>> -> memref<1x80xi32, #tpu.memory_space<vmem>>
      %dma_wait3A_262 = tpu.memref_squeeze %dma_wait3A_261 : memref<1x80xi32, #tpu.memory_space<vmem>> -> memref<80xi32, #tpu.memory_space<vmem>>
      %dma_wait3A_263 = tpu.memref_slice %arg3[%dma_wait3A_258, %add3A_257] : memref<2x320000xi32, #tpu.memory_space<hbm>> -> memref<1x80xi32, #tpu.memory_space<hbm>>
      %dma_wait3A_264 = tpu.memref_squeeze %dma_wait3A_263 : memref<1x80xi32, #tpu.memory_space<hbm>> -> memref<80xi32, #tpu.memory_space<hbm>>
      %dma_wait3A_265 = arith.constant 0 : i32
      %dma_wait3A_266 = tpu.memref_slice %arg6[%dma_wait3A_259, %dma_wait3A_265] : memref<4x80xi32, #tpu.memory_space<vmem>> -> memref<1x80xi32, #tpu.memory_space<vmem>>
      %dma_wait3A_267 = tpu.memref_squeeze %dma_wait3A_266 : memref<1x80xi32, #tpu.memory_space<vmem>> -> memref<80xi32, #tpu.memory_space<vmem>>
      %dma_wait3A_268 = tpu.memref_slice %arg3[%dma_wait3A_258, %add3A_257] : memref<2x320000xi32, #tpu.memory_space<hbm>> -> memref<1x80xi32, #tpu.memory_space<hbm>>
      %dma_wait3A_269 = tpu.memref_squeeze %dma_wait3A_268 : memref<1x80xi32, #tpu.memory_space<hbm>> -> memref<80xi32, #tpu.memory_space<hbm>>
      tpu.wait_dma2 semaphore(%arg15 : memref<!tpu.dma_semaphore, #tpu.memory_space<semaphore_mem>>) src(%dma_wait3A_269 : memref<80xi32, #tpu.memory_space<hbm>>) dst(%dma_wait3A_267 : memref<80xi32, #tpu.memory_space<vmem>>)
      %mul3A_270 = arith.constant 80 : i32
      %mul3A_271 = arith.muli %add3A_254, %mul3A_270 : i32
      %dma_wait3A_272 = tpu.memref_slice %arg5[%mul3A_271] : memref<10000xi32, #tpu.memory_space<vmem>> -> memref<80xi32, #tpu.memory_space<vmem>>
      %dma_wait3A_273 = arith.constant 0 : i32
      %dma_wait3A_274 = arith.constant 0 : i32
      %dma_wait3A_275 = tpu.memref_slice %arg2[%dma_wait3A_273, %dma_wait3A_274] : memref<10000x48xf32, #tpu.memory_space<hbm>> -> memref<10000x48xf32, #tpu.memory_space<hbm>>
      tpu.wait_indirect_dma semaphore(%arg11 : memref<!tpu.dma_semaphore, #tpu.memory_space<semaphore_mem>>) src(%dma_wait3A_275 : memref<10000x48xf32, #tpu.memory_space<hbm>>) dst(%arg7 : memref<80x48xf32, #tpu.memory_space<vmem>>)
      %run_scoped3A_276 = arith.constant 0 : i32
      "tpu.region"() ({
        %run_scoped3A_448 = tpu.sem_alloc : memref<!tpu.dma_semaphore, #tpu.memory_space<semaphore_mem>>
        %dma_start3A_449 = arith.constant 0 : i32
        %dma_start3A_450 = tpu.memref_slice %arg6[%run_scoped3A_276, %dma_start3A_449] : memref<4x80xi32, #tpu.memory_space<vmem>> -> memref<1x80xi32, #tpu.memory_space<vmem>>
        %dma_start3A_451 = tpu.memref_squeeze %dma_start3A_450 : memref<1x80xi32, #tpu.memory_space<vmem>> -> memref<80xi32, #tpu.memory_space<vmem>>
        %dma_start3A_452 = arith.constant 0 : i32
        %dma_start3A_453 = arith.constant 0 : i32
        %dma_start3A_454 = tpu.memref_slice %arg19[%dma_start3A_452, %dma_start3A_453] : memref<10000x48xf32, #tpu.memory_space<vmem_shared>> -> memref<10000x48xf32, #tpu.memory_space<vmem_shared>>
        tpu.enqueue_indirect_dma source(%arg7 : memref<80x48xf32, #tpu.memory_space<vmem>>) target(%dma_start3A_454 : memref<10000x48xf32, #tpu.memory_space<vmem_shared>>) offsets(%dma_start3A_451 : memref<80xi32, #tpu.memory_space<vmem>>) semaphore(%run_scoped3A_448 : memref<!tpu.dma_semaphore, #tpu.memory_space<semaphore_mem>>) {add = true}
        %dma_wait3A_455 = arith.constant 0 : i32
        %dma_wait3A_456 = tpu.memref_slice %arg6[%run_scoped3A_276, %dma_wait3A_455] : memref<4x80xi32, #tpu.memory_space<vmem>> -> memref<1x80xi32, #tpu.memory_space<vmem>>
        %dma_wait3A_457 = tpu.memref_squeeze %dma_wait3A_456 : memref<1x80xi32, #tpu.memory_space<vmem>> -> memref<80xi32, #tpu.memory_space<vmem>>
        %dma_wait3A_458 = arith.constant 0 : i32
        %dma_wait3A_459 = arith.constant 0 : i32
        %dma_wait3A_460 = tpu.memref_slice %arg19[%dma_wait3A_458, %dma_wait3A_459] : memref<10000x48xf32, #tpu.memory_space<vmem_shared>> -> memref<10000x48xf32, #tpu.memory_space<vmem_shared>>
        tpu.wait_indirect_dma semaphore(%run_scoped3A_448 : memref<!tpu.dma_semaphore, #tpu.memory_space<semaphore_mem>>) src(%arg7 : memref<80x48xf32, #tpu.memory_space<vmem>>) dst(%dma_wait3A_460 : memref<10000x48xf32, #tpu.memory_space<vmem_shared>>)
        tpu.yield
      }) : () -> ()
      %add3A_277 = arith.constant 4 : i32
      %add3A_278 = arith.addi %add3A_254, %add3A_277 : i32
      %mul3A_279 = arith.constant 80 : i32
      %mul3A_280 = arith.muli %add3A_278, %mul3A_279 : i32
      %add3A_281 = arith.addi %mul3A_2, %mul3A_280 : i32
      %dma_start3A_282 = arith.constant 1 : i32
      %dma_start3A_283 = arith.constant 0 : i32
      %dma_start3A_284 = arith.constant 0 : i32
      %dma_start3A_285 = tpu.memref_slice %arg6[%dma_start3A_283, %dma_start3A_284] : memref<4x80xi32, #tpu.memory_space<vmem>> -> memref<1x80xi32, #tpu.memory_space<vmem>>
      %dma_start3A_286 = tpu.memref_squeeze %dma_start3A_285 : memref<1x80xi32, #tpu.memory_space<vmem>> -> memref<80xi32, #tpu.memory_space<vmem>>
      %dma_start3A_287 = tpu.memref_slice %arg3[%dma_start3A_282, %add3A_281] : memref<2x320000xi32, #tpu.memory_space<hbm>> -> memref<1x80xi32, #tpu.memory_space<hbm>>
      %dma_start3A_288 = tpu.memref_squeeze %dma_start3A_287 : memref<1x80xi32, #tpu.memory_space<hbm>> -> memref<80xi32, #tpu.memory_space<hbm>>
      %dma_start3A_289 = arith.constant 0 : i32
      %dma_start3A_290 = tpu.memref_slice %arg6[%dma_start3A_283, %dma_start3A_289] : memref<4x80xi32, #tpu.memory_space<vmem>> -> memref<1x80xi32, #tpu.memory_space<vmem>>
      %dma_start3A_291 = tpu.memref_squeeze %dma_start3A_290 : memref<1x80xi32, #tpu.memory_space<vmem>> -> memref<80xi32, #tpu.memory_space<vmem>>
      %dma_start3A_292 = tpu.memref_slice %arg3[%dma_start3A_282, %add3A_281] : memref<2x320000xi32, #tpu.memory_space<hbm>> -> memref<1x80xi32, #tpu.memory_space<hbm>>
      %dma_start3A_293 = tpu.memref_squeeze %dma_start3A_292 : memref<1x80xi32, #tpu.memory_space<hbm>> -> memref<80xi32, #tpu.memory_space<hbm>>
      tpu.enqueue_dma source(%dma_start3A_293 : memref<80xi32, #tpu.memory_space<hbm>>) target(%dma_start3A_291 : memref<80xi32, #tpu.memory_space<vmem>>) target_semaphore(%arg15 : memref<!tpu.dma_semaphore, #tpu.memory_space<semaphore_mem>>)
      %mul3A_294 = arith.constant 80 : i32
      %mul3A_295 = arith.muli %add3A_278, %mul3A_294 : i32
      %dma_start3A_296 = tpu.memref_slice %arg5[%mul3A_295] : memref<10000xi32, #tpu.memory_space<vmem>> -> memref<80xi32, #tpu.memory_space<vmem>>
      %dma_start3A_297 = arith.constant 0 : i32
      %dma_start3A_298 = arith.constant 0 : i32
      %dma_start3A_299 = tpu.memref_slice %arg2[%dma_start3A_297, %dma_start3A_298] : memref<10000x48xf32, #tpu.memory_space<hbm>> -> memref<10000x48xf32, #tpu.memory_space<hbm>>
      tpu.enqueue_indirect_dma source(%dma_start3A_299 : memref<10000x48xf32, #tpu.memory_space<hbm>>) target(%arg7 : memref<80x48xf32, #tpu.memory_space<vmem>>) offsets(%dma_start3A_296 : memref<80xi32, #tpu.memory_space<vmem>>) semaphore(%arg11 : memref<!tpu.dma_semaphore, #tpu.memory_space<semaphore_mem>>)
      %mul3A_300 = arith.constant 4 : i32
      %mul3A_301 = arith.muli %scan3A_249, %mul3A_300 : i32
      %add3A_302 = arith.constant 1 : i32
      %add3A_303 = arith.addi %mul3A_301, %add3A_302 : i32
      %mul3A_304 = arith.constant 80 : i32
      %mul3A_305 = arith.muli %add3A_303, %mul3A_304 : i32
      %add3A_306 = arith.addi %mul3A_2, %mul3A_305 : i32
      %dma_wait3A_307 = arith.constant 1 : i32
      %dma_wait3A_308 = arith.constant 1 : i32
      %dma_wait3A_309 = arith.constant 0 : i32
      %dma_wait3A_310 = tpu.memref_slice %arg6[%dma_wait3A_308, %dma_wait3A_309] : memref<4x80xi32, #tpu.memory_space<vmem>> -> memref<1x80xi32, #tpu.memory_space<vmem>>
      %dma_wait3A_311 = tpu.memref_squeeze %dma_wait3A_310 : memref<1x80xi32, #tpu.memory_space<vmem>> -> memref<80xi32, #tpu.memory_space<vmem>>
      %dma_wait3A_312 = tpu.memref_slice %arg3[%dma_wait3A_307, %add3A_306] : memref<2x320000xi32, #tpu.memory_space<hbm>> -> memref<1x80xi32, #tpu.memory_space<hbm>>
      %dma_wait3A_313 = tpu.memref_squeeze %dma_wait3A_312 : memref<1x80xi32, #tpu.memory_space<hbm>> -> memref<80xi32, #tpu.memory_space<hbm>>
      %dma_wait3A_314 = arith.constant 0 : i32
      %dma_wait3A_315 = tpu.memref_slice %arg6[%dma_wait3A_308, %dma_wait3A_314] : memref<4x80xi32, #tpu.memory_space<vmem>> -> memref<1x80xi32, #tpu.memory_space<vmem>>
      %dma_wait3A_316 = tpu.memref_squeeze %dma_wait3A_315 : memref<1x80xi32, #tpu.memory_space<vmem>> -> memref<80xi32, #tpu.memory_space<vmem>>
      %dma_wait3A_317 = tpu.memref_slice %arg3[%dma_wait3A_307, %add3A_306] : memref<2x320000xi32, #tpu.memory_space<hbm>> -> memref<1x80xi32, #tpu.memory_space<hbm>>
      %dma_wait3A_318 = tpu.memref_squeeze %dma_wait3A_317 : memref<1x80xi32, #tpu.memory_space<hbm>> -> memref<80xi32, #tpu.memory_space<hbm>>
      tpu.wait_dma2 semaphore(%arg16 : memref<!tpu.dma_semaphore, #tpu.memory_space<semaphore_mem>>) src(%dma_wait3A_318 : memref<80xi32, #tpu.memory_space<hbm>>) dst(%dma_wait3A_316 : memref<80xi32, #tpu.memory_space<vmem>>)
      %mul3A_319 = arith.constant 80 : i32
      %mul3A_320 = arith.muli %add3A_303, %mul3A_319 : i32
      %dma_wait3A_321 = tpu.memref_slice %arg5[%mul3A_320] : memref<10000xi32, #tpu.memory_space<vmem>> -> memref<80xi32, #tpu.memory_space<vmem>>
      %dma_wait3A_322 = arith.constant 0 : i32
      %dma_wait3A_323 = arith.constant 0 : i32
      %dma_wait3A_324 = tpu.memref_slice %arg2[%dma_wait3A_322, %dma_wait3A_323] : memref<10000x48xf32, #tpu.memory_space<hbm>> -> memref<10000x48xf32, #tpu.memory_space<hbm>>
      tpu.wait_indirect_dma semaphore(%arg12 : memref<!tpu.dma_semaphore, #tpu.memory_space<semaphore_mem>>) src(%dma_wait3A_324 : memref<10000x48xf32, #tpu.memory_space<hbm>>) dst(%arg8 : memref<80x48xf32, #tpu.memory_space<vmem>>)
      %run_scoped3A_325 = arith.constant 1 : i32
      "tpu.region"() ({
        %run_scoped3A_448 = tpu.sem_alloc : memref<!tpu.dma_semaphore, #tpu.memory_space<semaphore_mem>>
        %dma_start3A_449 = arith.constant 0 : i32
        %dma_start3A_450 = tpu.memref_slice %arg6[%run_scoped3A_325, %dma_start3A_449] : memref<4x80xi32, #tpu.memory_space<vmem>> -> memref<1x80xi32, #tpu.memory_space<vmem>>
        %dma_start3A_451 = tpu.memref_squeeze %dma_start3A_450 : memref<1x80xi32, #tpu.memory_space<vmem>> -> memref<80xi32, #tpu.memory_space<vmem>>
        %dma_start3A_452 = arith.constant 0 : i32
        %dma_start3A_453 = arith.constant 0 : i32
        %dma_start3A_454 = tpu.memref_slice %arg19[%dma_start3A_452, %dma_start3A_453] : memref<10000x48xf32, #tpu.memory_space<vmem_shared>> -> memref<10000x48xf32, #tpu.memory_space<vmem_shared>>
        tpu.enqueue_indirect_dma source(%arg8 : memref<80x48xf32, #tpu.memory_space<vmem>>) target(%dma_start3A_454 : memref<10000x48xf32, #tpu.memory_space<vmem_shared>>) offsets(%dma_start3A_451 : memref<80xi32, #tpu.memory_space<vmem>>) semaphore(%run_scoped3A_448 : memref<!tpu.dma_semaphore, #tpu.memory_space<semaphore_mem>>) {add = true}
        %dma_wait3A_455 = arith.constant 0 : i32
        %dma_wait3A_456 = tpu.memref_slice %arg6[%run_scoped3A_325, %dma_wait3A_455] : memref<4x80xi32, #tpu.memory_space<vmem>> -> memref<1x80xi32, #tpu.memory_space<vmem>>
        %dma_wait3A_457 = tpu.memref_squeeze %dma_wait3A_456 : memref<1x80xi32, #tpu.memory_space<vmem>> -> memref<80xi32, #tpu.memory_space<vmem>>
        %dma_wait3A_458 = arith.constant 0 : i32
        %dma_wait3A_459 = arith.constant 0 : i32
        %dma_wait3A_460 = tpu.memref_slice %arg19[%dma_wait3A_458, %dma_wait3A_459] : memref<10000x48xf32, #tpu.memory_space<vmem_shared>> -> memref<10000x48xf32, #tpu.memory_space<vmem_shared>>
        tpu.wait_indirect_dma semaphore(%run_scoped3A_448 : memref<!tpu.dma_semaphore, #tpu.memory_space<semaphore_mem>>) src(%arg8 : memref<80x48xf32, #tpu.memory_space<vmem>>) dst(%dma_wait3A_460 : memref<10000x48xf32, #tpu.memory_space<vmem_shared>>)
        tpu.yield
      }) : () -> ()
      %add3A_326 = arith.constant 4 : i32
      %add3A_327 = arith.addi %add3A_303, %add3A_326 : i32
      %mul3A_328 = arith.constant 80 : i32
      %mul3A_329 = arith.muli %add3A_327, %mul3A_328 : i32
      %add3A_330 = arith.addi %mul3A_2, %mul3A_329 : i32
      %dma_start3A_331 = arith.constant 1 : i32
      %dma_start3A_332 = arith.constant 1 : i32
      %dma_start3A_333 = arith.constant 0 : i32
      %dma_start3A_334 = tpu.memref_slice %arg6[%dma_start3A_332, %dma_start3A_333] : memref<4x80xi32, #tpu.memory_space<vmem>> -> memref<1x80xi32, #tpu.memory_space<vmem>>
      %dma_start3A_335 = tpu.memref_squeeze %dma_start3A_334 : memref<1x80xi32, #tpu.memory_space<vmem>> -> memref<80xi32, #tpu.memory_space<vmem>>
      %dma_start3A_336 = tpu.memref_slice %arg3[%dma_start3A_331, %add3A_330] : memref<2x320000xi32, #tpu.memory_space<hbm>> -> memref<1x80xi32, #tpu.memory_space<hbm>>
      %dma_start3A_337 = tpu.memref_squeeze %dma_start3A_336 : memref<1x80xi32, #tpu.memory_space<hbm>> -> memref<80xi32, #tpu.memory_space<hbm>>
      %dma_start3A_338 = arith.constant 0 : i32
      %dma_start3A_339 = tpu.memref_slice %arg6[%dma_start3A_332, %dma_start3A_338] : memref<4x80xi32, #tpu.memory_space<vmem>> -> memref<1x80xi32, #tpu.memory_space<vmem>>
      %dma_start3A_340 = tpu.memref_squeeze %dma_start3A_339 : memref<1x80xi32, #tpu.memory_space<vmem>> -> memref<80xi32, #tpu.memory_space<vmem>>
      %dma_start3A_341 = tpu.memref_slice %arg3[%dma_start3A_331, %add3A_330] : memref<2x320000xi32, #tpu.memory_space<hbm>> -> memref<1x80xi32, #tpu.memory_space<hbm>>
      %dma_start3A_342 = tpu.memref_squeeze %dma_start3A_341 : memref<1x80xi32, #tpu.memory_space<hbm>> -> memref<80xi32, #tpu.memory_space<hbm>>
      tpu.enqueue_dma source(%dma_start3A_342 : memref<80xi32, #tpu.memory_space<hbm>>) target(%dma_start3A_340 : memref<80xi32, #tpu.memory_space<vmem>>) target_semaphore(%arg16 : memref<!tpu.dma_semaphore, #tpu.memory_space<semaphore_mem>>)
      %mul3A_343 = arith.constant 80 : i32
      %mul3A_344 = arith.muli %add3A_327, %mul3A_343 : i32
      %dma_start3A_345 = tpu.memref_slice %arg5[%mul3A_344] : memref<10000xi32, #tpu.memory_space<vmem>> -> memref<80xi32, #tpu.memory_space<vmem>>
      %dma_start3A_346 = arith.constant 0 : i32
      %dma_start3A_347 = arith.constant 0 : i32
      %dma_start3A_348 = tpu.memref_slice %arg2[%dma_start3A_346, %dma_start3A_347] : memref<10000x48xf32, #tpu.memory_space<hbm>> -> memref<10000x48xf32, #tpu.memory_space<hbm>>
      tpu.enqueue_indirect_dma source(%dma_start3A_348 : memref<10000x48xf32, #tpu.memory_space<hbm>>) target(%arg8 : memref<80x48xf32, #tpu.memory_space<vmem>>) offsets(%dma_start3A_345 : memref<80xi32, #tpu.memory_space<vmem>>) semaphore(%arg12 : memref<!tpu.dma_semaphore, #tpu.memory_space<semaphore_mem>>)
      %mul3A_349 = arith.constant 4 : i32
      %mul3A_350 = arith.muli %scan3A_249, %mul3A_349 : i32
      %add3A_351 = arith.constant 2 : i32
      %add3A_352 = arith.addi %mul3A_350, %add3A_351 : i32
      %mul3A_353 = arith.constant 80 : i32
      %mul3A_354 = arith.muli %add3A_352, %mul3A_353 : i32
      %add3A_355 = arith.addi %mul3A_2, %mul3A_354 : i32
      %dma_wait3A_356 = arith.constant 1 : i32
      %dma_wait3A_357 = arith.constant 2 : i32
      %dma_wait3A_358 = arith.constant 0 : i32
      %dma_wait3A_359 = tpu.memref_slice %arg6[%dma_wait3A_357, %dma_wait3A_358] : memref<4x80xi32, #tpu.memory_space<vmem>> -> memref<1x80xi32, #tpu.memory_space<vmem>>
      %dma_wait3A_360 = tpu.memref_squeeze %dma_wait3A_359 : memref<1x80xi32, #tpu.memory_space<vmem>> -> memref<80xi32, #tpu.memory_space<vmem>>
      %dma_wait3A_361 = tpu.memref_slice %arg3[%dma_wait3A_356, %add3A_355] : memref<2x320000xi32, #tpu.memory_space<hbm>> -> memref<1x80xi32, #tpu.memory_space<hbm>>
      %dma_wait3A_362 = tpu.memref_squeeze %dma_wait3A_361 : memref<1x80xi32, #tpu.memory_space<hbm>> -> memref<80xi32, #tpu.memory_space<hbm>>
      %dma_wait3A_363 = arith.constant 0 : i32
      %dma_wait3A_364 = tpu.memref_slice %arg6[%dma_wait3A_357, %dma_wait3A_363] : memref<4x80xi32, #tpu.memory_space<vmem>> -> memref<1x80xi32, #tpu.memory_space<vmem>>
      %dma_wait3A_365 = tpu.memref_squeeze %dma_wait3A_364 : memref<1x80xi32, #tpu.memory_space<vmem>> -> memref<80xi32, #tpu.memory_space<vmem>>
      %dma_wait3A_366 = tpu.memref_slice %arg3[%dma_wait3A_356, %add3A_355] : memref<2x320000xi32, #tpu.memory_space<hbm>> -> memref<1x80xi32, #tpu.memory_space<hbm>>
      %dma_wait3A_367 = tpu.memref_squeeze %dma_wait3A_366 : memref<1x80xi32, #tpu.memory_space<hbm>> -> memref<80xi32, #tpu.memory_space<hbm>>
      tpu.wait_dma2 semaphore(%arg17 : memref<!tpu.dma_semaphore, #tpu.memory_space<semaphore_mem>>) src(%dma_wait3A_367 : memref<80xi32, #tpu.memory_space<hbm>>) dst(%dma_wait3A_365 : memref<80xi32, #tpu.memory_space<vmem>>)
      %mul3A_368 = arith.constant 80 : i32
      %mul3A_369 = arith.muli %add3A_352, %mul3A_368 : i32
      %dma_wait3A_370 = tpu.memref_slice %arg5[%mul3A_369] : memref<10000xi32, #tpu.memory_space<vmem>> -> memref<80xi32, #tpu.memory_space<vmem>>
      %dma_wait3A_371 = arith.constant 0 : i32
      %dma_wait3A_372 = arith.constant 0 : i32
      %dma_wait3A_373 = tpu.memref_slice %arg2[%dma_wait3A_371, %dma_wait3A_372] : memref<10000x48xf32, #tpu.memory_space<hbm>> -> memref<10000x48xf32, #tpu.memory_space<hbm>>
      tpu.wait_indirect_dma semaphore(%arg13 : memref<!tpu.dma_semaphore, #tpu.memory_space<semaphore_mem>>) src(%dma_wait3A_373 : memref<10000x48xf32, #tpu.memory_space<hbm>>) dst(%arg9 : memref<80x48xf32, #tpu.memory_space<vmem>>)
      %run_scoped3A_374 = arith.constant 2 : i32
      "tpu.region"() ({
        %run_scoped3A_448 = tpu.sem_alloc : memref<!tpu.dma_semaphore, #tpu.memory_space<semaphore_mem>>
        %dma_start3A_449 = arith.constant 0 : i32
        %dma_start3A_450 = tpu.memref_slice %arg6[%run_scoped3A_374, %dma_start3A_449] : memref<4x80xi32, #tpu.memory_space<vmem>> -> memref<1x80xi32, #tpu.memory_space<vmem>>
        %dma_start3A_451 = tpu.memref_squeeze %dma_start3A_450 : memref<1x80xi32, #tpu.memory_space<vmem>> -> memref<80xi32, #tpu.memory_space<vmem>>
        %dma_start3A_452 = arith.constant 0 : i32
        %dma_start3A_453 = arith.constant 0 : i32
        %dma_start3A_454 = tpu.memref_slice %arg19[%dma_start3A_452, %dma_start3A_453] : memref<10000x48xf32, #tpu.memory_space<vmem_shared>> -> memref<10000x48xf32, #tpu.memory_space<vmem_shared>>
        tpu.enqueue_indirect_dma source(%arg9 : memref<80x48xf32, #tpu.memory_space<vmem>>) target(%dma_start3A_454 : memref<10000x48xf32, #tpu.memory_space<vmem_shared>>) offsets(%dma_start3A_451 : memref<80xi32, #tpu.memory_space<vmem>>) semaphore(%run_scoped3A_448 : memref<!tpu.dma_semaphore, #tpu.memory_space<semaphore_mem>>) {add = true}
        %dma_wait3A_455 = arith.constant 0 : i32
        %dma_wait3A_456 = tpu.memref_slice %arg6[%run_scoped3A_374, %dma_wait3A_455] : memref<4x80xi32, #tpu.memory_space<vmem>> -> memref<1x80xi32, #tpu.memory_space<vmem>>
        %dma_wait3A_457 = tpu.memref_squeeze %dma_wait3A_456 : memref<1x80xi32, #tpu.memory_space<vmem>> -> memref<80xi32, #tpu.memory_space<vmem>>
        %dma_wait3A_458 = arith.constant 0 : i32
        %dma_wait3A_459 = arith.constant 0 : i32
        %dma_wait3A_460 = tpu.memref_slice %arg19[%dma_wait3A_458, %dma_wait3A_459] : memref<10000x48xf32, #tpu.memory_space<vmem_shared>> -> memref<10000x48xf32, #tpu.memory_space<vmem_shared>>
        tpu.wait_indirect_dma semaphore(%run_scoped3A_448 : memref<!tpu.dma_semaphore, #tpu.memory_space<semaphore_mem>>) src(%arg9 : memref<80x48xf32, #tpu.memory_space<vmem>>) dst(%dma_wait3A_460 : memref<10000x48xf32, #tpu.memory_space<vmem_shared>>)
        tpu.yield
      }) : () -> ()
      %add3A_375 = arith.constant 4 : i32
      %add3A_376 = arith.addi %add3A_352, %add3A_375 : i32
      %mul3A_377 = arith.constant 80 : i32
      %mul3A_378 = arith.muli %add3A_376, %mul3A_377 : i32
      %add3A_379 = arith.addi %mul3A_2, %mul3A_378 : i32
      %dma_start3A_380 = arith.constant 1 : i32
      %dma_start3A_381 = arith.constant 2 : i32
      %dma_start3A_382 = arith.constant 0 : i32
      %dma_start3A_383 = tpu.memref_slice %arg6[%dma_start3A_381, %dma_start3A_382] : memref<4x80xi32, #tpu.memory_space<vmem>> -> memref<1x80xi32, #tpu.memory_space<vmem>>
      %dma_start3A_384 = tpu.memref_squeeze %dma_start3A_383 : memref<1x80xi32, #tpu.memory_space<vmem>> -> memref<80xi32, #tpu.memory_space<vmem>>
      %dma_start3A_385 = tpu.memref_slice %arg3[%dma_start3A_380, %add3A_379] : memref<2x320000xi32, #tpu.memory_space<hbm>> -> memref<1x80xi32, #tpu.memory_space<hbm>>
      %dma_start3A_386 = tpu.memref_squeeze %dma_start3A_385 : memref<1x80xi32, #tpu.memory_space<hbm>> -> memref<80xi32, #tpu.memory_space<hbm>>
      %dma_start3A_387 = arith.constant 0 : i32
      %dma_start3A_388 = tpu.memref_slice %arg6[%dma_start3A_381, %dma_start3A_387] : memref<4x80xi32, #tpu.memory_space<vmem>> -> memref<1x80xi32, #tpu.memory_space<vmem>>
      %dma_start3A_389 = tpu.memref_squeeze %dma_start3A_388 : memref<1x80xi32, #tpu.memory_space<vmem>> -> memref<80xi32, #tpu.memory_space<vmem>>
      %dma_start3A_390 = tpu.memref_slice %arg3[%dma_start3A_380, %add3A_379] : memref<2x320000xi32, #tpu.memory_space<hbm>> -> memref<1x80xi32, #tpu.memory_space<hbm>>
      %dma_start3A_391 = tpu.memref_squeeze %dma_start3A_390 : memref<1x80xi32, #tpu.memory_space<hbm>> -> memref<80xi32, #tpu.memory_space<hbm>>
      tpu.enqueue_dma source(%dma_start3A_391 : memref<80xi32, #tpu.memory_space<hbm>>) target(%dma_start3A_389 : memref<80xi32, #tpu.memory_space<vmem>>) target_semaphore(%arg17 : memref<!tpu.dma_semaphore, #tpu.memory_space<semaphore_mem>>)
      %mul3A_392 = arith.constant 80 : i32
      %mul3A_393 = arith.muli %add3A_376, %mul3A_392 : i32
      %dma_start3A_394 = tpu.memref_slice %arg5[%mul3A_393] : memref<10000xi32, #tpu.memory_space<vmem>> -> memref<80xi32, #tpu.memory_space<vmem>>
      %dma_start3A_395 = arith.constant 0 : i32
      %dma_start3A_396 = arith.constant 0 : i32
      %dma_start3A_397 = tpu.memref_slice %arg2[%dma_start3A_395, %dma_start3A_396] : memref<10000x48xf32, #tpu.memory_space<hbm>> -> memref<10000x48xf32, #tpu.memory_space<hbm>>
      tpu.enqueue_indirect_dma source(%dma_start3A_397 : memref<10000x48xf32, #tpu.memory_space<hbm>>) target(%arg9 : memref<80x48xf32, #tpu.memory_space<vmem>>) offsets(%dma_start3A_394 : memref<80xi32, #tpu.memory_space<vmem>>) semaphore(%arg13 : memref<!tpu.dma_semaphore, #tpu.memory_space<semaphore_mem>>)
      %mul3A_398 = arith.constant 4 : i32
      %mul3A_399 = arith.muli %scan3A_249, %mul3A_398 : i32
      %add3A_400 = arith.constant 3 : i32
      %add3A_401 = arith.addi %mul3A_399, %add3A_400 : i32
      %mul3A_402 = arith.constant 80 : i32
      %mul3A_403 = arith.muli %add3A_401, %mul3A_402 : i32
      %add3A_404 = arith.addi %mul3A_2, %mul3A_403 : i32
      %dma_wait3A_405 = arith.constant 1 : i32
      %dma_wait3A_406 = arith.constant 3 : i32
      %dma_wait3A_407 = arith.constant 0 : i32
      %dma_wait3A_408 = tpu.memref_slice %arg6[%dma_wait3A_406, %dma_wait3A_407] : memref<4x80xi32, #tpu.memory_space<vmem>> -> memref<1x80xi32, #tpu.memory_space<vmem>>
      %dma_wait3A_409 = tpu.memref_squeeze %dma_wait3A_408 : memref<1x80xi32, #tpu.memory_space<vmem>> -> memref<80xi32, #tpu.memory_space<vmem>>
      %dma_wait3A_410 = tpu.memref_slice %arg3[%dma_wait3A_405, %add3A_404] : memref<2x320000xi32, #tpu.memory_space<hbm>> -> memref<1x80xi32, #tpu.memory_space<hbm>>
      %dma_wait3A_411 = tpu.memref_squeeze %dma_wait3A_410 : memref<1x80xi32, #tpu.memory_space<hbm>> -> memref<80xi32, #tpu.memory_space<hbm>>
      %dma_wait3A_412 = arith.constant 0 : i32
      %dma_wait3A_413 = tpu.memref_slice %arg6[%dma_wait3A_406, %dma_wait3A_412] : memref<4x80xi32, #tpu.memory_space<vmem>> -> memref<1x80xi32, #tpu.memory_space<vmem>>
      %dma_wait3A_414 = tpu.memref_squeeze %dma_wait3A_413 : memref<1x80xi32, #tpu.memory_space<vmem>> -> memref<80xi32, #tpu.memory_space<vmem>>
      %dma_wait3A_415 = tpu.memref_slice %arg3[%dma_wait3A_405, %add3A_404] : memref<2x320000xi32, #tpu.memory_space<hbm>> -> memref<1x80xi32, #tpu.memory_space<hbm>>
      %dma_wait3A_416 = tpu.memref_squeeze %dma_wait3A_415 : memref<1x80xi32, #tpu.memory_space<hbm>> -> memref<80xi32, #tpu.memory_space<hbm>>
      tpu.wait_dma2 semaphore(%arg18 : memref<!tpu.dma_semaphore, #tpu.memory_space<semaphore_mem>>) src(%dma_wait3A_416 : memref<80xi32, #tpu.memory_space<hbm>>) dst(%dma_wait3A_414 : memref<80xi32, #tpu.memory_space<vmem>>)
      %mul3A_417 = arith.constant 80 : i32
      %mul3A_418 = arith.muli %add3A_401, %mul3A_417 : i32
      %dma_wait3A_419 = tpu.memref_slice %arg5[%mul3A_418] : memref<10000xi32, #tpu.memory_space<vmem>> -> memref<80xi32, #tpu.memory_space<vmem>>
      %dma_wait3A_420 = arith.constant 0 : i32
      %dma_wait3A_421 = arith.constant 0 : i32
      %dma_wait3A_422 = tpu.memref_slice %arg2[%dma_wait3A_420, %dma_wait3A_421] : memref<10000x48xf32, #tpu.memory_space<hbm>> -> memref<10000x48xf32, #tpu.memory_space<hbm>>
      tpu.wait_indirect_dma semaphore(%arg14 : memref<!tpu.dma_semaphore, #tpu.memory_space<semaphore_mem>>) src(%dma_wait3A_422 : memref<10000x48xf32, #tpu.memory_space<hbm>>) dst(%arg10 : memref<80x48xf32, #tpu.memory_space<vmem>>)
      %run_scoped3A_423 = arith.constant 3 : i32
      "tpu.region"() ({
        %run_scoped3A_448 = tpu.sem_alloc : memref<!tpu.dma_semaphore, #tpu.memory_space<semaphore_mem>>
        %dma_start3A_449 = arith.constant 0 : i32
        %dma_start3A_450 = tpu.memref_slice %arg6[%run_scoped3A_423, %dma_start3A_449] : memref<4x80xi32, #tpu.memory_space<vmem>> -> memref<1x80xi32, #tpu.memory_space<vmem>>
        %dma_start3A_451 = tpu.memref_squeeze %dma_start3A_450 : memref<1x80xi32, #tpu.memory_space<vmem>> -> memref<80xi32, #tpu.memory_space<vmem>>
        %dma_start3A_452 = arith.constant 0 : i32
        %dma_start3A_453 = arith.constant 0 : i32
        %dma_start3A_454 = tpu.memref_slice %arg19[%dma_start3A_452, %dma_start3A_453] : memref<10000x48xf32, #tpu.memory_space<vmem_shared>> -> memref<10000x48xf32, #tpu.memory_space<vmem_shared>>
        tpu.enqueue_indirect_dma source(%arg10 : memref<80x48xf32, #tpu.memory_space<vmem>>) target(%dma_start3A_454 : memref<10000x48xf32, #tpu.memory_space<vmem_shared>>) offsets(%dma_start3A_451 : memref<80xi32, #tpu.memory_space<vmem>>) semaphore(%run_scoped3A_448 : memref<!tpu.dma_semaphore, #tpu.memory_space<semaphore_mem>>) {add = true}
        %dma_wait3A_455 = arith.constant 0 : i32
        %dma_wait3A_456 = tpu.memref_slice %arg6[%run_scoped3A_423, %dma_wait3A_455] : memref<4x80xi32, #tpu.memory_space<vmem>> -> memref<1x80xi32, #tpu.memory_space<vmem>>
        %dma_wait3A_457 = tpu.memref_squeeze %dma_wait3A_456 : memref<1x80xi32, #tpu.memory_space<vmem>> -> memref<80xi32, #tpu.memory_space<vmem>>
        %dma_wait3A_458 = arith.constant 0 : i32
        %dma_wait3A_459 = arith.constant 0 : i32
        %dma_wait3A_460 = tpu.memref_slice %arg19[%dma_wait3A_458, %dma_wait3A_459] : memref<10000x48xf32, #tpu.memory_space<vmem_shared>> -> memref<10000x48xf32, #tpu.memory_space<vmem_shared>>
        tpu.wait_indirect_dma semaphore(%run_scoped3A_448 : memref<!tpu.dma_semaphore, #tpu.memory_space<semaphore_mem>>) src(%arg10 : memref<80x48xf32, #tpu.memory_space<vmem>>) dst(%dma_wait3A_460 : memref<10000x48xf32, #tpu.memory_space<vmem_shared>>)
        tpu.yield
      }) : () -> ()
      %add3A_424 = arith.constant 4 : i32
      %add3A_425 = arith.addi %add3A_401, %add3A_424 : i32
      %mul3A_426 = arith.constant 80 : i32
      %mul3A_427 = arith.muli %add3A_425, %mul3A_426 : i32
      %add3A_428 = arith.addi %mul3A_2, %mul3A_427 : i32
      %dma_start3A_429 = arith.constant 1 : i32
      %dma_start3A_430 = arith.constant 3 : i32
      %dma_start3A_431 = arith.constant 0 : i32
      %dma_start3A_432 = tpu.memref_slice %arg6[%dma_start3A_430, %dma_start3A_431] : memref<4x80xi32, #tpu.memory_space<vmem>> -> memref<1x80xi32, #tpu.memory_space<vmem>>
      %dma_start3A_433 = tpu.memref_squeeze %dma_start3A_432 : memref<1x80xi32, #tpu.memory_space<vmem>> -> memref<80xi32, #tpu.memory_space<vmem>>
      %dma_start3A_434 = tpu.memref_slice %arg3[%dma_start3A_429, %add3A_428] : memref<2x320000xi32, #tpu.memory_space<hbm>> -> memref<1x80xi32, #tpu.memory_space<hbm>>
      %dma_start3A_435 = tpu.memref_squeeze %dma_start3A_434 : memref<1x80xi32, #tpu.memory_space<hbm>> -> memref<80xi32, #tpu.memory_space<hbm>>
      %dma_start3A_436 = arith.constant 0 : i32
      %dma_start3A_437 = tpu.memref_slice %arg6[%dma_start3A_430, %dma_start3A_436] : memref<4x80xi32, #tpu.memory_space<vmem>> -> memref<1x80xi32, #tpu.memory_space<vmem>>
      %dma_start3A_438 = tpu.memref_squeeze %dma_start3A_437 : memref<1x80xi32, #tpu.memory_space<vmem>> -> memref<80xi32, #tpu.memory_space<vmem>>
      %dma_start3A_439 = tpu.memref_slice %arg3[%dma_start3A_429, %add3A_428] : memref<2x320000xi32, #tpu.memory_space<hbm>> -> memref<1x80xi32, #tpu.memory_space<hbm>>
      %dma_start3A_440 = tpu.memref_squeeze %dma_start3A_439 : memref<1x80xi32, #tpu.memory_space<hbm>> -> memref<80xi32, #tpu.memory_space<hbm>>
      tpu.enqueue_dma source(%dma_start3A_440 : memref<80xi32, #tpu.memory_space<hbm>>) target(%dma_start3A_438 : memref<80xi32, #tpu.memory_space<vmem>>) target_semaphore(%arg18 : memref<!tpu.dma_semaphore, #tpu.memory_space<semaphore_mem>>)
      %mul3A_441 = arith.constant 80 : i32
      %mul3A_442 = arith.muli %add3A_425, %mul3A_441 : i32
      %dma_start3A_443 = tpu.memref_slice %arg5[%mul3A_442] : memref<10000xi32, #tpu.memory_space<vmem>> -> memref<80xi32, #tpu.memory_space<vmem>>
      %dma_start3A_444 = arith.constant 0 : i32
      %dma_start3A_445 = arith.constant 0 : i32
      %dma_start3A_446 = tpu.memref_slice %arg2[%dma_start3A_444, %dma_start3A_445] : memref<10000x48xf32, #tpu.memory_space<hbm>> -> memref<10000x48xf32, #tpu.memory_space<hbm>>
      tpu.enqueue_indirect_dma source(%dma_start3A_446 : memref<10000x48xf32, #tpu.memory_space<hbm>>) target(%arg10 : memref<80x48xf32, #tpu.memory_space<vmem>>) offsets(%dma_start3A_443 : memref<80xi32, #tpu.memory_space<vmem>>) semaphore(%arg14 : memref<!tpu.dma_semaphore, #tpu.memory_space<semaphore_mem>>)
      %scan3A_447 = arith.constant 0 : i32
      scf.yield %scan3A_447 : i32
    }
    %scan3A_125 = arith.constant 30 : i32
    %add3A_126 = arith.constant 9600 : i32
    %add3A_127 = arith.addi %mul3A_2, %add3A_126 : i32
    %dma_wait3A = arith.constant 1 : i32
    %dma_wait3A_128 = arith.constant 0 : i32
    %dma_wait3A_129 = arith.constant 0 : i32
    %dma_wait3A_130 = tpu.memref_slice %arg6[%dma_wait3A_128, %dma_wait3A_129] : memref<4x80xi32, #tpu.memory_space<vmem>> -> memref<1x80xi32, #tpu.memory_space<vmem>>
    %dma_wait3A_131 = tpu.memref_squeeze %dma_wait3A_130 : memref<1x80xi32, #tpu.memory_space<vmem>> -> memref<80xi32, #tpu.memory_space<vmem>>
    %dma_wait3A_132 = tpu.memref_slice %arg3[%dma_wait3A, %add3A_127] : memref<2x320000xi32, #tpu.memory_space<hbm>> -> memref<1x80xi32, #tpu.memory_space<hbm>>
    %dma_wait3A_133 = tpu.memref_squeeze %dma_wait3A_132 : memref<1x80xi32, #tpu.memory_space<hbm>> -> memref<80xi32, #tpu.memory_space<hbm>>
    %dma_wait3A_134 = arith.constant 0 : i32
    %dma_wait3A_135 = tpu.memref_slice %arg6[%dma_wait3A_128, %dma_wait3A_134] : memref<4x80xi32, #tpu.memory_space<vmem>> -> memref<1x80xi32, #tpu.memory_space<vmem>>
    %dma_wait3A_136 = tpu.memref_squeeze %dma_wait3A_135 : memref<1x80xi32, #tpu.memory_space<vmem>> -> memref<80xi32, #tpu.memory_space<vmem>>
    %dma_wait3A_137 = tpu.memref_slice %arg3[%dma_wait3A, %add3A_127] : memref<2x320000xi32, #tpu.memory_space<hbm>> -> memref<1x80xi32, #tpu.memory_space<hbm>>
    %dma_wait3A_138 = tpu.memref_squeeze %dma_wait3A_137 : memref<1x80xi32, #tpu.memory_space<hbm>> -> memref<80xi32, #tpu.memory_space<hbm>>
    tpu.wait_dma2 semaphore(%arg15 : memref<!tpu.dma_semaphore, #tpu.memory_space<semaphore_mem>>) src(%dma_wait3A_138 : memref<80xi32, #tpu.memory_space<hbm>>) dst(%dma_wait3A_136 : memref<80xi32, #tpu.memory_space<vmem>>)
    %dma_wait3A_139 = arith.constant 9600 : i32
    %dma_wait3A_140 = tpu.memref_slice %arg5[%dma_wait3A_139] : memref<10000xi32, #tpu.memory_space<vmem>> -> memref<80xi32, #tpu.memory_space<vmem>>
    %dma_wait3A_141 = arith.constant 0 : i32
    %dma_wait3A_142 = arith.constant 0 : i32
    %dma_wait3A_143 = tpu.memref_slice %arg2[%dma_wait3A_141, %dma_wait3A_142] : memref<10000x48xf32, #tpu.memory_space<hbm>> -> memref<10000x48xf32, #tpu.memory_space<hbm>>
    tpu.wait_indirect_dma semaphore(%arg11 : memref<!tpu.dma_semaphore, #tpu.memory_space<semaphore_mem>>) src(%dma_wait3A_143 : memref<10000x48xf32, #tpu.memory_space<hbm>>) dst(%arg7 : memref<80x48xf32, #tpu.memory_space<vmem>>)
    %run_scoped3A_144 = arith.constant 0 : i32
    "tpu.region"() ({
      %run_scoped3A_249 = tpu.sem_alloc : memref<!tpu.dma_semaphore, #tpu.memory_space<semaphore_mem>>
      %dma_start3A_250 = arith.constant 0 : i32
      %dma_start3A_251 = tpu.memref_slice %arg6[%run_scoped3A_144, %dma_start3A_250] : memref<4x80xi32, #tpu.memory_space<vmem>> -> memref<1x80xi32, #tpu.memory_space<vmem>>
      %dma_start3A_252 = tpu.memref_squeeze %dma_start3A_251 : memref<1x80xi32, #tpu.memory_space<vmem>> -> memref<80xi32, #tpu.memory_space<vmem>>
      %dma_start3A_253 = arith.constant 0 : i32
      %dma_start3A_254 = arith.constant 0 : i32
      %dma_start3A_255 = tpu.memref_slice %arg19[%dma_start3A_253, %dma_start3A_254] : memref<10000x48xf32, #tpu.memory_space<vmem_shared>> -> memref<10000x48xf32, #tpu.memory_space<vmem_shared>>
      tpu.enqueue_indirect_dma source(%arg7 : memref<80x48xf32, #tpu.memory_space<vmem>>) target(%dma_start3A_255 : memref<10000x48xf32, #tpu.memory_space<vmem_shared>>) offsets(%dma_start3A_252 : memref<80xi32, #tpu.memory_space<vmem>>) semaphore(%run_scoped3A_249 : memref<!tpu.dma_semaphore, #tpu.memory_space<semaphore_mem>>) {add = true}
      %dma_wait3A_256 = arith.constant 0 : i32
      %dma_wait3A_257 = tpu.memref_slice %arg6[%run_scoped3A_144, %dma_wait3A_256] : memref<4x80xi32, #tpu.memory_space<vmem>> -> memref<1x80xi32, #tpu.memory_space<vmem>>
      %dma_wait3A_258 = tpu.memref_squeeze %dma_wait3A_257 : memref<1x80xi32, #tpu.memory_space<vmem>> -> memref<80xi32, #tpu.memory_space<vmem>>
      %dma_wait3A_259 = arith.constant 0 : i32
      %dma_wait3A_260 = arith.constant 0 : i32
      %dma_wait3A_261 = tpu.memref_slice %arg19[%dma_wait3A_259, %dma_wait3A_260] : memref<10000x48xf32, #tpu.memory_space<vmem_shared>> -> memref<10000x48xf32, #tpu.memory_space<vmem_shared>>
      tpu.wait_indirect_dma semaphore(%run_scoped3A_249 : memref<!tpu.dma_semaphore, #tpu.memory_space<semaphore_mem>>) src(%arg7 : memref<80x48xf32, #tpu.memory_space<vmem>>) dst(%dma_wait3A_261 : memref<10000x48xf32, #tpu.memory_space<vmem_shared>>)
      tpu.yield
    }) : () -> ()
    %add3A_145 = arith.constant 9680 : i32
    %add3A_146 = arith.addi %mul3A_2, %add3A_145 : i32
    %dma_wait3A_147 = arith.constant 1 : i32
    %dma_wait3A_148 = arith.constant 1 : i32
    %dma_wait3A_149 = arith.constant 0 : i32
    %dma_wait3A_150 = tpu.memref_slice %arg6[%dma_wait3A_148, %dma_wait3A_149] : memref<4x80xi32, #tpu.memory_space<vmem>> -> memref<1x80xi32, #tpu.memory_space<vmem>>
    %dma_wait3A_151 = tpu.memref_squeeze %dma_wait3A_150 : memref<1x80xi32, #tpu.memory_space<vmem>> -> memref<80xi32, #tpu.memory_space<vmem>>
    %dma_wait3A_152 = tpu.memref_slice %arg3[%dma_wait3A_147, %add3A_146] : memref<2x320000xi32, #tpu.memory_space<hbm>> -> memref<1x80xi32, #tpu.memory_space<hbm>>
    %dma_wait3A_153 = tpu.memref_squeeze %dma_wait3A_152 : memref<1x80xi32, #tpu.memory_space<hbm>> -> memref<80xi32, #tpu.memory_space<hbm>>
    %dma_wait3A_154 = arith.constant 0 : i32
    %dma_wait3A_155 = tpu.memref_slice %arg6[%dma_wait3A_148, %dma_wait3A_154] : memref<4x80xi32, #tpu.memory_space<vmem>> -> memref<1x80xi32, #tpu.memory_space<vmem>>
    %dma_wait3A_156 = tpu.memref_squeeze %dma_wait3A_155 : memref<1x80xi32, #tpu.memory_space<vmem>> -> memref<80xi32, #tpu.memory_space<vmem>>
    %dma_wait3A_157 = tpu.memref_slice %arg3[%dma_wait3A_147, %add3A_146] : memref<2x320000xi32, #tpu.memory_space<hbm>> -> memref<1x80xi32, #tpu.memory_space<hbm>>
    %dma_wait3A_158 = tpu.memref_squeeze %dma_wait3A_157 : memref<1x80xi32, #tpu.memory_space<hbm>> -> memref<80xi32, #tpu.memory_space<hbm>>
    tpu.wait_dma2 semaphore(%arg16 : memref<!tpu.dma_semaphore, #tpu.memory_space<semaphore_mem>>) src(%dma_wait3A_158 : memref<80xi32, #tpu.memory_space<hbm>>) dst(%dma_wait3A_156 : memref<80xi32, #tpu.memory_space<vmem>>)
    %dma_wait3A_159 = arith.constant 9680 : i32
    %dma_wait3A_160 = tpu.memref_slice %arg5[%dma_wait3A_159] : memref<10000xi32, #tpu.memory_space<vmem>> -> memref<80xi32, #tpu.memory_space<vmem>>
    %dma_wait3A_161 = arith.constant 0 : i32
    %dma_wait3A_162 = arith.constant 0 : i32
    %dma_wait3A_163 = tpu.memref_slice %arg2[%dma_wait3A_161, %dma_wait3A_162] : memref<10000x48xf32, #tpu.memory_space<hbm>> -> memref<10000x48xf32, #tpu.memory_space<hbm>>
    tpu.wait_indirect_dma semaphore(%arg12 : memref<!tpu.dma_semaphore, #tpu.memory_space<semaphore_mem>>) src(%dma_wait3A_163 : memref<10000x48xf32, #tpu.memory_space<hbm>>) dst(%arg8 : memref<80x48xf32, #tpu.memory_space<vmem>>)
    %run_scoped3A_164 = arith.constant 1 : i32
    "tpu.region"() ({
      %run_scoped3A_249 = tpu.sem_alloc : memref<!tpu.dma_semaphore, #tpu.memory_space<semaphore_mem>>
      %dma_start3A_250 = arith.constant 0 : i32
      %dma_start3A_251 = tpu.memref_slice %arg6[%run_scoped3A_164, %dma_start3A_250] : memref<4x80xi32, #tpu.memory_space<vmem>> -> memref<1x80xi32, #tpu.memory_space<vmem>>
      %dma_start3A_252 = tpu.memref_squeeze %dma_start3A_251 : memref<1x80xi32, #tpu.memory_space<vmem>> -> memref<80xi32, #tpu.memory_space<vmem>>
      %dma_start3A_253 = arith.constant 0 : i32
      %dma_start3A_254 = arith.constant 0 : i32
      %dma_start3A_255 = tpu.memref_slice %arg19[%dma_start3A_253, %dma_start3A_254] : memref<10000x48xf32, #tpu.memory_space<vmem_shared>> -> memref<10000x48xf32, #tpu.memory_space<vmem_shared>>
      tpu.enqueue_indirect_dma source(%arg8 : memref<80x48xf32, #tpu.memory_space<vmem>>) target(%dma_start3A_255 : memref<10000x48xf32, #tpu.memory_space<vmem_shared>>) offsets(%dma_start3A_252 : memref<80xi32, #tpu.memory_space<vmem>>) semaphore(%run_scoped3A_249 : memref<!tpu.dma_semaphore, #tpu.memory_space<semaphore_mem>>) {add = true}
      %dma_wait3A_256 = arith.constant 0 : i32
      %dma_wait3A_257 = tpu.memref_slice %arg6[%run_scoped3A_164, %dma_wait3A_256] : memref<4x80xi32, #tpu.memory_space<vmem>> -> memref<1x80xi32, #tpu.memory_space<vmem>>
      %dma_wait3A_258 = tpu.memref_squeeze %dma_wait3A_257 : memref<1x80xi32, #tpu.memory_space<vmem>> -> memref<80xi32, #tpu.memory_space<vmem>>
      %dma_wait3A_259 = arith.constant 0 : i32
      %dma_wait3A_260 = arith.constant 0 : i32
      %dma_wait3A_261 = tpu.memref_slice %arg19[%dma_wait3A_259, %dma_wait3A_260] : memref<10000x48xf32, #tpu.memory_space<vmem_shared>> -> memref<10000x48xf32, #tpu.memory_space<vmem_shared>>
      tpu.wait_indirect_dma semaphore(%run_scoped3A_249 : memref<!tpu.dma_semaphore, #tpu.memory_space<semaphore_mem>>) src(%arg8 : memref<80x48xf32, #tpu.memory_space<vmem>>) dst(%dma_wait3A_261 : memref<10000x48xf32, #tpu.memory_space<vmem_shared>>)
      tpu.yield
    }) : () -> ()
    %add3A_165 = arith.constant 9760 : i32
    %add3A_166 = arith.addi %mul3A_2, %add3A_165 : i32
    %dma_wait3A_167 = arith.constant 1 : i32
    %dma_wait3A_168 = arith.constant 2 : i32
    %dma_wait3A_169 = arith.constant 0 : i32
    %dma_wait3A_170 = tpu.memref_slice %arg6[%dma_wait3A_168, %dma_wait3A_169] : memref<4x80xi32, #tpu.memory_space<vmem>> -> memref<1x80xi32, #tpu.memory_space<vmem>>
    %dma_wait3A_171 = tpu.memref_squeeze %dma_wait3A_170 : memref<1x80xi32, #tpu.memory_space<vmem>> -> memref<80xi32, #tpu.memory_space<vmem>>
    %dma_wait3A_172 = tpu.memref_slice %arg3[%dma_wait3A_167, %add3A_166] : memref<2x320000xi32, #tpu.memory_space<hbm>> -> memref<1x80xi32, #tpu.memory_space<hbm>>
    %dma_wait3A_173 = tpu.memref_squeeze %dma_wait3A_172 : memref<1x80xi32, #tpu.memory_space<hbm>> -> memref<80xi32, #tpu.memory_space<hbm>>
    %dma_wait3A_174 = arith.constant 0 : i32
    %dma_wait3A_175 = tpu.memref_slice %arg6[%dma_wait3A_168, %dma_wait3A_174] : memref<4x80xi32, #tpu.memory_space<vmem>> -> memref<1x80xi32, #tpu.memory_space<vmem>>
    %dma_wait3A_176 = tpu.memref_squeeze %dma_wait3A_175 : memref<1x80xi32, #tpu.memory_space<vmem>> -> memref<80xi32, #tpu.memory_space<vmem>>
    %dma_wait3A_177 = tpu.memref_slice %arg3[%dma_wait3A_167, %add3A_166] : memref<2x320000xi32, #tpu.memory_space<hbm>> -> memref<1x80xi32, #tpu.memory_space<hbm>>
    %dma_wait3A_178 = tpu.memref_squeeze %dma_wait3A_177 : memref<1x80xi32, #tpu.memory_space<hbm>> -> memref<80xi32, #tpu.memory_space<hbm>>
    tpu.wait_dma2 semaphore(%arg17 : memref<!tpu.dma_semaphore, #tpu.memory_space<semaphore_mem>>) src(%dma_wait3A_178 : memref<80xi32, #tpu.memory_space<hbm>>) dst(%dma_wait3A_176 : memref<80xi32, #tpu.memory_space<vmem>>)
    %dma_wait3A_179 = arith.constant 9760 : i32
    %dma_wait3A_180 = tpu.memref_slice %arg5[%dma_wait3A_179] : memref<10000xi32, #tpu.memory_space<vmem>> -> memref<80xi32, #tpu.memory_space<vmem>>
    %dma_wait3A_181 = arith.constant 0 : i32
    %dma_wait3A_182 = arith.constant 0 : i32
    %dma_wait3A_183 = tpu.memref_slice %arg2[%dma_wait3A_181, %dma_wait3A_182] : memref<10000x48xf32, #tpu.memory_space<hbm>> -> memref<10000x48xf32, #tpu.memory_space<hbm>>
    tpu.wait_indirect_dma semaphore(%arg13 : memref<!tpu.dma_semaphore, #tpu.memory_space<semaphore_mem>>) src(%dma_wait3A_183 : memref<10000x48xf32, #tpu.memory_space<hbm>>) dst(%arg9 : memref<80x48xf32, #tpu.memory_space<vmem>>)
    %run_scoped3A_184 = arith.constant 2 : i32
    "tpu.region"() ({
      %run_scoped3A_249 = tpu.sem_alloc : memref<!tpu.dma_semaphore, #tpu.memory_space<semaphore_mem>>
      %dma_start3A_250 = arith.constant 0 : i32
      %dma_start3A_251 = tpu.memref_slice %arg6[%run_scoped3A_184, %dma_start3A_250] : memref<4x80xi32, #tpu.memory_space<vmem>> -> memref<1x80xi32, #tpu.memory_space<vmem>>
      %dma_start3A_252 = tpu.memref_squeeze %dma_start3A_251 : memref<1x80xi32, #tpu.memory_space<vmem>> -> memref<80xi32, #tpu.memory_space<vmem>>
      %dma_start3A_253 = arith.constant 0 : i32
      %dma_start3A_254 = arith.constant 0 : i32
      %dma_start3A_255 = tpu.memref_slice %arg19[%dma_start3A_253, %dma_start3A_254] : memref<10000x48xf32, #tpu.memory_space<vmem_shared>> -> memref<10000x48xf32, #tpu.memory_space<vmem_shared>>
      tpu.enqueue_indirect_dma source(%arg9 : memref<80x48xf32, #tpu.memory_space<vmem>>) target(%dma_start3A_255 : memref<10000x48xf32, #tpu.memory_space<vmem_shared>>) offsets(%dma_start3A_252 : memref<80xi32, #tpu.memory_space<vmem>>) semaphore(%run_scoped3A_249 : memref<!tpu.dma_semaphore, #tpu.memory_space<semaphore_mem>>) {add = true}
      %dma_wait3A_256 = arith.constant 0 : i32
      %dma_wait3A_257 = tpu.memref_slice %arg6[%run_scoped3A_184, %dma_wait3A_256] : memref<4x80xi32, #tpu.memory_space<vmem>> -> memref<1x80xi32, #tpu.memory_space<vmem>>
      %dma_wait3A_258 = tpu.memref_squeeze %dma_wait3A_257 : memref<1x80xi32, #tpu.memory_space<vmem>> -> memref<80xi32, #tpu.memory_space<vmem>>
      %dma_wait3A_259 = arith.constant 0 : i32
      %dma_wait3A_260 = arith.constant 0 : i32
      %dma_wait3A_261 = tpu.memref_slice %arg19[%dma_wait3A_259, %dma_wait3A_260] : memref<10000x48xf32, #tpu.memory_space<vmem_shared>> -> memref<10000x48xf32, #tpu.memory_space<vmem_shared>>
      tpu.wait_indirect_dma semaphore(%run_scoped3A_249 : memref<!tpu.dma_semaphore, #tpu.memory_space<semaphore_mem>>) src(%arg9 : memref<80x48xf32, #tpu.memory_space<vmem>>) dst(%dma_wait3A_261 : memref<10000x48xf32, #tpu.memory_space<vmem_shared>>)
      tpu.yield
    }) : () -> ()
    %add3A_185 = arith.constant 9840 : i32
    %add3A_186 = arith.addi %mul3A_2, %add3A_185 : i32
    %dma_wait3A_187 = arith.constant 1 : i32
    %dma_wait3A_188 = arith.constant 3 : i32
    %dma_wait3A_189 = arith.constant 0 : i32
    %dma_wait3A_190 = tpu.memref_slice %arg6[%dma_wait3A_188, %dma_wait3A_189] : memref<4x80xi32, #tpu.memory_space<vmem>> -> memref<1x80xi32, #tpu.memory_space<vmem>>
    %dma_wait3A_191 = tpu.memref_squeeze %dma_wait3A_190 : memref<1x80xi32, #tpu.memory_space<vmem>> -> memref<80xi32, #tpu.memory_space<vmem>>
    %dma_wait3A_192 = tpu.memref_slice %arg3[%dma_wait3A_187, %add3A_186] : memref<2x320000xi32, #tpu.memory_space<hbm>> -> memref<1x80xi32, #tpu.memory_space<hbm>>
    %dma_wait3A_193 = tpu.memref_squeeze %dma_wait3A_192 : memref<1x80xi32, #tpu.memory_space<hbm>> -> memref<80xi32, #tpu.memory_space<hbm>>
    %dma_wait3A_194 = arith.constant 0 : i32
    %dma_wait3A_195 = tpu.memref_slice %arg6[%dma_wait3A_188, %dma_wait3A_194] : memref<4x80xi32, #tpu.memory_space<vmem>> -> memref<1x80xi32, #tpu.memory_space<vmem>>
    %dma_wait3A_196 = tpu.memref_squeeze %dma_wait3A_195 : memref<1x80xi32, #tpu.memory_space<vmem>> -> memref<80xi32, #tpu.memory_space<vmem>>
    %dma_wait3A_197 = tpu.memref_slice %arg3[%dma_wait3A_187, %add3A_186] : memref<2x320000xi32, #tpu.memory_space<hbm>> -> memref<1x80xi32, #tpu.memory_space<hbm>>
    %dma_wait3A_198 = tpu.memref_squeeze %dma_wait3A_197 : memref<1x80xi32, #tpu.memory_space<hbm>> -> memref<80xi32, #tpu.memory_space<hbm>>
    tpu.wait_dma2 semaphore(%arg18 : memref<!tpu.dma_semaphore, #tpu.memory_space<semaphore_mem>>) src(%dma_wait3A_198 : memref<80xi32, #tpu.memory_space<hbm>>) dst(%dma_wait3A_196 : memref<80xi32, #tpu.memory_space<vmem>>)
    %dma_wait3A_199 = arith.constant 9840 : i32
    %dma_wait3A_200 = tpu.memref_slice %arg5[%dma_wait3A_199] : memref<10000xi32, #tpu.memory_space<vmem>> -> memref<80xi32, #tpu.memory_space<vmem>>
    %dma_wait3A_201 = arith.constant 0 : i32
    %dma_wait3A_202 = arith.constant 0 : i32
    %dma_wait3A_203 = tpu.memref_slice %arg2[%dma_wait3A_201, %dma_wait3A_202] : memref<10000x48xf32, #tpu.memory_space<hbm>> -> memref<10000x48xf32, #tpu.memory_space<hbm>>
    tpu.wait_indirect_dma semaphore(%arg14 : memref<!tpu.dma_semaphore, #tpu.memory_space<semaphore_mem>>) src(%dma_wait3A_203 : memref<10000x48xf32, #tpu.memory_space<hbm>>) dst(%arg10 : memref<80x48xf32, #tpu.memory_space<vmem>>)
    %run_scoped3A_204 = arith.constant 3 : i32
    "tpu.region"() ({
      %run_scoped3A_249 = tpu.sem_alloc : memref<!tpu.dma_semaphore, #tpu.memory_space<semaphore_mem>>
      %dma_start3A_250 = arith.constant 0 : i32
      %dma_start3A_251 = tpu.memref_slice %arg6[%run_scoped3A_204, %dma_start3A_250] : memref<4x80xi32, #tpu.memory_space<vmem>> -> memref<1x80xi32, #tpu.memory_space<vmem>>
      %dma_start3A_252 = tpu.memref_squeeze %dma_start3A_251 : memref<1x80xi32, #tpu.memory_space<vmem>> -> memref<80xi32, #tpu.memory_space<vmem>>
      %dma_start3A_253 = arith.constant 0 : i32
      %dma_start3A_254 = arith.constant 0 : i32
      %dma_start3A_255 = tpu.memref_slice %arg19[%dma_start3A_253, %dma_start3A_254] : memref<10000x48xf32, #tpu.memory_space<vmem_shared>> -> memref<10000x48xf32, #tpu.memory_space<vmem_shared>>
      tpu.enqueue_indirect_dma source(%arg10 : memref<80x48xf32, #tpu.memory_space<vmem>>) target(%dma_start3A_255 : memref<10000x48xf32, #tpu.memory_space<vmem_shared>>) offsets(%dma_start3A_252 : memref<80xi32, #tpu.memory_space<vmem>>) semaphore(%run_scoped3A_249 : memref<!tpu.dma_semaphore, #tpu.memory_space<semaphore_mem>>) {add = true}
      %dma_wait3A_256 = arith.constant 0 : i32
      %dma_wait3A_257 = tpu.memref_slice %arg6[%run_scoped3A_204, %dma_wait3A_256] : memref<4x80xi32, #tpu.memory_space<vmem>> -> memref<1x80xi32, #tpu.memory_space<vmem>>
      %dma_wait3A_258 = tpu.memref_squeeze %dma_wait3A_257 : memref<1x80xi32, #tpu.memory_space<vmem>> -> memref<80xi32, #tpu.memory_space<vmem>>
      %dma_wait3A_259 = arith.constant 0 : i32
      %dma_wait3A_260 = arith.constant 0 : i32
      %dma_wait3A_261 = tpu.memref_slice %arg19[%dma_wait3A_259, %dma_wait3A_260] : memref<10000x48xf32, #tpu.memory_space<vmem_shared>> -> memref<10000x48xf32, #tpu.memory_space<vmem_shared>>
      tpu.wait_indirect_dma semaphore(%run_scoped3A_249 : memref<!tpu.dma_semaphore, #tpu.memory_space<semaphore_mem>>) src(%arg10 : memref<80x48xf32, #tpu.memory_space<vmem>>) dst(%dma_wait3A_261 : memref<10000x48xf32, #tpu.memory_space<vmem_shared>>)
      tpu.yield
    }) : () -> ()
    %add3A_205 = arith.constant 9920 : i32
    %add3A_206 = arith.addi %mul3A_2, %add3A_205 : i32
    %dma_start3A_207 = arith.constant 1 : i32
    %dma_start3A_208 = arith.constant 0 : i32
    %dma_start3A_209 = arith.constant 0 : i32
    %dma_start3A_210 = tpu.memref_slice %arg6[%dma_start3A_208, %dma_start3A_209] : memref<4x80xi32, #tpu.memory_space<vmem>> -> memref<1x80xi32, #tpu.memory_space<vmem>>
    %dma_start3A_211 = tpu.memref_squeeze %dma_start3A_210 : memref<1x80xi32, #tpu.memory_space<vmem>> -> memref<80xi32, #tpu.memory_space<vmem>>
    %dma_start3A_212 = tpu.memref_slice %arg3[%dma_start3A_207, %add3A_206] : memref<2x320000xi32, #tpu.memory_space<hbm>> -> memref<1x80xi32, #tpu.memory_space<hbm>>
    %dma_start3A_213 = tpu.memref_squeeze %dma_start3A_212 : memref<1x80xi32, #tpu.memory_space<hbm>> -> memref<80xi32, #tpu.memory_space<hbm>>
    %dma_start3A_214 = arith.constant 0 : i32
    %dma_start3A_215 = tpu.memref_slice %arg6[%dma_start3A_208, %dma_start3A_214] : memref<4x80xi32, #tpu.memory_space<vmem>> -> memref<1x80xi32, #tpu.memory_space<vmem>>
    %dma_start3A_216 = tpu.memref_squeeze %dma_start3A_215 : memref<1x80xi32, #tpu.memory_space<vmem>> -> memref<80xi32, #tpu.memory_space<vmem>>
    %dma_start3A_217 = tpu.memref_slice %arg3[%dma_start3A_207, %add3A_206] : memref<2x320000xi32, #tpu.memory_space<hbm>> -> memref<1x80xi32, #tpu.memory_space<hbm>>
    %dma_start3A_218 = tpu.memref_squeeze %dma_start3A_217 : memref<1x80xi32, #tpu.memory_space<hbm>> -> memref<80xi32, #tpu.memory_space<hbm>>
    tpu.enqueue_dma source(%dma_start3A_218 : memref<80xi32, #tpu.memory_space<hbm>>) target(%dma_start3A_216 : memref<80xi32, #tpu.memory_space<vmem>>) target_semaphore(%arg15 : memref<!tpu.dma_semaphore, #tpu.memory_space<semaphore_mem>>)
    %dma_start3A_219 = arith.constant 9920 : i32
    %dma_start3A_220 = tpu.memref_slice %arg5[%dma_start3A_219] : memref<10000xi32, #tpu.memory_space<vmem>> -> memref<80xi32, #tpu.memory_space<vmem>>
    %dma_start3A_221 = arith.constant 0 : i32
    %dma_start3A_222 = arith.constant 0 : i32
    %dma_start3A_223 = tpu.memref_slice %arg2[%dma_start3A_221, %dma_start3A_222] : memref<10000x48xf32, #tpu.memory_space<hbm>> -> memref<10000x48xf32, #tpu.memory_space<hbm>>
    tpu.enqueue_indirect_dma source(%dma_start3A_223 : memref<10000x48xf32, #tpu.memory_space<hbm>>) target(%arg7 : memref<80x48xf32, #tpu.memory_space<vmem>>) offsets(%dma_start3A_220 : memref<80xi32, #tpu.memory_space<vmem>>) semaphore(%arg11 : memref<!tpu.dma_semaphore, #tpu.memory_space<semaphore_mem>>)
    %add3A_224 = arith.constant 9920 : i32
    %add3A_225 = arith.addi %mul3A_2, %add3A_224 : i32
    %dma_wait3A_226 = arith.constant 1 : i32
    %dma_wait3A_227 = arith.constant 0 : i32
    %dma_wait3A_228 = arith.constant 0 : i32
    %dma_wait3A_229 = tpu.memref_slice %arg6[%dma_wait3A_227, %dma_wait3A_228] : memref<4x80xi32, #tpu.memory_space<vmem>> -> memref<1x80xi32, #tpu.memory_space<vmem>>
    %dma_wait3A_230 = tpu.memref_squeeze %dma_wait3A_229 : memref<1x80xi32, #tpu.memory_space<vmem>> -> memref<80xi32, #tpu.memory_space<vmem>>
    %dma_wait3A_231 = tpu.memref_slice %arg3[%dma_wait3A_226, %add3A_225] : memref<2x320000xi32, #tpu.memory_space<hbm>> -> memref<1x80xi32, #tpu.memory_space<hbm>>
    %dma_wait3A_232 = tpu.memref_squeeze %dma_wait3A_231 : memref<1x80xi32, #tpu.memory_space<hbm>> -> memref<80xi32, #tpu.memory_space<hbm>>
    %dma_wait3A_233 = arith.constant 0 : i32
    %dma_wait3A_234 = tpu.memref_slice %arg6[%dma_wait3A_227, %dma_wait3A_233] : memref<4x80xi32, #tpu.memory_space<vmem>> -> memref<1x80xi32, #tpu.memory_space<vmem>>
    %dma_wait3A_235 = tpu.memref_squeeze %dma_wait3A_234 : memref<1x80xi32, #tpu.memory_space<vmem>> -> memref<80xi32, #tpu.memory_space<vmem>>
    %dma_wait3A_236 = tpu.memref_slice %arg3[%dma_wait3A_226, %add3A_225] : memref<2x320000xi32, #tpu.memory_space<hbm>> -> memref<1x80xi32, #tpu.memory_space<hbm>>
    %dma_wait3A_237 = tpu.memref_squeeze %dma_wait3A_236 : memref<1x80xi32, #tpu.memory_space<hbm>> -> memref<80xi32, #tpu.memory_space<hbm>>
    tpu.wait_dma2 semaphore(%arg15 : memref<!tpu.dma_semaphore, #tpu.memory_space<semaphore_mem>>) src(%dma_wait3A_237 : memref<80xi32, #tpu.memory_space<hbm>>) dst(%dma_wait3A_235 : memref<80xi32, #tpu.memory_space<vmem>>)
    %dma_wait3A_238 = arith.constant 9920 : i32
    %dma_wait3A_239 = tpu.memref_slice %arg5[%dma_wait3A_238] : memref<10000xi32, #tpu.memory_space<vmem>> -> memref<80xi32, #tpu.memory_space<vmem>>
    %dma_wait3A_240 = arith.constant 0 : i32
    %dma_wait3A_241 = arith.constant 0 : i32
    %dma_wait3A_242 = tpu.memref_slice %arg2[%dma_wait3A_240, %dma_wait3A_241] : memref<10000x48xf32, #tpu.memory_space<hbm>> -> memref<10000x48xf32, #tpu.memory_space<hbm>>
    tpu.wait_indirect_dma semaphore(%arg11 : memref<!tpu.dma_semaphore, #tpu.memory_space<semaphore_mem>>) src(%dma_wait3A_242 : memref<10000x48xf32, #tpu.memory_space<hbm>>) dst(%arg7 : memref<80x48xf32, #tpu.memory_space<vmem>>)
    %run_scoped3A_243 = arith.constant 0 : i32
    "tpu.region"() ({
      %run_scoped3A_249 = tpu.sem_alloc : memref<!tpu.dma_semaphore, #tpu.memory_space<semaphore_mem>>
      %dma_start3A_250 = arith.constant 0 : i32
      %dma_start3A_251 = tpu.memref_slice %arg6[%run_scoped3A_243, %dma_start3A_250] : memref<4x80xi32, #tpu.memory_space<vmem>> -> memref<1x80xi32, #tpu.memory_space<vmem>>
      %dma_start3A_252 = tpu.memref_squeeze %dma_start3A_251 : memref<1x80xi32, #tpu.memory_space<vmem>> -> memref<80xi32, #tpu.memory_space<vmem>>
      %dma_start3A_253 = arith.constant 0 : i32
      %dma_start3A_254 = arith.constant 0 : i32
      %dma_start3A_255 = tpu.memref_slice %arg19[%dma_start3A_253, %dma_start3A_254] : memref<10000x48xf32, #tpu.memory_space<vmem_shared>> -> memref<10000x48xf32, #tpu.memory_space<vmem_shared>>
      tpu.enqueue_indirect_dma source(%arg7 : memref<80x48xf32, #tpu.memory_space<vmem>>) target(%dma_start3A_255 : memref<10000x48xf32, #tpu.memory_space<vmem_shared>>) offsets(%dma_start3A_252 : memref<80xi32, #tpu.memory_space<vmem>>) semaphore(%run_scoped3A_249 : memref<!tpu.dma_semaphore, #tpu.memory_space<semaphore_mem>>) {add = true}
      %dma_wait3A_256 = arith.constant 0 : i32
      %dma_wait3A_257 = tpu.memref_slice %arg6[%run_scoped3A_243, %dma_wait3A_256] : memref<4x80xi32, #tpu.memory_space<vmem>> -> memref<1x80xi32, #tpu.memory_space<vmem>>
      %dma_wait3A_258 = tpu.memref_squeeze %dma_wait3A_257 : memref<1x80xi32, #tpu.memory_space<vmem>> -> memref<80xi32, #tpu.memory_space<vmem>>
      %dma_wait3A_259 = arith.constant 0 : i32
      %dma_wait3A_260 = arith.constant 0 : i32
      %dma_wait3A_261 = tpu.memref_slice %arg19[%dma_wait3A_259, %dma_wait3A_260] : memref<10000x48xf32, #tpu.memory_space<vmem_shared>> -> memref<10000x48xf32, #tpu.memory_space<vmem_shared>>
      tpu.wait_indirect_dma semaphore(%run_scoped3A_249 : memref<!tpu.dma_semaphore, #tpu.memory_space<semaphore_mem>>) src(%arg7 : memref<80x48xf32, #tpu.memory_space<vmem>>) dst(%dma_wait3A_261 : memref<10000x48xf32, #tpu.memory_space<vmem_shared>>)
      tpu.yield
    }) : () -> ()
    %barrier3A_244 = arith.constant 0 : index
    tpu.barrier barrier_id(%barrier3A_244)
    %mul3A_245 = arith.constant 625 : i32
    %mul3A_246 = arith.muli %arg1, %mul3A_245 : i32
    %mul3A_247 = arith.constant 625 : i32
    %mul3A_248 = arith.muli %arg1, %mul3A_247 : i32
    "tpu.region"() ({
      %run_scoped3A_249 = tpu.sem_alloc : memref<!tpu.dma_semaphore, #tpu.memory_space<semaphore_mem>>
      %dma_start3A_250 = arith.constant 0 : i32
      %dma_start3A_251 = tpu.memref_slice %arg4[%arg0, %mul3A_248, %dma_start3A_250] : memref<2x10000x48xf32, #tpu.memory_space<hbm>> -> memref<1x625x48xf32, #tpu.memory_space<hbm>>
      %dma_start3A_252 = tpu.memref_squeeze %dma_start3A_251 : memref<1x625x48xf32, #tpu.memory_space<hbm>> -> memref<625x48xf32, #tpu.memory_space<hbm>>
      %dma_start3A_253 = arith.constant 0 : i32
      %dma_start3A_254 = tpu.memref_slice %arg19[%mul3A_246, %dma_start3A_253] : memref<10000x48xf32, #tpu.memory_space<vmem_shared>> -> memref<625x48xf32, #tpu.memory_space<vmem_shared>>
      tpu.enqueue_dma source(%dma_start3A_254 : memref<625x48xf32, #tpu.memory_space<vmem_shared>>) target(%dma_start3A_252 : memref<625x48xf32, #tpu.memory_space<hbm>>) target_semaphore(%run_scoped3A_249 : memref<!tpu.dma_semaphore, #tpu.memory_space<semaphore_mem>>)
      %dma_wait3A_255 = arith.constant 0 : i32
      %dma_wait3A_256 = tpu.memref_slice %arg4[%arg0, %mul3A_248, %dma_wait3A_255] : memref<2x10000x48xf32, #tpu.memory_space<hbm>> -> memref<1x625x48xf32, #tpu.memory_space<hbm>>
      %dma_wait3A_257 = tpu.memref_squeeze %dma_wait3A_256 : memref<1x625x48xf32, #tpu.memory_space<hbm>> -> memref<625x48xf32, #tpu.memory_space<hbm>>
      %dma_wait3A_258 = arith.constant 0 : i32
      %dma_wait3A_259 = tpu.memref_slice %arg19[%mul3A_246, %dma_wait3A_258] : memref<10000x48xf32, #tpu.memory_space<vmem_shared>> -> memref<625x48xf32, #tpu.memory_space<vmem_shared>>
      tpu.wait_dma2 semaphore(%run_scoped3A_249 : memref<!tpu.dma_semaphore, #tpu.memory_space<semaphore_mem>>) src(%dma_wait3A_259 : memref<625x48xf32, #tpu.memory_space<vmem_shared>>) dst(%dma_wait3A_257 : memref<625x48xf32, #tpu.memory_space<hbm>>)
      tpu.yield
    }) : () -> ()
    return
  }
}

module attributes {stable_mosaic.version = 14 : i64} {
  func.func @body(%arg0: i32, %arg1: memref<2000x128xf32, #tpu.memory_space<vmem>>, %arg2: memref<2x2000x128xf32, #tpu.memory_space<vmem>>, %arg3: memref<2000x2xf32, #tpu.memory_space<vmem>>, %arg4: memref<128x128xbf16, #tpu.memory_space<vmem>>, %arg5: memref<128x128xbf16, #tpu.memory_space<vmem>>, %arg6: memref<1x128xf32, #tpu.memory_space<vmem>>, %arg7: memref<128x48xbf16, #tpu.memory_space<vmem>>, %arg8: memref<128x48xbf16, #tpu.memory_space<vmem>>, %arg9: memref<2000x48xf32, #tpu.memory_space<vmem>>, %arg10: memref<2000x48xf32, #tpu.memory_space<vmem>>, %arg11: memref<2000x8xf32, #tpu.memory_space<vmem>>) attributes {dimension_semantics = [#tpu.dimension_semantics<arbitrary>], iteration_bounds = array<i64: 5>, scalar_prefetch = 0 : i64, scratch_operands = 0 : i64, tpu.core_type = #tpu.core_type<tc>, window_params = [{transform_indices = @transform_0, window_bounds = array<i64: 2000, 128>}, {transform_indices = @transform_1, window_bounds = array<i64: 2, 2000, 128>}, {transform_indices = @transform_2, window_bounds = array<i64: 2000, 2>}, {pipeline_mode = #tpu.pipeline_mode<synchronous>, transform_indices = @transform_3, window_bounds = array<i64: 128, 128>}, {pipeline_mode = #tpu.pipeline_mode<synchronous>, transform_indices = @transform_4, window_bounds = array<i64: 128, 128>}, {pipeline_mode = #tpu.pipeline_mode<synchronous>, transform_indices = @transform_5, window_bounds = array<i64: 1, 128>}, {pipeline_mode = #tpu.pipeline_mode<synchronous>, transform_indices = @transform_6, window_bounds = array<i64: 128, 48>}, {pipeline_mode = #tpu.pipeline_mode<synchronous>, transform_indices = @transform_7, window_bounds = array<i64: 128, 48>}, {transform_indices = @transform_8, window_bounds = array<i64: 2000, 48>}, {transform_indices = @transform_9, window_bounds = array<i64: 2000, 48>}, {transform_indices = @transform_10, window_bounds = array<i64: 2000, 8>}]} {
    %get3A = arith.constant 0 : index
    %get3A_0 = arith.constant 0 : index
    %get3A_1 = vector.load %arg3[%get3A, %get3A_0] : memref<2000x2xf32, #tpu.memory_space<vmem>>, vector<2000x1xf32>
    %get3A_2 = vector.shape_cast %get3A_1 : vector<2000x1xf32> to vector<2000xf32>
    %get3A_3 = arith.constant 0 : index
    %get3A_4 = arith.constant 1 : index
    %get3A_5 = vector.load %arg3[%get3A_3, %get3A_4] : memref<2000x2xf32, #tpu.memory_space<vmem>>, vector<2000x1xf32>
    %get3A_6 = vector.shape_cast %get3A_5 : vector<2000x1xf32> to vector<2000xf32>
    %add3A = arith.addf %get3A_2, %get3A_6 : vector<2000xf32>
    %jit3A = arith.constant 1.000000e+00 : f32
    %max3A = vector.broadcast %jit3A : f32 to vector<2000xf32>
    %max3A_7 = arith.maximumf %max3A, %add3A : vector<2000xf32>
    %div3A = arith.constant 1.000000e+00 : f32
    %div3A_8 = vector.broadcast %div3A : f32 to vector<2000xf32>
    %div3A_9 = arith.divf %div3A_8, %max3A_7 : vector<2000xf32>
    %get3A_10 = arith.constant 0 : index
    %get3A_11 = arith.constant 0 : index
    %get3A_12 = arith.constant 0 : index
    %get3A_13 = vector.load %arg2[%get3A_10, %get3A_11, %get3A_12] : memref<2x2000x128xf32, #tpu.memory_space<vmem>>, vector<1x2000x128xf32>
    %get3A_14 = vector.shape_cast %get3A_13 : vector<1x2000x128xf32> to vector<2000x128xf32>
    %get3A_15 = arith.constant 1 : index
    %get3A_16 = arith.constant 0 : index
    %get3A_17 = arith.constant 0 : index
    %get3A_18 = vector.load %arg2[%get3A_15, %get3A_16, %get3A_17] : memref<2x2000x128xf32, #tpu.memory_space<vmem>>, vector<1x2000x128xf32>
    %get3A_19 = vector.shape_cast %get3A_18 : vector<1x2000x128xf32> to vector<2000x128xf32>
    %add3A_20 = arith.addf %get3A_14, %get3A_19 : vector<2000x128xf32>
    %broadcast_in_dim3A = vector.shape_cast %div3A_9 : vector<2000xf32> to vector<2000x1xf32>
    %mul3A = vector.broadcast %broadcast_in_dim3A : vector<2000x1xf32> to vector<2000x128xf32>
    %mul3A_21 = arith.mulf %add3A_20, %mul3A : vector<2000x128xf32>
    %get3A_22 = arith.constant 0 : index
    %get3A_23 = arith.constant 0 : index
    %get3A_24 = vector.load %arg1[%get3A_22, %get3A_23] : memref<2000x128xf32, #tpu.memory_space<vmem>>, vector<2000x128xf32>
    %convert_element_type3A = arith.truncf %get3A_24 : vector<2000x128xf32> to vector<2000x128xbf16>
    %get3A_25 = arith.constant 0 : index
    %get3A_26 = arith.constant 0 : index
    %get3A_27 = vector.load %arg4[%get3A_25, %get3A_26] : memref<128x128xbf16, #tpu.memory_space<vmem>>, vector<128x128xbf16>
    %dot_general3A = arith.constant dense<0.000000e+00> : vector<2000x128xf32>
    %dot_general3A_28 = tpu.matmul %convert_element_type3A, %get3A_27, %dot_general3A {dimension_numbers = #tpu.dot_dimension_numbers<[1], [0], [0], [1], [0, 0, 1, 1], [], []>, transpose_lhs_hint = false} : vector<2000x128xbf16>, vector<128x128xbf16>, vector<2000x128xf32> -> vector<2000x128xf32>
    %convert_element_type3A_29 = arith.truncf %mul3A_21 : vector<2000x128xf32> to vector<2000x128xbf16>
    %get3A_30 = arith.constant 0 : index
    %get3A_31 = arith.constant 0 : index
    %get3A_32 = vector.load %arg5[%get3A_30, %get3A_31] : memref<128x128xbf16, #tpu.memory_space<vmem>>, vector<128x128xbf16>
    %dot_general3A_33 = arith.constant dense<0.000000e+00> : vector<2000x128xf32>
    %dot_general3A_34 = tpu.matmul %convert_element_type3A_29, %get3A_32, %dot_general3A_33 {dimension_numbers = #tpu.dot_dimension_numbers<[1], [0], [0], [1], [0, 0, 1, 1], [], []>, transpose_lhs_hint = false} : vector<2000x128xbf16>, vector<128x128xbf16>, vector<2000x128xf32> -> vector<2000x128xf32>
    %add3A_35 = arith.addf %dot_general3A_28, %dot_general3A_34 : vector<2000x128xf32>
    %get3A_36 = arith.constant 0 : index
    %get3A_37 = arith.constant 0 : index
    %get3A_38 = vector.load %arg6[%get3A_36, %get3A_37] : memref<1x128xf32, #tpu.memory_space<vmem>>, vector<1x128xf32>
    %add3A_39 = vector.broadcast %get3A_38 : vector<1x128xf32> to vector<2000x128xf32>
    %add3A_40 = arith.addf %add3A_35, %add3A_39 : vector<2000x128xf32>
    %max3A_41 = arith.constant 0.000000e+00 : f32
    %max3A_42 = vector.broadcast %max3A_41 : f32 to vector<2000x128xf32>
    %max3A_43 = arith.maximumf %add3A_40, %max3A_42 : vector<2000x128xf32>
    %convert_element_type3A_44 = arith.truncf %max3A_43 : vector<2000x128xf32> to vector<2000x128xbf16>
    %get3A_45 = arith.constant 0 : index
    %get3A_46 = arith.constant 0 : index
    %get3A_47 = vector.load %arg7[%get3A_45, %get3A_46] : memref<128x48xbf16, #tpu.memory_space<vmem>>, vector<128x48xbf16>
    %dot_general3A_48 = arith.constant dense<0.000000e+00> : vector<2000x48xf32>
    %dot_general3A_49 = tpu.matmul %convert_element_type3A_44, %get3A_47, %dot_general3A_48 {dimension_numbers = #tpu.dot_dimension_numbers<[1], [0], [0], [1], [0, 0, 1, 1], [], []>, transpose_lhs_hint = false} : vector<2000x128xbf16>, vector<128x48xbf16>, vector<2000x48xf32> -> vector<2000x48xf32>
    %swap3A = arith.constant 0 : index
    %swap3A_50 = arith.constant 0 : index
    %swap3A_51 = vector.load %arg9[%swap3A, %swap3A_50] : memref<2000x48xf32, #tpu.memory_space<vmem>>, vector<2000x48xf32>
    tpu.vector_store %arg9[%swap3A, %swap3A_50], %dot_general3A_49 {strides = array<i32>} : memref<2000x48xf32, #tpu.memory_space<vmem>>, vector<2000x48xf32>,
    %get3A_52 = arith.constant 0 : index
    %get3A_53 = arith.constant 0 : index
    %get3A_54 = vector.load %arg8[%get3A_52, %get3A_53] : memref<128x48xbf16, #tpu.memory_space<vmem>>, vector<128x48xbf16>
    %dot_general3A_55 = arith.constant dense<0.000000e+00> : vector<2000x48xf32>
    %dot_general3A_56 = tpu.matmul %convert_element_type3A_44, %get3A_54, %dot_general3A_55 {dimension_numbers = #tpu.dot_dimension_numbers<[1], [0], [0], [1], [0, 0, 1, 1], [], []>, transpose_lhs_hint = false} : vector<2000x128xbf16>, vector<128x48xbf16>, vector<2000x48xf32> -> vector<2000x48xf32>
    %swap3A_57 = arith.constant 0 : index
    %swap3A_58 = arith.constant 0 : index
    %swap3A_59 = vector.load %arg10[%swap3A_57, %swap3A_58] : memref<2000x48xf32, #tpu.memory_space<vmem>>, vector<2000x48xf32>
    tpu.vector_store %arg10[%swap3A_57, %swap3A_58], %dot_general3A_56 {strides = array<i32>} : memref<2000x48xf32, #tpu.memory_space<vmem>>, vector<2000x48xf32>,
    %broadcast_in_dim3A_60 = vector.shape_cast %div3A_9 : vector<2000xf32> to vector<2000x1xf32>
    %broadcast_in_dim3A_61 = vector.shape_cast %broadcast_in_dim3A_60 : vector<2000x1xf32> to vector<2000x1xf32>
    %broadcast_in_dim3A_62 = vector.broadcast %broadcast_in_dim3A_61 : vector<2000x1xf32> to vector<2000x8xf32>
    %swap3A_63 = arith.constant 0 : index
    %swap3A_64 = arith.constant 0 : index
    %swap3A_65 = vector.load %arg11[%swap3A_63, %swap3A_64] : memref<2000x8xf32, #tpu.memory_space<vmem>>, vector<2000x8xf32>
    tpu.vector_store %arg11[%swap3A_63, %swap3A_64], %broadcast_in_dim3A_62 {strides = array<i32>} : memref<2000x8xf32, #tpu.memory_space<vmem>>, vector<2000x8xf32>,
    return
  }
  func.func @transform_0(%arg0: i32) -> (i32, i32) {
    %c0_i32 = arith.constant 0 : i32
    %c0_i32_0 = arith.constant 0 : i32
    return %arg0, %c0_i32 : i32, i32
  }
  func.func @transform_1(%arg0: i32) -> (i32, i32, i32) {
    %c0_i32 = arith.constant 0 : i32
    %c0_i32_0 = arith.constant 0 : i32
    %c0_i32_1 = arith.constant 0 : i32
    return %c0_i32, %arg0, %c0_i32_0 : i32, i32, i32
  }
  func.func @transform_2(%arg0: i32) -> (i32, i32) {
    %c0_i32 = arith.constant 0 : i32
    %c0_i32_0 = arith.constant 0 : i32
    return %arg0, %c0_i32 : i32, i32
  }
  func.func @transform_3(%arg0: i32) -> (i32, i32) {
    %c0_i32 = arith.constant 0 : i32
    %c0_i32_0 = arith.constant 0 : i32
    %c0_i32_1 = arith.constant 0 : i32
    return %c0_i32, %c0_i32_0 : i32, i32
  }
  func.func @transform_4(%arg0: i32) -> (i32, i32) {
    %c0_i32 = arith.constant 0 : i32
    %c0_i32_0 = arith.constant 0 : i32
    %c0_i32_1 = arith.constant 0 : i32
    return %c0_i32, %c0_i32_0 : i32, i32
  }
  func.func @transform_5(%arg0: i32) -> (i32, i32) {
    %c0_i32 = arith.constant 0 : i32
    %c0_i32_0 = arith.constant 0 : i32
    %c0_i32_1 = arith.constant 0 : i32
    return %c0_i32, %c0_i32_0 : i32, i32
  }
  func.func @transform_6(%arg0: i32) -> (i32, i32) {
    %c0_i32 = arith.constant 0 : i32
    %c0_i32_0 = arith.constant 0 : i32
    %c0_i32_1 = arith.constant 0 : i32
    return %c0_i32, %c0_i32_0 : i32, i32
  }
  func.func @transform_7(%arg0: i32) -> (i32, i32) {
    %c0_i32 = arith.constant 0 : i32
    %c0_i32_0 = arith.constant 0 : i32
    %c0_i32_1 = arith.constant 0 : i32
    return %c0_i32, %c0_i32_0 : i32, i32
  }
  func.func @transform_8(%arg0: i32) -> (i32, i32) {
    %c0_i32 = arith.constant 0 : i32
    %c0_i32_0 = arith.constant 0 : i32
    return %arg0, %c0_i32 : i32, i32
  }
  func.func @transform_9(%arg0: i32) -> (i32, i32) {
    %c0_i32 = arith.constant 0 : i32
    %c0_i32_0 = arith.constant 0 : i32
    return %arg0, %c0_i32 : i32, i32
  }
  func.func @transform_10(%arg0: i32) -> (i32, i32) {
    %c0_i32 = arith.constant 0 : i32
    %c0_i32_0 = arith.constant 0 : i32
    return %arg0, %c0_i32 : i32, i32
  }
}

module attributes {stable_mosaic.version = 14 : i64} {
  func.func @body(%arg0: i32, %arg1: memref<2000x48xf32, #tpu.memory_space<vmem>>, %arg2: memref<2x2000x48xf32, #tpu.memory_space<vmem>>, %arg3: memref<2000x8xf32, #tpu.memory_space<vmem>>, %arg4: memref<1x48xf32, #tpu.memory_space<vmem>>, %arg5: memref<2000x40xf32, #tpu.memory_space<vmem>>) attributes {dimension_semantics = [#tpu.dimension_semantics<arbitrary>], iteration_bounds = array<i64: 5>, scalar_prefetch = 0 : i64, scratch_operands = 0 : i64, tpu.core_type = #tpu.core_type<tc>, window_params = [{transform_indices = @transform_0, window_bounds = array<i64: 2000, 48>}, {transform_indices = @transform_1, window_bounds = array<i64: 2, 2000, 48>}, {transform_indices = @transform_2, window_bounds = array<i64: 2000, 8>}, {pipeline_mode = #tpu.pipeline_mode<synchronous>, transform_indices = @transform_3, window_bounds = array<i64: 1, 48>}, {transform_indices = @transform_4, window_bounds = array<i64: 2000, 40>}]} {
    %get3A = arith.constant 0 : index
    %get3A_0 = arith.constant 0 : index
    %get3A_1 = vector.load %arg3[%get3A, %get3A_0] : memref<2000x8xf32, #tpu.memory_space<vmem>>, vector<2000x1xf32>
    %get3A_2 = vector.shape_cast %get3A_1 : vector<2000x1xf32> to vector<2000xf32>
    %get3A_3 = arith.constant 0 : index
    %get3A_4 = arith.constant 0 : index
    %get3A_5 = vector.load %arg1[%get3A_3, %get3A_4] : memref<2000x48xf32, #tpu.memory_space<vmem>>, vector<2000x48xf32>
    %get3A_6 = arith.constant 0 : index
    %get3A_7 = arith.constant 0 : index
    %get3A_8 = arith.constant 0 : index
    %get3A_9 = vector.load %arg2[%get3A_6, %get3A_7, %get3A_8] : memref<2x2000x48xf32, #tpu.memory_space<vmem>>, vector<1x2000x48xf32>
    %get3A_10 = vector.shape_cast %get3A_9 : vector<1x2000x48xf32> to vector<2000x48xf32>
    %get3A_11 = arith.constant 1 : index
    %get3A_12 = arith.constant 0 : index
    %get3A_13 = arith.constant 0 : index
    %get3A_14 = vector.load %arg2[%get3A_11, %get3A_12, %get3A_13] : memref<2x2000x48xf32, #tpu.memory_space<vmem>>, vector<1x2000x48xf32>
    %get3A_15 = vector.shape_cast %get3A_14 : vector<1x2000x48xf32> to vector<2000x48xf32>
    %add3A = arith.addf %get3A_10, %get3A_15 : vector<2000x48xf32>
    %broadcast_in_dim3A = vector.shape_cast %get3A_2 : vector<2000xf32> to vector<2000x1xf32>
    %mul3A = vector.broadcast %broadcast_in_dim3A : vector<2000x1xf32> to vector<2000x48xf32>
    %mul3A_16 = arith.mulf %add3A, %mul3A : vector<2000x48xf32>
    %add3A_17 = arith.addf %get3A_5, %mul3A_16 : vector<2000x48xf32>
    %get3A_18 = arith.constant 0 : index
    %get3A_19 = arith.constant 0 : index
    %get3A_20 = vector.load %arg4[%get3A_18, %get3A_19] : memref<1x48xf32, #tpu.memory_space<vmem>>, vector<1x48xf32>
    %add3A_21 = vector.broadcast %get3A_20 : vector<1x48xf32> to vector<2000x48xf32>
    %add3A_22 = arith.addf %add3A_17, %add3A_21 : vector<2000x48xf32>
    %slice3A = vector.extract_strided_slice %add3A_22 {offsets = [0, 0], sizes = [2000, 40], strides = [1, 1]} : vector<2000x48xf32> to vector<2000x40xf32>
    %swap3A = arith.constant 0 : index
    %swap3A_23 = arith.constant 0 : index
    %swap3A_24 = vector.load %arg5[%swap3A, %swap3A_23] : memref<2000x40xf32, #tpu.memory_space<vmem>>, vector<2000x40xf32>
    tpu.vector_store %arg5[%swap3A, %swap3A_23], %slice3A {strides = array<i32>} : memref<2000x40xf32, #tpu.memory_space<vmem>>, vector<2000x40xf32>,
    return
  }
  func.func @transform_0(%arg0: i32) -> (i32, i32) {
    %c0_i32 = arith.constant 0 : i32
    %c0_i32_0 = arith.constant 0 : i32
    return %arg0, %c0_i32 : i32, i32
  }
  func.func @transform_1(%arg0: i32) -> (i32, i32, i32) {
    %c0_i32 = arith.constant 0 : i32
    %c0_i32_0 = arith.constant 0 : i32
    %c0_i32_1 = arith.constant 0 : i32
    return %c0_i32, %arg0, %c0_i32_0 : i32, i32, i32
  }
  func.func @transform_2(%arg0: i32) -> (i32, i32) {
    %c0_i32 = arith.constant 0 : i32
    %c0_i32_0 = arith.constant 0 : i32
    return %arg0, %c0_i32 : i32, i32
  }
  func.func @transform_3(%arg0: i32) -> (i32, i32) {
    %c0_i32 = arith.constant 0 : i32
    %c0_i32_0 = arith.constant 0 : i32
    %c0_i32_1 = arith.constant 0 : i32
    return %c0_i32, %c0_i32_0 : i32, i32
  }
  func.func @transform_4(%arg0: i32) -> (i32, i32) {
    %c0_i32 = arith.constant 0 : i32
    %c0_i32_0 = arith.constant 0 : i32
    return %arg0, %c0_i32 : i32, i32
  }
}

</mosaic_0001>

<sc_bundles>
// kernel: kernel.6.cloned.1.call-start
scs
__scs_entry_jumppad:
0x0: {  	(pc) =	sbr.rel $0x88, $3  }
0x1: {  	(tag) =	ssettag $0x0;
	lr =	simm.s32 $0x1  }
0x2: {  	[smem:$0x3F99] =	sst lr;
	_ =	strace $0xD0000000  }
0x3: {  	_ = 	snop  }
0x4: {  	_ = 	snop  }
0x5: {  	_ = 	snop  }
0x6: {  	_ = 	snop  }
0x7: {  	_ = 	snop  }
__scs_overlays_trampoline_lowered:
0x8: {  	[smem:$0x3FA8] =	sst s0  }
0x9: {  	[smem:$0x3FA9] =	sst s1  }
0xa: {  	[smem:$0x3FAA] =	sst s2  }
0xb: {  	[smem:$0x3FAB] =	sst s3  }
0xc: {  	[smem:$0x3FAC] =	sst s4  }
0xd: {  	[smem:$0x3FAD] =	sst s5  }
0xe: {  	[smem:$0x3FAE] =	sst s6  }
0xf: {  	[smem:$0x3FAF] =	sst s7  }
0x10: {  	[smem:$0x3FB0] =	sst s8  }
0x11: {  	[smem:$0x3FB1] =	sst s9;
	s0 =	simm.s32 @!p0 $0x0  }
0x12: {  	s1 =	sld [smem:$0x3F97];
	s0 =	simm.s32 @p0 $0x1  }
0x13: {  	[smem:$0x3FB2] =	sst s0;
	s0 =	simm.s32 @!p1 $0x0  }
0x14: {  	s2 =	sld [smem:$0x3F96];
	s0 =	simm.s32 @p1 $0x1  }
0x15: {  	[smem:$0x3FB3] =	sst s0;
	s0 =	simm.s32 @!p2 $0x0  }
0x16: {  	s3 =	sld [smem:$0x3FDB];
	s0 =	simm.s32 @p2 $0x1  }
0x17: {  	s4 =	simm.s32 $0x1BF5;
	[smem:$0x3FB5] =	sst s0  }
0x18: {  	s0 =	sld [smem:$0x3F98];
	_ =	swait.ge [sflag:s4], $0x0  }
0x19: {  	s7 =	sld [smem:$0x3F99]  }
0x1a: {  	s8 =	sadd.s32 $0xFFFFE003, lr  }
0x1b: {  	s9 =	sadd.s32 $0xFFFFFEF7, lr;
	s5 =	simm.s32 $0xFFFFFFFF;
	p2 =	slt.u32 s8, $0xFFFFF086  }
0x1c: {  	p1 =	slt.u32 s9, $0xF7A;
	s5 =	simm.s32 @!p2 $0x0  }
0x1d: {  	s5 =	simm.s32 @p1 $0x1;
	p0 =	seq.s32 s7, s2  }
0x1e: {  	s7 =	smul.u32 @!p0 $0xF7A, s2;
	p2 =	seq.s32 @!p0 s5, $0x0  }
0x1f: {  	s9 =	smul.u32 $0xF7A, s1;
	s8 =	simm.s32 @!p0 $0x1BF5;
	p2 =	por !p2, p0  }
0x20: {  	[sflag:s8] =	ssyncset.s32 @!p0 $0xFFFFF086;
	s6 =	sadd.s32 @!p0 s3, s7;
	s7 =	simm.s32 @!p0 $0x108  }
0x21: {  	s3 =	sadd.s32 s3, s9;
	s6 =	sadd.s32 @!p0 $0x88, s6;
	s7 =	simm.s32 @p2 $0x1082  }
0x22: {  	[simem:s7], [sflag:s8] =	dma.local @!p0 [hbm:s6], $0xF7A  }
0x23: {  	s9 =	sor.u32 $0xD0000000, s2;
	s6 =	simm.s32 $0x108;
	_ =	swait.ge @!p0 [sflag:s8], $0x0  }
0x24: {  	s3 =	sadd.s32 $0x88, s3;
	s6 =	simm.s32 @!p1 $0x1082;
	[sflag:s4] =	ssyncset.s32 $0xFFFFF086  }
0x25: {  	[simem:s6], [sflag:s4] =	dma.local [hbm:s3], $0xF7A  }
0x26: {  	[smem:$0x3F99] =	sst s1;
	(tag) =	ssettag s2;
	_ =	strace s9  }
0x27: {  	s1 =	sld [smem:$0x3FA9]  }
0x28: {  	s2 =	sld [smem:$0x3FAA]  }
0x29: {  	s4 =	sld [smem:$0x3FAC]  }
0x2a: {  	p0 =	seq.s32 s5, $0x0;
	s5 =	sld [smem:$0x3FAD]  }
0x2b: {  	s6 =	sld [smem:$0x3FAE]  }
0x2c: {  	s7 =	sld [smem:$0x3FAF]  }
0x2d: {  	s3 =	simm.s32 $0x108;
	s8 =	sld [smem:$0x3FB0]  }
0x2e: {  	s3 =	simm.s32 @!p0 $0x1082;
	s9 =	sld [smem:$0x3FB1]  }
0x2f: {  	lr =	sadd.s32 s0, s3;
	s0 =	sld [smem:$0x3FA8]  }
0x30: {  	s3 =	sld [smem:$0x3FAB]  }
0x31: {  	[smem:$0x3FB4] =	sst s10  }
0x32: {  	s10 =	sld [smem:$0x3FB2];
	_ =	sdelay $0x3  }
0x33: {  	p0 =	seq.s32 s10, $0x1;
	s10 =	sld [smem:$0x3FB4];
	_ =	sdelay $0x3  }
0x34: {  	[smem:$0x3FB4] =	sst s10  }
0x35: {  	s10 =	sld [smem:$0x3FB3];
	_ =	sdelay $0x3  }
0x36: {  	p1 =	seq.s32 s10, $0x1;
	s10 =	sld [smem:$0x3FB4];
	_ =	sdelay $0x3  }
0x37: {  	[smem:$0x3FB4] =	sst s10  }
0x38: {  	s10 =	sld [smem:$0x3FB5]  }
0x39: {  	_ = 	snop;
	(pc) =	sbr.ind lr, $3  }
0x3a: {  	_ = 	snop  }
0x3b: {  	_ = 	snop  }
0x3c: {  	p2 =	seq.s32 s10, $0x1;
	s10 =	sld [smem:$0x3FB4]  }
0x3d: {  	_ =	shalt  }
0x3e: {  	_ =	shalt  }
0x3f: {  	_ =	shalt  }
0x40: {  	_ =	shalt  }
0x41: {  	_ =	shalt  }
0x42: {  	_ =	shalt  }
0x43: {  	_ =	shalt  }
0x44: {  	_ =	shalt  }
0x45: {  	_ =	shalt  }
0x46: {  	_ =	shalt  }
0x47: {  	_ =	shalt  }
0x48: {  	_ =	shalt  }
0x49: {  	_ =	shalt  }
0x4a: {  	_ =	shalt  }
0x4b: {  	_ =	shalt  }
0x4c: {  	_ =	shalt  }
0x4d: {  	_ =	shalt  }
0x4e: {  	_ =	shalt  }
0x4f: {  	_ =	shalt  }
0x50: {  	_ =	shalt  }
0x51: {  	_ =	shalt  }
0x52: {  	_ =	shalt  }
0x53: {  	_ =	shalt  }
0x54: {  	_ =	shalt  }
0x55: {  	_ =	shalt  }
0x56: {  	_ =	shalt  }
0x57: {  	_ =	shalt  }
0x58: {  	_ =	shalt  }
0x59: {  	_ =	shalt  }
0x5a: {  	_ =	shalt  }
0x5b: {  	_ =	shalt  }
0x5c: {  	_ =	shalt  }
0x5d: {  	_ =	shalt  }
0x5e: {  	_ =	shalt  }
0x5f: {  	_ =	shalt  }
0x60: {  	_ =	shalt  }
0x61: {  	_ =	shalt  }
0x62: {  	_ =	shalt  }
0x63: {  	_ =	shalt  }
0x64: {  	_ =	shalt  }
0x65: {  	_ =	shalt  }
0x66: {  	_ =	shalt  }
0x67: {  	_ =	shalt  }
0x68: {  	_ =	shalt  }
0x69: {  	_ =	shalt  }
0x6a: {  	_ =	shalt  }
0x6b: {  	_ =	shalt  }
0x6c: {  	_ =	shalt  }
0x6d: {  	_ =	shalt  }
0x6e: {  	_ =	shalt  }
0x6f: {  	_ =	shalt  }
0x70: {  	_ =	shalt  }
0x71: {  	_ =	shalt  }
0x72: {  	_ =	shalt  }
0x73: {  	_ =	shalt  }
0x74: {  	_ =	shalt  }
0x75: {  	_ =	shalt  }
0x76: {  	_ =	shalt  }
0x77: {  	_ =	shalt  }
0x78: {  	_ =	shalt  }
0x79: {  	_ =	shalt  }
0x7a: {  	_ =	shalt  }
0x7b: {  	_ =	shalt  }
0x7c: {  	_ =	shalt  }
0x7d: {  	_ =	shalt  }
0x7e: {  	_ =	shalt  }
0x7f: {  	_ =	shalt  }
0x80: {  	_ =	shalt  }
0x81: {  	_ =	shalt  }
0x82: {  	_ =	shalt  }
0x83: {  	_ =	shalt  }
0x84: {  	_ =	shalt  }
0x85: {  	_ =	shalt  }
0x86: {  	_ =	shalt  }
0x87: {  	_ =	shalt  }
.Lfunc_end0:
.L_simem_size_0:
called_computation_lowered:
.L_overlay_start_0:
0x88: {  	s2 =	sld [smem:$0x3FD9]  }
0x89: {  	s3 =	sld [smem:$0x3FFE];
	_ =	sdelay $0x1  }
0x8a: {  	s1 =	srdreg.scid  }
0x8b: {  	s0 =	sand.u32 $0x1, s1  }
0x8c: {  	s17 =	sshll.u32 s0, $0xA;
	s2 =	sadd.s32 s3, s2  }
0x8d: {  	s2 =	sadd.s32 s2, s17  }
0x8e: {  	[smem:$0x3FC0] =	sst s2  }
0x8f: {  	_ = 	snop  }
0x90: {  	s2 =	sld [smem:$0x3FC9]  }
0x91: {  	s18 =	sld [smem:$0x3FD0];
	(tm) =	ssettm $0x1  }
0x92: {  	s4 =	sld [smem:$0x3FFB];
	_ =	sdelay $0x3  }
0x93: {  	_ =	strace s4  }
0x94: {  	s4 =	sld [smem:$0x3FFC];
	_ =	sdelay $0x3  }
0x95: {  	_ =	strace s4  }
0x96: {  	s4 =	sld [smem:$0x3FFD];
	_ =	sdelay $0x3  }
0x97: {  	_ =	strace s4  }
0x98: {  	_ =	strace $0x8FFFFFFF  }
0x99: {  	s19 =	sld [smem:$0x3FDB];
	_ =	sdelay $0x1  }
0x9a: {  	s5 =	simm.s32 $_scs_section_size  }
0x9b: {  	s6 =	simm.s32 $_size__tile_overlayer_lowered;
	s7 =	simm.s32 $_tile_overlayer_lowered  }
0x9c: {  	s22 =	simm.s32 $0x1BFF;
	s21 =	sshll.u32 s7, $0x1;
	s4 =	sadd.s32 s5, s19  }
0x9d: {  	s8 =	simm.s32 $0x0;
	s20 =	sshll.u32 s6, $0x1;
	s6 =	sadd.s32 s21, s4  }
0x9e: {  	[timem:s8], [sflag:s22] =	dma.local [hbm:s6], s20  }
0x9f: {  	_ =	swait.ge [sflag:s22], s20  }
0xa0: {  	s5 =	ssub.s32 $0x0, s20;
	[sflag:s22] =	ssyncset.done $0x0  }
0xa1: {  	[sflag:s22] =	ssyncadd.s32 s5;
	_ =	sdelay $0x1  }
0xa2: {  	s23 =	simm.s32 $0x1B8B  }
0xa3: {  	_ =	swait.ge [sflag:s23], $0x1  }
0xa4: {  	[sflag:s23] =	ssyncset.done $0x0  }
0xa5: {  	s25 =	simm.s32 $0x1B8E;
	s24 =	sld [smem:$0x3FFE];
	[sflag:s23] =	ssyncadd.s32 $0xFFFFFFFF  }
0xa6: {  	s26 =	simm.s32 $execute0_lowered;
	[smem:$0x3FD2] =	sst s25  }
0xa7: {  	s6 =	sshll.u32 s26, $0x1;
	_ =	strace $0x80000046;
	[dreg:$0x1] =	wrdreg $0xFFFFFFFF  }
0xa8: {  	s28 =	simm.s32 $_size_execute0_lowered;
	s4 =	sadd.s32 s4, s6;
	[dreg:$0x0] =	wrdreg $0x0  }
0xa9: {  	s6 =	sshll.u32 s28, $0x1;
	[dreg:$0x2] =	wrdreg s4  }
0xaa: {  	[dreg:$0x3] =	wrdreg s6  }
0xab: {  	[dreg:$0x4] =	wrdreg $0xC0  }
0xac: {  	_ =	task [dreg:s8], $0x5FFFF  }
0xad: {  	[dreg:$0x1] =	wrdreg $0xFFFFFFFF  }
0xae: {  	[dreg:$0x0] =	wrdreg $0x60  }
0xaf: {  	[dreg:$0x2] =	wrdreg s2  }
0xb0: {  	[dreg:$0x3] =	wrdreg s24  }
0xb1: {  	[dreg:$0x4] =	wrdreg s18  }
0xb2: {  	[dreg:$0x5] =	wrdreg $0xA0000  }
0xb3: {  	[dreg:$0x6] =	wrdreg $0x1D8800  }
0xb4: {  	[dreg:$0x7] =	wrdreg $0x9  }
0xb5: {  	_ =	task.clear_ibuf [dreg:s8], $0x8FFFF;
	_ =	strace $0x90000046  }
0xb6: {  	s29 =	simm.s32 $0x9;
	_ =	strace $0x80000048  }
0xb7: {  	_ =	swait.ge [sflag:s29], $0x1  }
0xb8: {  	[sflag:s29] =	ssyncadd.s32 $0xFFFFFFFF  }
0xb9: {  	_ =	strace $0x90000048  }
0xba: {  	_ =	sfence  }
0xbb: {  	s30 =	sld [smem:$0x0];
	_ =	sdelay $0x2  }
0xbc: {  	s31 =	sshll.u32 s1, $0xD;
	s1 =	sshrl.u32 s1, $0x2  }
0xbd: {  	s3 =	sand.u32 $0x4000, s31;
	s1 =	sadd.s32 s1, s30  }
0xbe: {  	s0 =	sor.u32 s3, s0;
	s1 =	sshll.u32 s1, $0x11  }
0xbf: {  	s0 =	sor.u32 s1, s0  }
0xc0: {  	s0 =	sadd.s32 $0x8F2B, s0  }
0xc1: {  	[sflag:s0] =	ssyncadd.remote.s32 $0x1  }
0xc2: {  	_ =	sfence.sel $0xFFFF  }
0xc3: {  	[dreg:$0x0] =	wrdreg $0xFFFFFFFF;
	(pc) =	sbr.abs _section_cstart, $3  }
0xc4: {  	[dreg:$0x1] =	wrdreg $0xFFFFFFFF  }
0xc5: {  	_ =	task.clear_ibuf [dreg:s8], $0x2FFFF;
	_ =	strace $0x9FFFFFFF  }
0xc6: {  	(tm) =	ssettm $0x7FFFFFFF  }
0xc7: {  	_ =	shalt  }
tec
execute0_lowered:
.L_overlay_start_1:
0x0: {  	(tag) =	ssettag $0x1  }
0x1: {  	s0 =	rddreg [dreg:$0x0]  }
0x2: {  	s1 =	rddreg [dreg:$0x1]  }
0x3: {  	s3 =	rddreg [dreg:$0x2]  }
0x4: {  	s4 =	srdreg.scid;
	s13 =	stileid.u32  }
0x5: {  	s2 =	rddreg [dreg:$0x3];
	s5 =	simm.s32 $0x0;
	s28 =	simm.s32 $0x2760  }
0x6: {  	s29 =	simm.s32 $0x4FB0;
	s30 =	simm.s32 $0x3;
	s7 =	smul.u32 $0x13880, s13  }
0x7: {  	s31 =	simm.s32 $0x77B0;
	s8 =	sand.u32 $0x1, s4;
	s10 =	smul.u32 $0x4E200, s13  }
0x8: {  	s4 =	rddreg [dreg:$0x4];
	s9 =	sshll.u32 s13, $0x1;
	s22 =	smul.u32 $0x4E20, s13  }
0x9: {  	[smem:$0x7FF] =	sst s5;
	s11 =	sadd.s32 $0x2200, s1;
	s6 =	smul.u32 $0x138800, s8  }
0xa: {  	p0 =	sne.s32 s13, $0x0;
	s9 =	sor.u32 s8, s9;
	s18 =	smul.u32 $0x2710, s8  }
0xb: {  	_ =	strace $0x80000047;
	s16 =	ssub.s32 $0x2, s8;
	s8 =	smul.u32 $0x500, s8  }
0xc: {  	s9 =	smul.u32 $0x2710, s9;
	s12 =	sshrl.u32 s16, $0x1;
	s10 =	sshrl.u32 s10, $0x2  }
0xd: {  	s6 =	sadd.s32 s7, s6;
	s12 =	ssub.s32 s16, s12;
	s17 =	sadd.s32 s10, s2  }
0xe: {  	s7 =	sadd.s32 s7, s2;
	s24 =	sadd.s32 s18, s22;
	s10 =	sadd.s32 $0x2800, s17  }
0xf: {  	s6 =	sshrl.u32 s6, $0x3;
	s19 =	sadd.s32 $0x5000, s17;
	[dreg:$0x6] =	wrdreg s10  }
0x10: {  	s9 =	sshrl.u32 s9, $0x3;
	s20 =	sadd.s32 $0x7800, s17;
	[dreg:$0x7] =	wrdreg s19  }
0x11: {  	s21 =	sadd.s32 $0xA000, s17;
	s14 =	sadd.s32 $0xC800, s17;
	[dreg:$0x8] =	wrdreg s20  }
0x12: {  	s23 =	sadd.s32 $0xF000, s17;
	s25 =	sadd.s32 $0x4E2F0, s24;
	[dreg:$0x9] =	wrdreg s21  }
0x13: {  	s1 =	sadd.s32 s6, s1;
	s6 =	sadd.s32 s11, s9;
	[dreg:$0xa] =	wrdreg s14  }
0x14: {  	[dreg:$0xb] =	wrdreg s23;
	s14 =	sadd.s32 $0x11800, s17;
	s9 =	sadd.s32 $0x4E2A0, s24  }
0x15: {  	s19 =	sadd.s32 s3, s8;
	s20 =	smax.u32 s12, $0x1;
	s23 =	simm.s32 $0x5  }
0x16: {  	s24 =	simm.s32 $0x27B0;
	s3 =	simm.s32 $0x1;
	s8 =	simm.s32 $0x2  }
0x17: {  	s15 =	sadd.s32 $0x9C40, s6;
	s16 =	sadd.s32 $0x9C4A, s6;
	s17 =	sadd.s32 $0xA118, s6  }
0x18: {  	v0 =	vlaneseq.u32;
	s18 =	sadd.s32 $0x15C00, s1;
	s1 =	sshrl.u32 s25, $0x3;
	s26 =	sshrl.u32 s9, $0x3  }
0x19: {  	v1 =	vimm.f32 $0.0e+00;
	v6 =	vimm.f32 $1.000000000e+00;
	v2 =	vor.u32 $0x10, v0;
	s25 =	simm.s32 $0x2710;
	s9 =	simm.s32 $0x0;
	s21 =	sadd.s32 s1, s11  }
0x1a: {  	v3 =	vor.u32 $0x20, v0;
	v4 =	vor.u32 $0x30, v0;
	v5 =	vor.u32 $0x40, v0;
	s22 =	sadd.s32 s26, s11;
	s26 =	simm.s32 $0x50;
	s1 =	simm.s32 $0x4  }
.LBB2_1:
0x1b: {  	[tilespmem:s5], [sflag:$0x5] =	stream.linear.gather [hbm4b:s6+s5], $0x2710, $0x38;
	[tilespmem:$0x1DB00] =	vst v63  }
0x1c: {  	s10 =	sand.u32 $0xFE00, s5;
	s11 =	sand.u32 $0x70, s5;
	_ =	swait.ge [sflag:s23], $0x2710  }
0x1d: {  	s12 =	sshrl.u32 s10, $0x2;
	s10 =	simm.s32 $0x40;
	[sflag:s23] =	ssyncset.done $0x0  }
0x1e: {  	s12 =	sor.u32 s11, s12;
	s11 =	simm.s32 $0x0;
	[sflag:s23] =	ssyncadd.s32 $0xFFFFD8F0  }
.LBB2_2:
0x1f: {  	p1 =	sne.s32 s10, $0x9FC0  }
0x20: {  	[tilespmem:s12+$0x27B0] =	vst v1;
	s11 =	sadd.s32 $0x10, s11;
	s12 =	smov.u32 s10;
	s10 =	sadd.s32 $0x40, s10  }
.Ltmp0:
0x21: {  	(pc) =	sbr.rel @p1 .LBB2_2-.Ltmp0, $4  }
0x22: {  	_ = 	snop  }
0x23: {  	s12 =	sand.u32 $0xFE00, s12  }
0x24: {  	s13 =	sand.u32 $0x70, s11;
	s12 =	sshrl.u32 s12, $0x2  }
0x25: {  	s12 =	sor.u32 s13, s12  }
0x26: {  	[tilespmem:s12+$0x27B0] =	vst v1  }
0x27: {  	[spmem:s7] =	stream.linear.scatter [tilespmem:s24], [sflag:$0x5], $0x2800, $0x38;
	[tilespmem:$0x1DB00] =	vst v63  }
0x28: {  	_ =	swait.ge [sflag:s23], $0x2800  }
0x29: {  	[sflag:s23] =	ssyncset.done $0x0  }
0x2a: {  	s10 =	rddreg [dreg:$0x6];
	[sflag:s23] =	ssyncadd.s32 $0xFFFFD800  }
0x2b: {  	[spmem:s10] =	stream.linear.scatter [tilespmem:s24], [sflag:$0x5], $0x2800, $0x38;
	[tilespmem:$0x1DB00] =	vst v63  }
0x2c: {  	_ =	swait.ge [sflag:s23], $0x2800  }
0x2d: {  	[sflag:s23] =	ssyncset.done $0x0  }
0x2e: {  	s12 =	rddreg [dreg:$0x7];
	[sflag:s23] =	ssyncadd.s32 $0xFFFFD800  }
0x2f: {  	[spmem:s12] =	stream.linear.scatter [tilespmem:s24], [sflag:$0x5], $0x2800, $0x38;
	[tilespmem:$0x1DB00] =	vst v63  }
0x30: {  	_ =	swait.ge [sflag:s23], $0x2800  }
0x31: {  	[sflag:s23] =	ssyncset.done $0x0  }
0x32: {  	s13 =	rddreg [dreg:$0x8];
	[sflag:s23] =	ssyncadd.s32 $0xFFFFD800  }
0x33: {  	[spmem:s13] =	stream.linear.scatter [tilespmem:s24], [sflag:$0x5], $0x2800, $0x38;
	[tilespmem:$0x1DB00] =	vst v63  }
0x34: {  	_ =	swait.ge [sflag:s23], $0x2800  }
0x35: {  	[sflag:s23] =	ssyncset.done $0x0  }
0x36: {  	s11 =	rddreg [dreg:$0x9];
	[sflag:s23] =	ssyncadd.s32 $0xFFFFD800  }
0x37: {  	[spmem:s11] =	stream.linear.scatter [tilespmem:s24], [sflag:$0x5], $0x2800, $0x38;
	[tilespmem:$0x1DB00] =	vst v63  }
0x38: {  	_ =	swait.ge [sflag:s23], $0x2800  }
0x39: {  	[sflag:s23] =	ssyncset.done $0x0  }
0x3a: {  	s12 =	rddreg [dreg:$0xa];
	[sflag:s23] =	ssyncadd.s32 $0xFFFFD800  }
0x3b: {  	[spmem:s12] =	stream.linear.scatter [tilespmem:s24], [sflag:$0x5], $0x2800, $0x38;
	[tilespmem:$0x1DB00] =	vst v63  }
0x3c: {  	_ =	swait.ge [sflag:s23], $0x2800  }
0x3d: {  	[sflag:s23] =	ssyncset.done $0x0  }
0x3e: {  	s13 =	rddreg [dreg:$0xb];
	[sflag:s23] =	ssyncadd.s32 $0xFFFFD800  }
0x3f: {  	[spmem:s13] =	stream.linear.scatter [tilespmem:s24], [sflag:$0x5], $0x2800, $0x38;
	[tilespmem:$0x1DB00] =	vst v63  }
0x40: {  	_ =	swait.ge [sflag:s23], $0x2800  }
0x41: {  	[sflag:s23] =	ssyncset.done $0x0  }
0x42: {  	s10 =	simm.s32 $0x0;
	[sflag:s23] =	ssyncadd.s32 $0xFFFFD800  }
0x43: {  	[spmem:s14] =	stream.linear.scatter [tilespmem:s24], [sflag:$0x5], $0x2080, $0x38;
	[tilespmem:$0x1DB00] =	vst v63  }
0x44: {  	s11 =	sand.u32 $0xFE00, s10;
	_ =	swait.ge [sflag:s23], $0x2080  }
0x45: {  	s12 =	sand.u32 $0x70, s10;
	s13 =	sshrl.u32 s11, $0x2;
	[sflag:s23] =	ssyncset.done $0x0  }
0x46: {  	s11 =	simm.s32 $0x40;
	s12 =	sor.u32 s12, s13;
	[sflag:s23] =	ssyncadd.s32 $0xFFFFDF80  }
.LBB2_4:
0x47: {  	p1 =	sne.s32 s11, $0x9FC0  }
0x48: {  	[tilespmem:s12+$0x77B0] =	vst v1;
	s10 =	sadd.s32 $0x10, s10;
	s12 =	smov.u32 s11;
	s11 =	sadd.s32 $0x40, s11  }
.Ltmp1:
0x49: {  	(pc) =	sbr.rel @p1 .LBB2_4-.Ltmp1, $4  }
0x4a: {  	_ = 	snop  }
0x4b: {  	s12 =	sand.u32 $0xFE00, s12  }
0x4c: {  	s13 =	sand.u32 $0x70, s10;
	s12 =	sshrl.u32 s12, $0x2  }
0x4d: {  	s12 =	sor.u32 s13, s12  }
0x4e: {  	[tilespmem:s12+$0x77B0] =	vst v1  }
0x4f: {  	[tilespmem:$0x9FB0] =	vst v0  }
0x50: {  	[tilespmem:$0x9FC0] =	vst v2  }
0x51: {  	[tilespmem:$0x9FD0] =	vst v3  }
0x52: {  	[tilespmem:$0x9FE0] =	vst v4  }
0x53: {  	s10 =	simm.s32 @!p0 $0x27B0;
	[tilespmem:$0x9FF0] =	vst v5  }
0x54: {  	[spmem:s4] =	stream.linear.scatter @!p0 [tilespmem:s10], [sflag:$0x5], $0x2800, $0x38;
	[tilespmem:$0x1DB00] =	vst v63  }
0x55: {  	s10 =	simm.s32 @!p0 $0x5  }
0x56: {  	_ =	swait.ge @!p0 [sflag:s10], $0x2800  }
0x57: {  	[sflag:s10] =	ssyncset.done @!p0 $0x0  }
0x58: {  	[sflag:s10] =	ssyncadd.s32 @!p0 $0xFFFFD800  }
0x59: {  	s10 =	simm.s32 $0x0;
	[bflag:$0x0] =	sbarrier.arrive $0xFFFF  }
0x5a: {  	[tilespmem:s25], [sflag:$0x3] =	stream.linear.gather [hbm4b:s15+s10], $0x50, $0x38;
	[tilespmem:$0x1DB00] =	vst v63  }
0x5b: {  	_ = 	snop  }
0x5c: {  	[tilespmem:s24], [sflag:$0x1] =	stream.indirect.gather [hbm4b:s0+s26], $0x80, s10, s26, $0xb8;
	[tilespmem:$0x1DB00] =	vst v63  }
0x5d: {  	_ = 	snop  }
0x5e: {  	[tilespmem:s28], [sflag:$0x4] =	stream.linear.gather [hbm4b:s16+s10], $0x50, $0x38;
	[tilespmem:$0x1DB00] =	vst v63  }
0x5f: {  	s11 =	simm.s32 $0xF0  }
0x60: {  	[tilespmem:s29], [sflag:$0x2] =	stream.indirect.gather [hbm4b:s0+s26], $0x80, s26, s26, $0xb8;
	[tilespmem:$0x1DB00] =	vst v63  }
.LBB2_6:
0x61: {  	_ =	swait.ge [sflag:s30], $0x50  }
0x62: {  	[sflag:s30] =	ssyncset.done $0x0  }
0x63: {  	[sflag:s30] =	ssyncadd.s32 $0xFFFFFFB0  }
0x64: {  	v7 =	vld [tilespmem:$0x2710];
	_ =	sdelay $0x7  }
0x65: {  	[tilespmem:v7+s31+$0x0] =	vst.idx.add.f32.msk $0xffff, v6  }
0x66: {  	v7 =	vld [tilespmem:$0x2720];
	_ =	sdelay $0x7  }
0x67: {  	[tilespmem:v7+s31+$0x0] =	vst.idx.add.f32.msk $0xffff, v6  }
0x68: {  	v7 =	vld [tilespmem:$0x2730];
	_ =	sdelay $0x7  }
0x69: {  	[tilespmem:v7+s31+$0x0] =	vst.idx.add.f32.msk $0xffff, v6  }
0x6a: {  	v7 =	vld [tilespmem:$0x2740];
	_ =	sdelay $0x7  }
0x6b: {  	[tilespmem:v7+s31+$0x0] =	vst.idx.add.f32.msk $0xffff, v6  }
0x6c: {  	v7 =	vld [tilespmem:$0x2750];
	_ =	sdelay $0x7  }
0x6d: {  	[tilespmem:v7+s31+$0x0] =	vst.idx.add.f32.msk $0xffff, v6  }
0x6e: {  	_ =	swait.ge [sflag:s3], $0x2800  }
0x6f: {  	[sflag:s3] =	ssyncset.done $0x0  }
0x70: {  	[sflag:s3] =	ssyncadd.s32 $0xFFFFD800  }
0x71: {  	[spmem:s2] =	stream.indirect.scatter.add.f32 [tilespmem:s24], [sflag:$0x5], $0x80, s25, s26, $0xb8;
	[tilespmem:$0x1DB00] =	vst v63  }
0x72: {  	_ =	swait.ge [sflag:s23], $0x2800  }
0x73: {  	[sflag:s23] =	ssyncset.done $0x0  }
0x74: {  	s12 =	sadd.s32 s10, s22;
	[sflag:s23] =	ssyncadd.s32 $0xFFFFD800  }
0x75: {  	[tilespmem:s25], [sflag:$0x3] =	stream.linear.gather [hbm4b:s12+s5], $0x50, $0x38;
	[tilespmem:$0x1DB00] =	vst v63  }
0x76: {  	s13 =	sadd.s32 $0xFFFFFFB0, s11  }
0x77: {  	[tilespmem:s24], [sflag:$0x1] =	stream.indirect.gather [hbm4b:s0+s26], $0x80, s13, s26, $0xb8;
	[tilespmem:$0x1DB00] =	vst v63  }
0x78: {  	_ =	swait.ge [sflag:s1], $0x50  }
0x79: {  	[sflag:s1] =	ssyncset.done $0x0  }
0x7a: {  	[sflag:s1] =	ssyncadd.s32 $0xFFFFFFB0  }
0x7b: {  	v7 =	vld [tilespmem:$0x2760];
	_ =	sdelay $0x7  }
0x7c: {  	[tilespmem:v7+s31+$0x0] =	vst.idx.add.f32.msk $0xffff, v6  }
0x7d: {  	v7 =	vld [tilespmem:$0x2770];
	_ =	sdelay $0x7  }
0x7e: {  	[tilespmem:v7+s31+$0x0] =	vst.idx.add.f32.msk $0xffff, v6  }
0x7f: {  	v7 =	vld [tilespmem:$0x2780];
	_ =	sdelay $0x7  }
0x80: {  	[tilespmem:v7+s31+$0x0] =	vst.idx.add.f32.msk $0xffff, v6  }
0x81: {  	v7 =	vld [tilespmem:$0x2790];
	_ =	sdelay $0x7  }
0x82: {  	[tilespmem:v7+s31+$0x0] =	vst.idx.add.f32.msk $0xffff, v6  }
0x83: {  	v7 =	vld [tilespmem:$0x27A0];
	_ =	sdelay $0x7  }
0x84: {  	[tilespmem:v7+s31+$0x0] =	vst.idx.add.f32.msk $0xffff, v6  }
0x85: {  	_ =	swait.ge [sflag:s8], $0x2800  }
0x86: {  	[sflag:s8] =	ssyncset.done $0x0  }
0x87: {  	[sflag:s8] =	ssyncadd.s32 $0xFFFFD800  }
0x88: {  	[spmem:s2] =	stream.indirect.scatter.add.f32 [tilespmem:s29], [sflag:$0x5], $0x80, s28, s26, $0xb8;
	[tilespmem:$0x1DB00] =	vst v63  }
0x89: {  	_ =	swait.ge [sflag:s23], $0x2800  }
0x8a: {  	p1 =	sne.s32 s10, $0x4B0;
	[sflag:s23] =	ssyncset.done $0x0  }
.Ltmp2:
0x8b: {  	s13 =	sadd.s32 s10, s21;
	[sflag:s23] =	ssyncadd.s32 $0xFFFFD800;
	(pc) =	sbr.rel @p1 .LBB2_6-.Ltmp2, $4  }
0x8c: {  	[tilespmem:s28], [sflag:$0x4] =	stream.linear.gather [hbm4b:s13+s5], $0x50, $0x38;
	[tilespmem:$0x1DB00] =	vst v63  }
0x8d: {  	_ = 	snop  }
0x8e: {  	[tilespmem:s29], [sflag:$0x2] =	stream.indirect.gather [hbm4b:s0+s26], $0x80, s11, s26, $0xb8;
	[tilespmem:$0x1DB00] =	vst v63  }
0x8f: {  	s10 =	sadd.s32 $0x14, s10;
	s11 =	sadd.s32 $0xA0, s11  }
0x90: {  	_ =	swait.ge [sflag:s30], $0x50  }
0x91: {  	[sflag:s30] =	ssyncset.done $0x0  }
0x92: {  	[sflag:s30] =	ssyncadd.s32 $0xFFFFFFB0  }
0x93: {  	v7 =	vld [tilespmem:$0x2710];
	_ =	sdelay $0x7  }
0x94: {  	[tilespmem:v7+s31+$0x0] =	vst.idx.add.f32.msk $0xffff, v6  }
0x95: {  	v7 =	vld [tilespmem:$0x2720];
	_ =	sdelay $0x7  }
0x96: {  	[tilespmem:v7+s31+$0x0] =	vst.idx.add.f32.msk $0xffff, v6  }
0x97: {  	v7 =	vld [tilespmem:$0x2730];
	_ =	sdelay $0x7  }
0x98: {  	[tilespmem:v7+s31+$0x0] =	vst.idx.add.f32.msk $0xffff, v6  }
0x99: {  	v7 =	vld [tilespmem:$0x2740];
	_ =	sdelay $0x7  }
0x9a: {  	[tilespmem:v7+s31+$0x0] =	vst.idx.add.f32.msk $0xffff, v6  }
0x9b: {  	v7 =	vld [tilespmem:$0x2750];
	_ =	sdelay $0x7  }
0x9c: {  	[tilespmem:v7+s31+$0x0] =	vst.idx.add.f32.msk $0xffff, v6  }
0x9d: {  	_ =	swait.ge [sflag:s3], $0x2800  }
0x9e: {  	[sflag:s3] =	ssyncset.done $0x0  }
0x9f: {  	[sflag:s3] =	ssyncadd.s32 $0xFFFFD800  }
0xa0: {  	[spmem:s2] =	stream.indirect.scatter.add.f32 [tilespmem:s24], [sflag:$0x5], $0x80, s25, s26, $0xb8;
	[tilespmem:$0x1DB00] =	vst v63  }
0xa1: {  	_ =	swait.ge [sflag:s23], $0x2800  }
0xa2: {  	[sflag:s23] =	ssyncset.done $0x0  }
0xa3: {  	[sflag:s23] =	ssyncadd.s32 $0xFFFFD800  }
0xa4: {  	_ =	swait.ge [sflag:s1], $0x50  }
0xa5: {  	[sflag:s1] =	ssyncset.done $0x0  }
0xa6: {  	[sflag:s1] =	ssyncadd.s32 $0xFFFFFFB0  }
0xa7: {  	v7 =	vld [tilespmem:$0x2760];
	_ =	sdelay $0x7  }
0xa8: {  	[tilespmem:v7+s31+$0x0] =	vst.idx.add.f32.msk $0xffff, v6  }
0xa9: {  	v7 =	vld [tilespmem:$0x2770];
	_ =	sdelay $0x7  }
0xaa: {  	[tilespmem:v7+s31+$0x0] =	vst.idx.add.f32.msk $0xffff, v6  }
0xab: {  	v7 =	vld [tilespmem:$0x2780];
	_ =	sdelay $0x7  }
0xac: {  	[tilespmem:v7+s31+$0x0] =	vst.idx.add.f32.msk $0xffff, v6  }
0xad: {  	v7 =	vld [tilespmem:$0x2790];
	_ =	sdelay $0x7  }
0xae: {  	[tilespmem:v7+s31+$0x0] =	vst.idx.add.f32.msk $0xffff, v6  }
0xaf: {  	v7 =	vld [tilespmem:$0x27A0];
	_ =	sdelay $0x7  }
0xb0: {  	[tilespmem:v7+s31+$0x0] =	vst.idx.add.f32.msk $0xffff, v6  }
0xb1: {  	_ =	swait.ge [sflag:s8], $0x2800  }
0xb2: {  	[sflag:s8] =	ssyncset.done $0x0  }
0xb3: {  	[sflag:s8] =	ssyncadd.s32 $0xFFFFD800  }
0xb4: {  	[spmem:s2] =	stream.indirect.scatter.add.f32 [tilespmem:s29], [sflag:$0x5], $0x80, s28, s26, $0xb8;
	[tilespmem:$0x1DB00] =	vst v63  }
0xb5: {  	_ =	swait.ge [sflag:s23], $0x2800  }
0xb6: {  	[sflag:s23] =	ssyncset.done $0x0  }
0xb7: {  	[sflag:s23] =	ssyncadd.s32 $0xFFFFD800  }
0xb8: {  	[tilespmem:s25], [sflag:$0x3] =	stream.linear.gather [hbm4b:s17+s5], $0x50, $0x38;
	[tilespmem:$0x1DB00] =	vst v63  }
0xb9: {  	s10 =	simm.s32 $0x26C0  }
0xba: {  	[tilespmem:s24], [sflag:$0x1] =	stream.indirect.gather [hbm4b:s0+s26], $0x80, s10, s26, $0xb8;
	[tilespmem:$0x1DB00] =	vst v63  }
0xbb: {  	_ =	swait.ge [sflag:s30], $0x50  }
0xbc: {  	[sflag:s30] =	ssyncset.done $0x0  }
0xbd: {  	[sflag:s30] =	ssyncadd.s32 $0xFFFFFFB0  }
0xbe: {  	v7 =	vld [tilespmem:$0x2710];
	_ =	sdelay $0x7  }
0xbf: {  	[tilespmem:v7+s31+$0x0] =	vst.idx.add.f32.msk $0xffff, v6  }
0xc0: {  	v7 =	vld [tilespmem:$0x2720];
	_ =	sdelay $0x7  }
0xc1: {  	[tilespmem:v7+s31+$0x0] =	vst.idx.add.f32.msk $0xffff, v6  }
0xc2: {  	v7 =	vld [tilespmem:$0x2730];
	_ =	sdelay $0x7  }
0xc3: {  	[tilespmem:v7+s31+$0x0] =	vst.idx.add.f32.msk $0xffff, v6  }
0xc4: {  	v7 =	vld [tilespmem:$0x2740];
	_ =	sdelay $0x7  }
0xc5: {  	[tilespmem:v7+s31+$0x0] =	vst.idx.add.f32.msk $0xffff, v6  }
0xc6: {  	v7 =	vld [tilespmem:$0x2750];
	_ =	sdelay $0x7  }
0xc7: {  	[tilespmem:v7+s31+$0x0] =	vst.idx.add.f32.msk $0xffff, v6  }
0xc8: {  	_ =	swait.ge [sflag:s3], $0x2800  }
0xc9: {  	[sflag:s3] =	ssyncset.done $0x0  }
0xca: {  	[sflag:s3] =	ssyncadd.s32 $0xFFFFD800  }
0xcb: {  	[spmem:s2] =	stream.indirect.scatter.add.f32 [tilespmem:s24], [sflag:$0x5], $0x80, s25, s26, $0xb8;
	[tilespmem:$0x1DB00] =	vst v63  }
0xcc: {  	_ =	swait.ge [sflag:s23], $0x2800  }
0xcd: {  	[sflag:s23] =	ssyncset.done $0x0  }
0xce: {  	s12 =	simm.s32 $0x9FB0;
	[sflag:s23] =	ssyncadd.s32 $0xFFFFD800  }
0xcf: {  	[spmem:s4] =	stream.indirect.scatter.add.f32 [tilespmem:s31], [sflag:$0x5], $0x80, s12, s26, $0xb8;
	[tilespmem:$0x1DB00] =	vst v63  }
0xd0: {  	_ =	swait.ge [sflag:s23], $0x2800  }
0xd1: {  	s13 =	stileid.u32;
	[sflag:s23] =	ssyncset.done $0x0  }
0xd2: {  	s10 =	sshll.u32 s13, $0x6;
	[sflag:s23] =	ssyncadd.s32 $0xFFFFD800  }
0xd3: {  	s11 =	sshrl.u32 s7, $0x3;
	s10 =	sor.u32 $0x1C05, s10;
	[bflag:$0x0] =	sbarrier.arrive $0xFFFF  }
0xd4: {  	[hbm:s18], [sflag:s10] =	dma.local [spmem:s11], $0x2710  }
0xd5: {  	_ =	swait.ge [sflag:s23], $0x2710  }
0xd6: {  	s9 =	sadd.s32 $0x1, s9;
	[sflag:s23] =	ssyncset.done $0x0  }
0xd7: {  	p1 =	sne.s32 s9, s20;
	s11 =	sshrl.u32 @!p0 s4, $0x3;
	[sflag:s23] =	ssyncadd.s32 $0xFFFFD8F0  }
0xd8: {  	[hbm:s19], [sflag:s10] =	dma.local @!p0 [spmem:s11], $0x500  }
.Ltmp3:
0xd9: {  	_ = 	snop;
	(pc) =	sbr.rel @p1 .LBB2_1-.Ltmp3, $4  }
0xda: {  	s10 =	simm.s32 @!p0 $0x5  }
0xdb: {  	_ =	swait.ge @!p0 [sflag:s10], $0x500  }
0xdc: {  	[sflag:s10] =	ssyncset.done @!p0 $0x0  }
0xdd: {  	[sflag:s10] =	ssyncadd.s32 @!p0 $0xFFFFFB00  }
0xde: {  	_ =	sfence.sel $0x180000  }
0xdf: {  	[bflag:$0x0] =	sbarrier.arrive $0xFFFF  }
0xe0: {  	_ =	strace $0x90000047  }
0xe1: {  	[bflag:$0x2] =	sbarrier.arrive $0xFFFF  }
0xe2: {  	s0 =	rddreg [dreg:$0x5]  }
0xe3: {  	s0 =	sadd.s32 @!p0 $0x100000, s0  }
0xe4: {  	[sflag:s0] =	ssyncadd.tile.s32 @!p0 $0x1;
	_ =	shalt  }
.Lfunc_end2:
_tile_overlayer_lowered:
.L_overlay_start_2:
0xe5: {  	(tag) =	ssettag $0x2  }
0xe6: {  	s0 =	rddreg [dreg:$0x0];
	s2 =	stileid.u32  }
0xe7: {  	s1 =	rddreg [dreg:$0x1];
	p0 =	sne.s32 s2, $0x0  }
0xe8: {  	s3 =	rddreg [dreg:$0x2];
	[bflag:$0x3] =	sbarrier.arrive $0xFFFF;
	s2 =	simm.s32 @!p0 $0x1C05  }
0xe9: {  	[timem:s3], [sflag:s2] =	dma.local @!p0 [hbm:s0], s1  }
0xea: {  	s0 =	simm.s32 @!p0 $0x5  }
0xeb: {  	_ =	swait.ge @!p0 [sflag:s0], s1  }
0xec: {  	s1 =	ssub.s32 @!p0 $0x0, s1;
	[sflag:s0] =	ssyncset.done @!p0 $0x0  }
0xed: {  	[sflag:s0] =	ssyncadd.s32 @!p0 s1  }
0xee: {  	[bflag:$0x3] =	sbarrier.arrive $0xFFFF  }
0xef: {  	_ =	shalt  }

// kernel: kernel.9.cloned.1.call-start
scs
__scs_entry_jumppad:
0x0: {  	(pc) =	sbr.rel $0x88, $3  }
0x1: {  	(tag) =	ssettag $0x0;
	lr =	simm.s32 $0x1  }
0x2: {  	[smem:$0x3F99] =	sst lr;
	_ =	strace $0xD0000000  }
0x3: {  	_ = 	snop  }
0x4: {  	_ = 	snop  }
0x5: {  	_ = 	snop  }
0x6: {  	_ = 	snop  }
0x7: {  	_ = 	snop  }
__scs_overlays_trampoline_lowered:
0x8: {  	[smem:$0x3FA8] =	sst s0  }
0x9: {  	[smem:$0x3FA9] =	sst s1  }
0xa: {  	[smem:$0x3FAA] =	sst s2  }
0xb: {  	[smem:$0x3FAB] =	sst s3  }
0xc: {  	[smem:$0x3FAC] =	sst s4  }
0xd: {  	[smem:$0x3FAD] =	sst s5  }
0xe: {  	[smem:$0x3FAE] =	sst s6  }
0xf: {  	[smem:$0x3FAF] =	sst s7  }
0x10: {  	[smem:$0x3FB0] =	sst s8  }
0x11: {  	[smem:$0x3FB1] =	sst s9;
	s0 =	simm.s32 @!p0 $0x0  }
0x12: {  	s1 =	sld [smem:$0x3F97];
	s0 =	simm.s32 @p0 $0x1  }
0x13: {  	[smem:$0x3FB2] =	sst s0;
	s0 =	simm.s32 @!p1 $0x0  }
0x14: {  	s2 =	sld [smem:$0x3F96];
	s0 =	simm.s32 @p1 $0x1  }
0x15: {  	[smem:$0x3FB3] =	sst s0;
	s0 =	simm.s32 @!p2 $0x0  }
0x16: {  	s3 =	sld [smem:$0x3FDB];
	s0 =	simm.s32 @p2 $0x1  }
0x17: {  	s4 =	simm.s32 $0x1BF5;
	[smem:$0x3FB5] =	sst s0  }
0x18: {  	s0 =	sld [smem:$0x3F98];
	_ =	swait.ge [sflag:s4], $0x0  }
0x19: {  	s7 =	sld [smem:$0x3F99]  }
0x1a: {  	s8 =	sadd.s32 $0xFFFFE003, lr  }
0x1b: {  	s9 =	sadd.s32 $0xFFFFFEF7, lr;
	s5 =	simm.s32 $0xFFFFFFFF;
	p2 =	slt.u32 s8, $0xFFFFF086  }
0x1c: {  	p1 =	slt.u32 s9, $0xF7A;
	s5 =	simm.s32 @!p2 $0x0  }
0x1d: {  	s5 =	simm.s32 @p1 $0x1;
	p0 =	seq.s32 s7, s2  }
0x1e: {  	s7 =	smul.u32 @!p0 $0xF7A, s2;
	p2 =	seq.s32 @!p0 s5, $0x0  }
0x1f: {  	s9 =	smul.u32 $0xF7A, s1;
	s8 =	simm.s32 @!p0 $0x1BF5;
	p2 =	por !p2, p0  }
0x20: {  	[sflag:s8] =	ssyncset.s32 @!p0 $0xFFFFF086;
	s6 =	sadd.s32 @!p0 s3, s7;
	s7 =	simm.s32 @!p0 $0x108  }
0x21: {  	s3 =	sadd.s32 s3, s9;
	s6 =	sadd.s32 @!p0 $0x88, s6;
	s7 =	simm.s32 @p2 $0x1082  }
0x22: {  	[simem:s7], [sflag:s8] =	dma.local @!p0 [hbm:s6], $0xF7A  }
0x23: {  	s9 =	sor.u32 $0xD0000000, s2;
	s6 =	simm.s32 $0x108;
	_ =	swait.ge @!p0 [sflag:s8], $0x0  }
0x24: {  	s3 =	sadd.s32 $0x88, s3;
	s6 =	simm.s32 @!p1 $0x1082;
	[sflag:s4] =	ssyncset.s32 $0xFFFFF086  }
0x25: {  	[simem:s6], [sflag:s4] =	dma.local [hbm:s3], $0xF7A  }
0x26: {  	[smem:$0x3F99] =	sst s1;
	(tag) =	ssettag s2;
	_ =	strace s9  }
0x27: {  	s1 =	sld [smem:$0x3FA9]  }
0x28: {  	s2 =	sld [smem:$0x3FAA]  }
0x29: {  	s4 =	sld [smem:$0x3FAC]  }
0x2a: {  	p0 =	seq.s32 s5, $0x0;
	s5 =	sld [smem:$0x3FAD]  }
0x2b: {  	s6 =	sld [smem:$0x3FAE]  }
0x2c: {  	s7 =	sld [smem:$0x3FAF]  }
0x2d: {  	s3 =	simm.s32 $0x108;
	s8 =	sld [smem:$0x3FB0]  }
0x2e: {  	s3 =	simm.s32 @!p0 $0x1082;
	s9 =	sld [smem:$0x3FB1]  }
0x2f: {  	lr =	sadd.s32 s0, s3;
	s0 =	sld [smem:$0x3FA8]  }
0x30: {  	s3 =	sld [smem:$0x3FAB]  }
0x31: {  	[smem:$0x3FB4] =	sst s10  }
0x32: {  	s10 =	sld [smem:$0x3FB2];
	_ =	sdelay $0x3  }
0x33: {  	p0 =	seq.s32 s10, $0x1;
	s10 =	sld [smem:$0x3FB4];
	_ =	sdelay $0x3  }
0x34: {  	[smem:$0x3FB4] =	sst s10  }
0x35: {  	s10 =	sld [smem:$0x3FB3];
	_ =	sdelay $0x3  }
0x36: {  	p1 =	seq.s32 s10, $0x1;
	s10 =	sld [smem:$0x3FB4];
	_ =	sdelay $0x3  }
0x37: {  	[smem:$0x3FB4] =	sst s10  }
0x38: {  	s10 =	sld [smem:$0x3FB5]  }
0x39: {  	_ = 	snop;
	(pc) =	sbr.ind lr, $3  }
0x3a: {  	_ = 	snop  }
0x3b: {  	_ = 	snop  }
0x3c: {  	p2 =	seq.s32 s10, $0x1;
	s10 =	sld [smem:$0x3FB4]  }
0x3d: {  	_ =	shalt  }
0x3e: {  	_ =	shalt  }
0x3f: {  	_ =	shalt  }
0x40: {  	_ =	shalt  }
0x41: {  	_ =	shalt  }
0x42: {  	_ =	shalt  }
0x43: {  	_ =	shalt  }
0x44: {  	_ =	shalt  }
0x45: {  	_ =	shalt  }
0x46: {  	_ =	shalt  }
0x47: {  	_ =	shalt  }
0x48: {  	_ =	shalt  }
0x49: {  	_ =	shalt  }
0x4a: {  	_ =	shalt  }
0x4b: {  	_ =	shalt  }
0x4c: {  	_ =	shalt  }
0x4d: {  	_ =	shalt  }
0x4e: {  	_ =	shalt  }
0x4f: {  	_ =	shalt  }
0x50: {  	_ =	shalt  }
0x51: {  	_ =	shalt  }
0x52: {  	_ =	shalt  }
0x53: {  	_ =	shalt  }
0x54: {  	_ =	shalt  }
0x55: {  	_ =	shalt  }
0x56: {  	_ =	shalt  }
0x57: {  	_ =	shalt  }
0x58: {  	_ =	shalt  }
0x59: {  	_ =	shalt  }
0x5a: {  	_ =	shalt  }
0x5b: {  	_ =	shalt  }
0x5c: {  	_ =	shalt  }
0x5d: {  	_ =	shalt  }
0x5e: {  	_ =	shalt  }
0x5f: {  	_ =	shalt  }
0x60: {  	_ =	shalt  }
0x61: {  	_ =	shalt  }
0x62: {  	_ =	shalt  }
0x63: {  	_ =	shalt  }
0x64: {  	_ =	shalt  }
0x65: {  	_ =	shalt  }
0x66: {  	_ =	shalt  }
0x67: {  	_ =	shalt  }
0x68: {  	_ =	shalt  }
0x69: {  	_ =	shalt  }
0x6a: {  	_ =	shalt  }
0x6b: {  	_ =	shalt  }
0x6c: {  	_ =	shalt  }
0x6d: {  	_ =	shalt  }
0x6e: {  	_ =	shalt  }
0x6f: {  	_ =	shalt  }
0x70: {  	_ =	shalt  }
0x71: {  	_ =	shalt  }
0x72: {  	_ =	shalt  }
0x73: {  	_ =	shalt  }
0x74: {  	_ =	shalt  }
0x75: {  	_ =	shalt  }
0x76: {  	_ =	shalt  }
0x77: {  	_ =	shalt  }
0x78: {  	_ =	shalt  }
0x79: {  	_ =	shalt  }
0x7a: {  	_ =	shalt  }
0x7b: {  	_ =	shalt  }
0x7c: {  	_ =	shalt  }
0x7d: {  	_ =	shalt  }
0x7e: {  	_ =	shalt  }
0x7f: {  	_ =	shalt  }
0x80: {  	_ =	shalt  }
0x81: {  	_ =	shalt  }
0x82: {  	_ =	shalt  }
0x83: {  	_ =	shalt  }
0x84: {  	_ =	shalt  }
0x85: {  	_ =	shalt  }
0x86: {  	_ =	shalt  }
0x87: {  	_ =	shalt  }
.Lfunc_end0:
.L_simem_size_0:
called_computation.1_lowered:
.L_overlay_start_0:
0x88: {  	s2 =	sld [smem:$0x3FD9]  }
0x89: {  	s3 =	sld [smem:$0x3FFE];
	_ =	sdelay $0x1  }
0x8a: {  	s1 =	srdreg.scid  }
0x8b: {  	s0 =	sand.u32 $0x1, s1  }
0x8c: {  	s16 =	sshll.u32 s0, $0xA;
	s2 =	sadd.s32 s3, s2  }
0x8d: {  	s2 =	sadd.s32 s2, s16  }
0x8e: {  	[smem:$0x3FC0] =	sst s2  }
0x8f: {  	_ = 	snop  }
0x90: {  	(tm) =	ssettm $0x1  }
0x91: {  	s17 =	sld [smem:$0x3FFB];
	_ =	sdelay $0x3  }
0x92: {  	_ =	strace s17  }
0x93: {  	s2 =	sld [smem:$0x3FFC];
	_ =	sdelay $0x3  }
0x94: {  	_ =	strace s2  }
0x95: {  	s2 =	sld [smem:$0x3FFD];
	_ =	sdelay $0x3  }
0x96: {  	_ =	strace s2  }
0x97: {  	_ =	strace $0x8FFFFFFF  }
0x98: {  	s18 =	sld [smem:$0x3FDB];
	_ =	sdelay $0x1  }
0x99: {  	s19 =	simm.s32 $_scs_section_size  }
0x9a: {  	s4 =	simm.s32 $_size__tile_overlayer_lowered;
	s5 =	simm.s32 $_tile_overlayer_lowered  }
0x9b: {  	s22 =	simm.s32 $0x1BFF;
	s21 =	sshll.u32 s5, $0x1;
	s2 =	sadd.s32 s19, s18  }
0x9c: {  	s6 =	simm.s32 $0x0;
	s20 =	sshll.u32 s4, $0x1;
	s4 =	sadd.s32 s21, s2  }
0x9d: {  	[timem:s6], [sflag:s22] =	dma.local [hbm:s4], s20  }
0x9e: {  	_ =	swait.ge [sflag:s22], s20  }
0x9f: {  	s3 =	ssub.s32 $0x0, s20;
	[sflag:s22] =	ssyncset.done $0x0  }
0xa0: {  	[sflag:s22] =	ssyncadd.s32 s3;
	_ =	sdelay $0x1  }
0xa1: {  	s23 =	simm.s32 $0x1B8B  }
0xa2: {  	_ =	swait.ge [sflag:s23], $0x1  }
0xa3: {  	[sflag:s23] =	ssyncset.done $0x0  }
0xa4: {  	s25 =	simm.s32 $0x1B8E;
	s24 =	sld [smem:$0x3FFE];
	[sflag:s23] =	ssyncadd.s32 $0xFFFFFFFF  }
0xa5: {  	s26 =	simm.s32 $execute0_lowered;
	[smem:$0x3FD2] =	sst s25  }
0xa6: {  	s4 =	sshll.u32 s26, $0x1;
	_ =	strace $0x80000049;
	[dreg:$0x1] =	wrdreg $0xFFFFFFFF  }
0xa7: {  	s28 =	simm.s32 $_size_execute0_lowered;
	s2 =	sadd.s32 s2, s4;
	[dreg:$0x0] =	wrdreg $0x0  }
0xa8: {  	s4 =	sshll.u32 s28, $0x1;
	[dreg:$0x2] =	wrdreg s2  }
0xa9: {  	[dreg:$0x3] =	wrdreg s4  }
0xaa: {  	[dreg:$0x4] =	wrdreg $0xC0  }
0xab: {  	_ =	task [dreg:s6], $0x5FFFF  }
0xac: {  	[dreg:$0x1] =	wrdreg $0xFFFFFFFF  }
0xad: {  	[dreg:$0x0] =	wrdreg $0x60  }
0xae: {  	[dreg:$0x2] =	wrdreg s24  }
0xaf: {  	[dreg:$0x3] =	wrdreg $0x64500  }
0xb0: {  	[dreg:$0x4] =	wrdreg $0x9  }
0xb1: {  	_ =	task.clear_ibuf [dreg:s6], $0x5FFFF;
	_ =	strace $0x90000049  }
0xb2: {  	s29 =	simm.s32 $0x9;
	_ =	strace $0x8000004B  }
0xb3: {  	_ =	swait.ge [sflag:s29], $0x1  }
0xb4: {  	[sflag:s29] =	ssyncadd.s32 $0xFFFFFFFF  }
0xb5: {  	_ =	strace $0x9000004B  }
0xb6: {  	_ =	sfence  }
0xb7: {  	s30 =	sld [smem:$0x0];
	_ =	sdelay $0x2  }
0xb8: {  	s31 =	sshll.u32 s1, $0xD;
	s1 =	sshrl.u32 s1, $0x2  }
0xb9: {  	s3 =	sand.u32 $0x4000, s31;
	s1 =	sadd.s32 s1, s30  }
0xba: {  	s0 =	sor.u32 s3, s0;
	s1 =	sshll.u32 s1, $0x11  }
0xbb: {  	s0 =	sor.u32 s1, s0  }
0xbc: {  	s0 =	sadd.s32 $0x8F2B, s0  }
0xbd: {  	[sflag:s0] =	ssyncadd.remote.s32 $0x1  }
0xbe: {  	_ =	sfence.sel $0xFFFF  }
0xbf: {  	[dreg:$0x0] =	wrdreg $0xFFFFFFFF;
	(pc) =	sbr.abs _section_cstart, $3  }
0xc0: {  	[dreg:$0x1] =	wrdreg $0xFFFFFFFF  }
0xc1: {  	_ =	task.clear_ibuf [dreg:s6], $0x2FFFF;
	_ =	strace $0x9FFFFFFF  }
0xc2: {  	(tm) =	ssettm $0x7FFFFFFF  }
0xc3: {  	_ =	shalt  }
tec
execute0_lowered:
.L_overlay_start_1:
0x0: {  	(tag) =	ssettag $0x1  }
0x1: {  	s0 =	rddreg [dreg:$0x0]  }
0x2: {  	s2 =	rddreg [dreg:$0x1];
	s1 =	srdreg.scid  }
0x3: {  	s11 =	stileid.u32;
	s3 =	simm.s32 $0x0;
	s28 =	simm.s32 $0x27B0  }
0x4: {  	s30 =	simm.s32 $0x4650;
	s31 =	simm.s32 $0x2800;
	s6 =	smul.u32 $0x7530, s11  }
0x5: {  	s29 =	simm.s32 $0x5;
	s1 =	sand.u32 $0x1, s1;
	s10 =	smul.u32 $0x1D4C0, s11  }
0x6: {  	[smem:$0x7FF] =	sst s3;
	s7 =	sshll.u32 s11, $0x1;
	s23 =	smul.u32 $0x4E20, s11  }
0x7: {  	s4 =	sadd.s32 $0x15C00, s0;
	s5 =	smul.u32 $0x75300, s1;
	s7 =	sor.u32 s1, s7  }
0x8: {  	s8 =	sadd.s32 $0x2200, s0;
	s11 =	simm.s32 $0x8;
	s7 =	smul.u32 $0x2710, s7  }
0x9: {  	_ =	strace $0x8000004A;
	s9 =	ssub.s32 $0x2, s1;
	s5 =	sadd.s32 s6, s5  }
0xa: {  	s22 =	sshrl.u32 s10, $0x2;
	s5 =	sshrl.u32 s5, $0x3;
	s7 =	sshrl.u32 s7, $0x3  }
0xb: {  	s0 =	sadd.s32 s5, s0;
	s5 =	sadd.s32 s8, s7;
	s7 =	sadd.s32 s22, s2  }
0xc: {  	s1 =	smul.u32 $0x2710, s1;
	s21 =	sshrl.u32 s9, $0x1;
	s24 =	sadd.s32 $0xF00, s7  }
0xd: {  	s9 =	ssub.s32 s9, s21;
	s25 =	sadd.s32 $0x1E00, s7;
	[dreg:$0x7] =	wrdreg s24  }
0xe: {  	s6 =	sadd.s32 s6, s2;
	s26 =	sadd.s32 $0x2D00, s7;
	[dreg:$0x8] =	wrdreg s25  }
0xf: {  	s1 =	sadd.s32 s1, s23;
	s12 =	sadd.s32 $0x3C00, s7;
	[dreg:$0x9] =	wrdreg s26  }
0x10: {  	s17 =	sadd.s32 $0x4E430, s1;
	s13 =	sadd.s32 $0x4B00, s7;
	[dreg:$0xa] =	wrdreg s12  }
0x11: {  	s21 =	sadd.s32 $0x4E3E0, s1;
	s14 =	sadd.s32 $0x5A00, s7;
	[dreg:$0xb] =	wrdreg s13  }
0x12: {  	s23 =	sadd.s32 $0x4E390, s1;
	s7 =	sadd.s32 $0x6900, s7;
	[dreg:$0xc] =	wrdreg s14  }
0x13: {  	s1 =	sadd.s32 $0x4E340, s1;
	s15 =	sadd.s32 $0x9C40, s5;
	[dreg:$0xd] =	wrdreg s7  }
0x14: {  	s22 =	sshrl.u32 s21, $0x3;
	s16 =	sadd.s32 $0x9C4A, s5;
	[dreg:$0xe] =	wrdreg s15  }
0x15: {  	s10 =	sshrl.u32 s23, $0x3;
	s18 =	sadd.s32 $0x9C54, s5;
	[dreg:$0xf] =	wrdreg s16  }
0x16: {  	s1 =	sshrl.u32 s1, $0x3;
	s19 =	sadd.s32 $0x9C5E, s5;
	[dreg:$0x10] =	wrdreg s18  }
0x17: {  	s21 =	simm.s32 $0x9;
	s20 =	sadd.s32 $0xA118, s5;
	[dreg:$0x11] =	wrdreg s19  }
0x18: {  	s23 =	simm.s32 $0x2710;
	s0 =	sadd.s32 $0x24800, s0;
	[dreg:$0x12] =	wrdreg s20  }
0x19: {  	s7 =	sshrl.u32 s17, $0x3;
	s24 =	sadd.s32 s10, s8;
	[dreg:$0x13] =	wrdreg s0  }
0x1a: {  	s25 =	sadd.s32 s1, s8;
	s26 =	smax.u32 s9, $0x1;
	s1 =	simm.s32 $0x5550  }
0x1b: {  	s0 =	simm.s32 $0x1;
	s9 =	simm.s32 $0x7;
	[dreg:$0x5] =	wrdreg s24  }
0x1c: {  	s10 =	simm.s32 $0x3;
	s12 =	simm.s32 $0x4;
	[dreg:$0x14] =	wrdreg s26  }
0x1d: {  	s13 =	simm.s32 $0x0;
	s7 =	sadd.s32 s7, s8;
	[dreg:$0x6] =	wrdreg s25  }
0x1e: {  	s24 =	simm.s32 $0x50;
	s25 =	simm.s32 $0x2760;
	s26 =	simm.s32 $0x3750  }
0x1f: {  	[dreg:$0x3] =	wrdreg s7;
	s7 =	sadd.s32 s22, s8;
	s22 =	simm.s32 $0x2850  }
0x20: {  	v0 =	vimm.f32 $0.0e+00;
	s8 =	simm.s32 $0x2;
	[dreg:$0x4] =	wrdreg s7;
	s7 =	simm.s32 $0x6  }
.LBB2_1:
0x21: {  	s14 =	smul.u32 $0xAB, s3  }
0x22: {  	[tilespmem:s3], [sflag:$0x9] =	stream.linear.gather [hbm4b:s5+s3], $0x2710, $0x38;
	[tilespmem:$0xD980] =	vst v63  }
0x23: {  	s14 =	sshrl.u32 s14, $0x9  }
0x24: {  	s15 =	sand.u32 $0x7F, s14  }
0x25: {  	s14 =	simm.s32 $0x1;
	s16 =	smul.u32 $0x3, s15  }
0x26: {  	_ =	swait.ge [sflag:s21], $0x2710;
	s17 =	smul.u32 $0xAB, s14  }
0x27: {  	[sflag:s21] =	ssyncset.done $0x0;
	s19 =	smul.u32 $0xC0, s15;
	s16 =	ssub.s32 $0x0, s16  }
0x28: {  	[sflag:s21] =	ssyncadd.s32 $0xFFFFD8F0;
	s15 =	simm.s32 $0x2;
	s20 =	sand.u32 $0xFF, s16  }
0x29: {  	s18 =	sshrl.u32 s17, $0x9;
	s16 =	sshrl.u32 s19, $0x2;
	s17 =	sshll.u32 s20, $0x4  }
.LBB2_2:
0x2a: {  	s19 =	smul.u32 $0xAB, s15;
	s18 =	sand.u32 $0x7F, s18  }
0x2b: {  	s16 =	sadd.s32 s17, s16;
	p0 =	sne.s32 s15, $0xEF;
	s17 =	smul.u32 $0x3, s18  }
.Ltmp0:
0x2c: {  	[tilespmem:s16+$0x2850] =	vst v0;
	(pc) =	sbr.rel @p0 .LBB2_2-.Ltmp0, $4  }
0x2d: {  	s16 =	smul.u32 $0xC0, s18;
	s18 =	smov.u32 s15  }
0x2e: {  	s15 =	sadd.s32 $0x1, s15;
	s14 =	ssub.s32 s14, s17  }
0x2f: {  	s17 =	sand.u32 $0xFF, s14;
	s14 =	smov.u32 s18  }
0x30: {  	s16 =	sshrl.u32 s16, $0x2;
	s18 =	sshrl.u32 s19, $0x9;
	s17 =	sshll.u32 s17, $0x4  }
0x31: {  	s15 =	sand.u32 $0x7F, s18  }
0x32: {  	s18 =	smul.u32 $0x3, s15;
	_ =	sdelay $0x1  }
0x33: {  	s15 =	smul.u32 $0xC0, s15;
	s14 =	ssub.s32 s14, s18  }
0x34: {  	s14 =	sand.u32 $0xFF, s14  }
0x35: {  	s16 =	sadd.s32 s17, s16;
	s15 =	sshrl.u32 s15, $0x2;
	s14 =	sshll.u32 s14, $0x4  }
0x36: {  	[tilespmem:s16+$0x2850] =	vst v0;
	s14 =	sadd.s32 s14, s15  }
0x37: {  	[tilespmem:s14+$0x2850] =	vst v0  }
0x38: {  	[spmem:s6] =	stream.linear.scatter [tilespmem:s22], [sflag:$0x9], $0xF00, $0x38;
	[tilespmem:$0xD980] =	vst v63  }
0x39: {  	_ =	swait.ge [sflag:s21], $0xF00  }
0x3a: {  	[sflag:s21] =	ssyncset.done $0x0  }
0x3b: {  	s18 =	rddreg [dreg:$0x7];
	[sflag:s21] =	ssyncadd.s32 $0xFFFFF100  }
0x3c: {  	[spmem:s18] =	stream.linear.scatter [tilespmem:s22], [sflag:$0x9], $0xF00, $0x38;
	[tilespmem:$0xD980] =	vst v63  }
0x3d: {  	_ =	swait.ge [sflag:s21], $0xF00  }
0x3e: {  	[sflag:s21] =	ssyncset.done $0x0  }
0x3f: {  	s19 =	rddreg [dreg:$0x8];
	[sflag:s21] =	ssyncadd.s32 $0xFFFFF100  }
0x40: {  	[spmem:s19] =	stream.linear.scatter [tilespmem:s22], [sflag:$0x9], $0xF00, $0x38;
	[tilespmem:$0xD980] =	vst v63  }
0x41: {  	_ =	swait.ge [sflag:s21], $0xF00  }
0x42: {  	[sflag:s21] =	ssyncset.done $0x0  }
0x43: {  	s20 =	rddreg [dreg:$0x9];
	[sflag:s21] =	ssyncadd.s32 $0xFFFFF100  }
0x44: {  	[spmem:s20] =	stream.linear.scatter [tilespmem:s22], [sflag:$0x9], $0xF00, $0x38;
	[tilespmem:$0xD980] =	vst v63  }
0x45: {  	_ =	swait.ge [sflag:s21], $0xF00  }
0x46: {  	[sflag:s21] =	ssyncset.done $0x0  }
0x47: {  	s15 =	rddreg [dreg:$0xa];
	[sflag:s21] =	ssyncadd.s32 $0xFFFFF100  }
0x48: {  	[spmem:s15] =	stream.linear.scatter [tilespmem:s22], [sflag:$0x9], $0xF00, $0x38;
	[tilespmem:$0xD980] =	vst v63  }
0x49: {  	_ =	swait.ge [sflag:s21], $0xF00  }
0x4a: {  	[sflag:s21] =	ssyncset.done $0x0  }
0x4b: {  	s16 =	rddreg [dreg:$0xb];
	[sflag:s21] =	ssyncadd.s32 $0xFFFFF100  }
0x4c: {  	[spmem:s16] =	stream.linear.scatter [tilespmem:s22], [sflag:$0x9], $0xF00, $0x38;
	[tilespmem:$0xD980] =	vst v63  }
0x4d: {  	_ =	swait.ge [sflag:s21], $0xF00  }
0x4e: {  	[sflag:s21] =	ssyncset.done $0x0  }
0x4f: {  	s17 =	rddreg [dreg:$0xc];
	[sflag:s21] =	ssyncadd.s32 $0xFFFFF100  }
0x50: {  	[spmem:s17] =	stream.linear.scatter [tilespmem:s22], [sflag:$0x9], $0xF00, $0x38;
	[tilespmem:$0xD980] =	vst v63  }
0x51: {  	_ =	swait.ge [sflag:s21], $0xF00  }
0x52: {  	[sflag:s21] =	ssyncset.done $0x0  }
0x53: {  	s18 =	rddreg [dreg:$0xd];
	[sflag:s21] =	ssyncadd.s32 $0xFFFFF100  }
0x54: {  	[spmem:s18] =	stream.linear.scatter [tilespmem:s22], [sflag:$0x9], $0xC30, $0x38;
	[tilespmem:$0xD980] =	vst v63  }
0x55: {  	_ =	swait.ge [sflag:s21], $0xC30  }
0x56: {  	[sflag:s21] =	ssyncset.done $0x0  }
0x57: {  	[sflag:s21] =	ssyncadd.s32 $0xFFFFF3D0  }
0x58: {  	[bflag:$0x0] =	sbarrier.arrive $0xFFFF  }
0x59: {  	s14 =	simm.s32 $0x0;
	s19 =	rddreg [dreg:$0xe]  }
0x5a: {  	[tilespmem:s23], [sflag:$0x5] =	stream.linear.gather [hbm4b:s19+s14], $0x50, $0x38;
	[tilespmem:$0xD980] =	vst v63  }
0x5b: {  	_ = 	snop  }
0x5c: {  	[tilespmem:s22], [sflag:$0x1] =	stream.indirect.gather [hbm4b:s4+s24], $0x30, s14, s24, $0xb8;
	[tilespmem:$0xD980] =	vst v63  }
0x5d: {  	s20 =	rddreg [dreg:$0xf]  }
0x5e: {  	[tilespmem:s25], [sflag:$0x6] =	stream.linear.gather [hbm4b:s20+s14], $0x50, $0x38;
	[tilespmem:$0xD980] =	vst v63  }
0x5f: {  	_ = 	snop  }
0x60: {  	[tilespmem:s26], [sflag:$0x2] =	stream.indirect.gather [hbm4b:s4+s24], $0x30, s24, s24, $0xb8;
	[tilespmem:$0xD980] =	vst v63  }
0x61: {  	s16 =	rddreg [dreg:$0x10]  }
0x62: {  	[tilespmem:s28], [sflag:$0x7] =	stream.linear.gather [hbm4b:s16+s14], $0x50, $0x38;
	[tilespmem:$0xD980] =	vst v63  }
0x63: {  	s17 =	simm.s32 $0xA0  }
0x64: {  	[tilespmem:s30], [sflag:$0x3] =	stream.indirect.gather [hbm4b:s4+s24], $0x30, s17, s24, $0xb8;
	[tilespmem:$0xD980] =	vst v63  }
0x65: {  	s18 =	rddreg [dreg:$0x11]  }
0x66: {  	[tilespmem:s31], [sflag:$0x8] =	stream.linear.gather [hbm4b:s18+s14], $0x50, $0x38;
	[tilespmem:$0xD980] =	vst v63  }
0x67: {  	s19 =	simm.s32 $0xF0  }
0x68: {  	[tilespmem:s1], [sflag:$0x4] =	stream.indirect.gather [hbm4b:s4+s24], $0x30, s19, s24, $0xb8;
	[tilespmem:$0xD980] =	vst v63  }
0x69: {  	_ =	swait.ge [sflag:s29], $0x50  }
0x6a: {  	[sflag:s29] =	ssyncset.done $0x0  }
0x6b: {  	[sflag:s29] =	ssyncadd.s32 $0xFFFFFFB0  }
0x6c: {  	_ =	swait.ge [sflag:s0], $0xF00  }
0x6d: {  	[sflag:s0] =	ssyncset.done $0x0  }
0x6e: {  	[sflag:s0] =	ssyncadd.s32 $0xFFFFF100  }
0x6f: {  	[spmem:s2] =	stream.indirect.scatter.add.f32 [tilespmem:s22], [sflag:$0x9], $0x30, s23, s24, $0xb8;
	[tilespmem:$0xD980] =	vst v63  }
0x70: {  	_ =	swait.ge [sflag:s21], $0xF00  }
0x71: {  	s20 =	rddreg [dreg:$0x6];
	[sflag:s21] =	ssyncset.done $0x0  }
0x72: {  	[sflag:s21] =	ssyncadd.s32 $0xFFFFF100;
	s14 =	sadd.s32 $0x0, s20  }
0x73: {  	[tilespmem:s23], [sflag:$0x5] =	stream.linear.gather [hbm4b:s14+s3], $0x50, $0x38;
	[tilespmem:$0xD980] =	vst v63  }
0x74: {  	s15 =	simm.s32 $0x140  }
0x75: {  	[tilespmem:s22], [sflag:$0x1] =	stream.indirect.gather [hbm4b:s4+s24], $0x30, s15, s24, $0xb8;
	[tilespmem:$0xD980] =	vst v63  }
0x76: {  	_ =	swait.ge [sflag:s7], $0x50  }
0x77: {  	[sflag:s7] =	ssyncset.done $0x0  }
0x78: {  	[sflag:s7] =	ssyncadd.s32 $0xFFFFFFB0  }
0x79: {  	_ =	swait.ge [sflag:s8], $0xF00  }
0x7a: {  	[sflag:s8] =	ssyncset.done $0x0  }
0x7b: {  	[sflag:s8] =	ssyncadd.s32 $0xFFFFF100  }
0x7c: {  	[spmem:s2] =	stream.indirect.scatter.add.f32 [tilespmem:s26], [sflag:$0x9], $0x30, s25, s24, $0xb8;
	[tilespmem:$0xD980] =	vst v63  }
0x7d: {  	_ =	swait.ge [sflag:s21], $0xF00  }
0x7e: {  	s16 =	rddreg [dreg:$0x5];
	[sflag:s21] =	ssyncset.done $0x0  }
0x7f: {  	[sflag:s21] =	ssyncadd.s32 $0xFFFFF100;
	s14 =	sadd.s32 $0x0, s16  }
0x80: {  	[tilespmem:s25], [sflag:$0x6] =	stream.linear.gather [hbm4b:s14+s3], $0x50, $0x38;
	[tilespmem:$0xD980] =	vst v63  }
0x81: {  	s17 =	simm.s32 $0x190  }
0x82: {  	[tilespmem:s26], [sflag:$0x2] =	stream.indirect.gather [hbm4b:s4+s24], $0x30, s17, s24, $0xb8;
	[tilespmem:$0xD980] =	vst v63  }
0x83: {  	_ =	swait.ge [sflag:s9], $0x50  }
0x84: {  	[sflag:s9] =	ssyncset.done $0x0  }
0x85: {  	[sflag:s9] =	ssyncadd.s32 $0xFFFFFFB0  }
0x86: {  	_ =	swait.ge [sflag:s10], $0xF00  }
0x87: {  	[sflag:s10] =	ssyncset.done $0x0  }
0x88: {  	[sflag:s10] =	ssyncadd.s32 $0xFFFFF100  }
0x89: {  	[spmem:s2] =	stream.indirect.scatter.add.f32 [tilespmem:s30], [sflag:$0x9], $0x30, s28, s24, $0xb8;
	[tilespmem:$0xD980] =	vst v63  }
0x8a: {  	_ =	swait.ge [sflag:s21], $0xF00  }
0x8b: {  	s18 =	rddreg [dreg:$0x4];
	[sflag:s21] =	ssyncset.done $0x0  }
0x8c: {  	[sflag:s21] =	ssyncadd.s32 $0xFFFFF100;
	s14 =	sadd.s32 $0x0, s18  }
0x8d: {  	[tilespmem:s28], [sflag:$0x7] =	stream.linear.gather [hbm4b:s14+s3], $0x50, $0x38;
	[tilespmem:$0xD980] =	vst v63  }
0x8e: {  	s19 =	simm.s32 $0x1E0  }
0x8f: {  	[tilespmem:s30], [sflag:$0x3] =	stream.indirect.gather [hbm4b:s4+s24], $0x30, s19, s24, $0xb8;
	[tilespmem:$0xD980] =	vst v63  }
0x90: {  	_ =	swait.ge [sflag:s11], $0x50  }
0x91: {  	[sflag:s11] =	ssyncset.done $0x0  }
0x92: {  	[sflag:s11] =	ssyncadd.s32 $0xFFFFFFB0  }
0x93: {  	_ =	swait.ge [sflag:s12], $0xF00  }
0x94: {  	[sflag:s12] =	ssyncset.done $0x0  }
0x95: {  	[sflag:s12] =	ssyncadd.s32 $0xFFFFF100  }
0x96: {  	[spmem:s2] =	stream.indirect.scatter.add.f32 [tilespmem:s1], [sflag:$0x9], $0x30, s31, s24, $0xb8;
	[tilespmem:$0xD980] =	vst v63  }
0x97: {  	_ =	swait.ge [sflag:s21], $0xF00  }
0x98: {  	s20 =	rddreg [dreg:$0x3];
	[sflag:s21] =	ssyncset.done $0x0  }
0x99: {  	[sflag:s21] =	ssyncadd.s32 $0xFFFFF100;
	s14 =	sadd.s32 $0x0, s20  }
0x9a: {  	[tilespmem:s31], [sflag:$0x8] =	stream.linear.gather [hbm4b:s14+s3], $0x50, $0x38;
	[tilespmem:$0xD980] =	vst v63  }
0x9b: {  	s15 =	simm.s32 $0x28;
	s16 =	simm.s32 $0x370;
	s14 =	simm.s32 $0x230  }
.LBB2_4:
0x9c: {  	[tilespmem:s1], [sflag:$0x4] =	stream.indirect.gather [hbm4b:s4+s24], $0x30, s14, s24, $0xb8;
	[tilespmem:$0xD980] =	vst v63  }
0x9d: {  	_ =	swait.ge [sflag:s29], $0x50  }
0x9e: {  	[sflag:s29] =	ssyncset.done $0x0  }
0x9f: {  	[sflag:s29] =	ssyncadd.s32 $0xFFFFFFB0  }
0xa0: {  	_ =	swait.ge [sflag:s0], $0xF00  }
0xa1: {  	[sflag:s0] =	ssyncset.done $0x0  }
0xa2: {  	[sflag:s0] =	ssyncadd.s32 $0xFFFFF100  }
0xa3: {  	[spmem:s2] =	stream.indirect.scatter.add.f32 [tilespmem:s22], [sflag:$0x9], $0x30, s23, s24, $0xb8;
	[tilespmem:$0xD980] =	vst v63  }
0xa4: {  	_ =	swait.ge [sflag:s21], $0xF00  }
0xa5: {  	s17 =	smov.u32 s15;
	s18 =	rddreg [dreg:$0x6];
	[sflag:s21] =	ssyncset.done $0x0  }
0xa6: {  	[sflag:s21] =	ssyncadd.s32 $0xFFFFF100;
	s18 =	sadd.s32 s17, s18  }
0xa7: {  	[tilespmem:s23], [sflag:$0x5] =	stream.linear.gather [hbm4b:s18+s3], $0x50, $0x38;
	[tilespmem:$0xD980] =	vst v63  }
0xa8: {  	s19 =	sadd.s32 $0xFFFFFF10, s16  }
0xa9: {  	[tilespmem:s22], [sflag:$0x1] =	stream.indirect.gather [hbm4b:s4+s24], $0x30, s19, s24, $0xb8;
	[tilespmem:$0xD980] =	vst v63  }
0xaa: {  	_ =	swait.ge [sflag:s7], $0x50  }
0xab: {  	[sflag:s7] =	ssyncset.done $0x0  }
0xac: {  	[sflag:s7] =	ssyncadd.s32 $0xFFFFFFB0  }
0xad: {  	_ =	swait.ge [sflag:s8], $0xF00  }
0xae: {  	[sflag:s8] =	ssyncset.done $0x0  }
0xaf: {  	[sflag:s8] =	ssyncadd.s32 $0xFFFFF100  }
0xb0: {  	[spmem:s2] =	stream.indirect.scatter.add.f32 [tilespmem:s26], [sflag:$0x9], $0x30, s25, s24, $0xb8;
	[tilespmem:$0xD980] =	vst v63  }
0xb1: {  	_ =	swait.ge [sflag:s21], $0xF00  }
0xb2: {  	s20 =	rddreg [dreg:$0x5];
	[sflag:s21] =	ssyncset.done $0x0  }
0xb3: {  	[sflag:s21] =	ssyncadd.s32 $0xFFFFF100;
	s18 =	sadd.s32 s17, s20  }
0xb4: {  	[tilespmem:s25], [sflag:$0x6] =	stream.linear.gather [hbm4b:s18+s3], $0x50, $0x38;
	[tilespmem:$0xD980] =	vst v63  }
0xb5: {  	s19 =	sadd.s32 $0xFFFFFF60, s16  }
0xb6: {  	[tilespmem:s26], [sflag:$0x2] =	stream.indirect.gather [hbm4b:s4+s24], $0x30, s19, s24, $0xb8;
	[tilespmem:$0xD980] =	vst v63  }
0xb7: {  	_ =	swait.ge [sflag:s9], $0x50  }
0xb8: {  	[sflag:s9] =	ssyncset.done $0x0  }
0xb9: {  	[sflag:s9] =	ssyncadd.s32 $0xFFFFFFB0  }
0xba: {  	_ =	swait.ge [sflag:s10], $0xF00  }
0xbb: {  	[sflag:s10] =	ssyncset.done $0x0  }
0xbc: {  	[sflag:s10] =	ssyncadd.s32 $0xFFFFF100  }
0xbd: {  	[spmem:s2] =	stream.indirect.scatter.add.f32 [tilespmem:s30], [sflag:$0x9], $0x30, s28, s24, $0xb8;
	[tilespmem:$0xD980] =	vst v63  }
0xbe: {  	_ =	swait.ge [sflag:s21], $0xF00  }
0xbf: {  	s20 =	rddreg [dreg:$0x4];
	[sflag:s21] =	ssyncset.done $0x0  }
0xc0: {  	[sflag:s21] =	ssyncadd.s32 $0xFFFFF100;
	s18 =	sadd.s32 s17, s20  }
0xc1: {  	[tilespmem:s28], [sflag:$0x7] =	stream.linear.gather [hbm4b:s18+s3], $0x50, $0x38;
	[tilespmem:$0xD980] =	vst v63  }
0xc2: {  	s19 =	sadd.s32 $0xFFFFFFB0, s16  }
0xc3: {  	[tilespmem:s30], [sflag:$0x3] =	stream.indirect.gather [hbm4b:s4+s24], $0x30, s19, s24, $0xb8;
	[tilespmem:$0xD980] =	vst v63  }
0xc4: {  	_ =	swait.ge [sflag:s11], $0x50  }
0xc5: {  	[sflag:s11] =	ssyncset.done $0x0  }
0xc6: {  	[sflag:s11] =	ssyncadd.s32 $0xFFFFFFB0  }
0xc7: {  	_ =	swait.ge [sflag:s12], $0xF00  }
0xc8: {  	[sflag:s12] =	ssyncset.done $0x0  }
0xc9: {  	p0 =	sne.s32 s15, $0x488;
	[sflag:s12] =	ssyncadd.s32 $0xFFFFF100  }
0xca: {  	[spmem:s2] =	stream.indirect.scatter.add.f32 [tilespmem:s1], [sflag:$0x9], $0x30, s31, s24, $0xb8;
	[tilespmem:$0xD980] =	vst v63  }
.Ltmp1:
0xcb: {  	_ = 	snop;
	(pc) =	sbr.rel @p0 .LBB2_4-.Ltmp1, $4  }
0xcc: {  	s14 =	smov.u32 s16;
	_ =	swait.ge [sflag:s21], $0xF00  }
0xcd: {  	s15 =	sadd.s32 $0x28, s15;
	s20 =	rddreg [dreg:$0x3];
	[sflag:s21] =	ssyncset.done $0x0  }
0xce: {  	s16 =	sadd.s32 $0x140, s16;
	[sflag:s21] =	ssyncadd.s32 $0xFFFFF100;
	s17 =	sadd.s32 s17, s20  }
0xcf: {  	[tilespmem:s31], [sflag:$0x8] =	stream.linear.gather [hbm4b:s17+s3], $0x50, $0x38;
	[tilespmem:$0xD980] =	vst v63  }
0xd0: {  	[tilespmem:s1], [sflag:$0x4] =	stream.indirect.gather [hbm4b:s4+s24], $0x30, s14, s24, $0xb8;
	[tilespmem:$0xD980] =	vst v63  }
0xd1: {  	_ =	swait.ge [sflag:s29], $0x50  }
0xd2: {  	[sflag:s29] =	ssyncset.done $0x0  }
0xd3: {  	[sflag:s29] =	ssyncadd.s32 $0xFFFFFFB0  }
0xd4: {  	_ =	swait.ge [sflag:s0], $0xF00  }
0xd5: {  	[sflag:s0] =	ssyncset.done $0x0  }
0xd6: {  	[sflag:s0] =	ssyncadd.s32 $0xFFFFF100  }
0xd7: {  	[spmem:s2] =	stream.indirect.scatter.add.f32 [tilespmem:s22], [sflag:$0x9], $0x30, s23, s24, $0xb8;
	[tilespmem:$0xD980] =	vst v63  }
0xd8: {  	_ =	swait.ge [sflag:s21], $0xF00  }
0xd9: {  	[sflag:s21] =	ssyncset.done $0x0  }
0xda: {  	[sflag:s21] =	ssyncadd.s32 $0xFFFFF100  }
0xdb: {  	_ =	swait.ge [sflag:s7], $0x50  }
0xdc: {  	[sflag:s7] =	ssyncset.done $0x0  }
0xdd: {  	[sflag:s7] =	ssyncadd.s32 $0xFFFFFFB0  }
0xde: {  	_ =	swait.ge [sflag:s8], $0xF00  }
0xdf: {  	[sflag:s8] =	ssyncset.done $0x0  }
0xe0: {  	[sflag:s8] =	ssyncadd.s32 $0xFFFFF100  }
0xe1: {  	[spmem:s2] =	stream.indirect.scatter.add.f32 [tilespmem:s26], [sflag:$0x9], $0x30, s25, s24, $0xb8;
	[tilespmem:$0xD980] =	vst v63  }
0xe2: {  	_ =	swait.ge [sflag:s21], $0xF00  }
0xe3: {  	[sflag:s21] =	ssyncset.done $0x0  }
0xe4: {  	[sflag:s21] =	ssyncadd.s32 $0xFFFFF100  }
0xe5: {  	_ =	swait.ge [sflag:s9], $0x50  }
0xe6: {  	[sflag:s9] =	ssyncset.done $0x0  }
0xe7: {  	[sflag:s9] =	ssyncadd.s32 $0xFFFFFFB0  }
0xe8: {  	_ =	swait.ge [sflag:s10], $0xF00  }
0xe9: {  	[sflag:s10] =	ssyncset.done $0x0  }
0xea: {  	[sflag:s10] =	ssyncadd.s32 $0xFFFFF100  }
0xeb: {  	[spmem:s2] =	stream.indirect.scatter.add.f32 [tilespmem:s30], [sflag:$0x9], $0x30, s28, s24, $0xb8;
	[tilespmem:$0xD980] =	vst v63  }
0xec: {  	_ =	swait.ge [sflag:s21], $0xF00  }
0xed: {  	[sflag:s21] =	ssyncset.done $0x0  }
0xee: {  	[sflag:s21] =	ssyncadd.s32 $0xFFFFF100  }
0xef: {  	_ =	swait.ge [sflag:s11], $0x50  }
0xf0: {  	[sflag:s11] =	ssyncset.done $0x0  }
0xf1: {  	[sflag:s11] =	ssyncadd.s32 $0xFFFFFFB0  }
0xf2: {  	_ =	swait.ge [sflag:s12], $0xF00  }
0xf3: {  	[sflag:s12] =	ssyncset.done $0x0  }
0xf4: {  	[sflag:s12] =	ssyncadd.s32 $0xFFFFF100  }
0xf5: {  	[spmem:s2] =	stream.indirect.scatter.add.f32 [tilespmem:s1], [sflag:$0x9], $0x30, s31, s24, $0xb8;
	[tilespmem:$0xD980] =	vst v63  }
0xf6: {  	_ =	swait.ge [sflag:s21], $0xF00  }
0xf7: {  	[sflag:s21] =	ssyncset.done $0x0  }
0xf8: {  	s17 =	rddreg [dreg:$0x12];
	[sflag:s21] =	ssyncadd.s32 $0xFFFFF100  }
0xf9: {  	[tilespmem:s23], [sflag:$0x5] =	stream.linear.gather [hbm4b:s17+s3], $0x50, $0x38;
	[tilespmem:$0xD980] =	vst v63  }
0xfa: {  	s18 =	simm.s32 $0x26C0  }
0xfb: {  	[tilespmem:s22], [sflag:$0x1] =	stream.indirect.gather [hbm4b:s4+s24], $0x30, s18, s24, $0xb8;
	[tilespmem:$0xD980] =	vst v63  }
0xfc: {  	_ =	swait.ge [sflag:s29], $0x50  }
0xfd: {  	[sflag:s29] =	ssyncset.done $0x0  }
0xfe: {  	[sflag:s29] =	ssyncadd.s32 $0xFFFFFFB0  }
0xff: {  	_ =	swait.ge [sflag:s0], $0xF00  }
0x100: {  	[sflag:s0] =	ssyncset.done $0x0  }
0x101: {  	[sflag:s0] =	ssyncadd.s32 $0xFFFFF100  }
0x102: {  	[spmem:s2] =	stream.indirect.scatter.add.f32 [tilespmem:s22], [sflag:$0x9], $0x30, s23, s24, $0xb8;
	[tilespmem:$0xD980] =	vst v63  }
0x103: {  	_ =	swait.ge [sflag:s21], $0xF00  }
0x104: {  	[sflag:s21] =	ssyncset.done $0x0  }
0x105: {  	s19 =	stileid.u32;
	[sflag:s21] =	ssyncadd.s32 $0xFFFFF100  }
0x106: {  	s14 =	sshll.u32 s19, $0x6;
	[bflag:$0x0] =	sbarrier.arrive $0xFFFF  }
0x107: {  	s15 =	sshrl.u32 s6, $0x3;
	s14 =	sor.u32 $0x1C09, s14;
	s16 =	rddreg [dreg:$0x13]  }
0x108: {  	[hbm:s16], [sflag:s14] =	dma.local [spmem:s15], $0xEA6  }
0x109: {  	_ =	swait.ge [sflag:s21], $0xEA6  }
0x10a: {  	s13 =	sadd.s32 $0x1, s13;
	s20 =	rddreg [dreg:$0x14]  }
0x10b: {  	p0 =	sne.s32 s13, s20  }
.Ltmp2:
0x10c: {  	_ = 	snop;
	(pc) =	sbr.rel @p0 .LBB2_1-.Ltmp2, $3  }
0x10d: {  	_ =	sdelay $0x1  }
0x10e: {  	[sflag:s21] =	ssyncset.done $0x0  }
0x10f: {  	[sflag:s21] =	ssyncadd.s32 $0xFFFFF15A  }
0x110: {  	_ =	sfence.sel $0x180000  }
0x111: {  	[bflag:$0x0] =	sbarrier.arrive $0xFFFF  }
0x112: {  	_ =	strace $0x9000004A  }
0x113: {  	s0 =	stileid.u32;
	[bflag:$0x2] =	sbarrier.arrive $0xFFFF  }
0x114: {  	p0 =	sne.s32 s0, $0x0;
	s0 =	rddreg [dreg:$0x2]  }
0x115: {  	s0 =	sadd.s32 @!p0 $0x100000, s0  }
0x116: {  	[sflag:s0] =	ssyncadd.tile.s32 @!p0 $0x1;
	_ =	shalt  }
.Lfunc_end2:
_tile_overlayer_lowered:
.L_overlay_start_2:
0x117: {  	(tag) =	ssettag $0x2  }
0x118: {  	s0 =	rddreg [dreg:$0x0];
	s2 =	stileid.u32  }
0x119: {  	s1 =	rddreg [dreg:$0x1];
	p0 =	sne.s32 s2, $0x0  }
0x11a: {  	s3 =	rddreg [dreg:$0x2];
	[bflag:$0x3] =	sbarrier.arrive $0xFFFF;
	s2 =	simm.s32 @!p0 $0x1C09  }
0x11b: {  	[timem:s3], [sflag:s2] =	dma.local @!p0 [hbm:s0], s1  }
0x11c: {  	s0 =	simm.s32 @!p0 $0x9  }
0x11d: {  	_ =	swait.ge @!p0 [sflag:s0], s1  }
0x11e: {  	s1 =	ssub.s32 @!p0 $0x0, s1;
	[sflag:s0] =	ssyncset.done @!p0 $0x0  }
0x11f: {  	[sflag:s0] =	ssyncadd.s32 @!p0 s1  }
0x120: {  	[bflag:$0x3] =	sbarrier.arrive $0xFFFF  }
0x121: {  	_ =	shalt  }

</sc_bundles>
